<compile_context>
chip_gen: v7x
topology: tpu7x:2x2x1
jax: 0.10.2.dev20260603
libtpu: 0.0.44.dev20260713+nightly
codegen_flags: <defaults>
</compile_context>

<pallas_src>
import functools

import jax
import jax.numpy as jnp
from jax import lax
from jax.experimental import pallas as pl
from jax.experimental.pallas import tpu as pltpu
from jax.experimental.pallas import tpu_sc as plsc

AX0, AX1 = 64, 128
D0, D1 = 256, 768
DH = D0 + D1

NC, NS, L = 2, 16, 16
NW = NC * NS


def _make_sc_kernel(n):
    pw = n // NW
    g = 4
    nchunk = pw // g
    mesh = plsc.VectorSubcoreMesh(core_axis_name="c", subcore_axis_name="s")

    @functools.partial(
        pl.kernel,
        mesh=mesh,
        compiler_params=pltpu.CompilerParams(needs_layout_passes=False),
        out_type=jax.ShapeDtypeStruct((n * DH,), jnp.float32),
        scratch_types=[
            pltpu.VMEM((pw,), jnp.int32),
            pltpu.VMEM((pw,), jnp.int32),
            pltpu.VMEM((pw,), jnp.int32),
            pltpu.VMEM((AX0 * D0,), jnp.float32),
            pltpu.VMEM((AX1 * D1,), jnp.float32),
            pltpu.VMEM((2, g * DH), jnp.float32),
            pltpu.SemaphoreType.DMA,
            pltpu.SemaphoreType.DMA,
        ],
    )
    def kern(pos_hbm, w0_hbm, w1_hbm, out_hbm,
             pos_v, a0_v, a1_v, w0t, w1t, stage, gsem, wsem):
        wid = lax.axis_index("s") * NC + lax.axis_index("c")
        base = wid * pw
        pltpu.sync_copy(pos_hbm.at[pl.ds(base, pw)], pos_v)
        tw0 = pltpu.async_copy(w0_hbm, w0t, gsem)
        tw1 = pltpu.async_copy(w1_hbm, w1t, gsem)
        for i in range(pw // L):
            p16 = pos_v[pl.ds(i * L, L)]
            a0_v[pl.ds(i * L, L)] = lax.shift_left(
                lax.shift_right_logical(p16, 7), 8)
            a1_v[pl.ds(i * L, L)] = lax.bitwise_and(p16, 127) * 768
        tw0.wait()
        tw1.wait()

        iota = lax.iota(jnp.int32, L)

        def assemble(c, b):
            for j in range(g):
                q = c * g + j
                qv = jnp.broadcast_to(q, (L,))
                a0 = plsc.load_gather(a0_v, [qv]) + iota
                a1 = plsc.load_gather(a1_v, [qv]) + iota

                @plsc.parallel_loop(0, D0 // L, unroll=16)
                def _(jj, _j=j, _a0=a0):
                    stage[b, pl.ds(_j * DH + jj * L, L)] = (
                        plsc.load_gather(w0t, [_a0 + jj * L]))

                @plsc.parallel_loop(0, D1 // L, unroll=16)
                def _(jj, _j=j, _a1=a1):
                    stage[b, pl.ds(_j * DH + D0 + jj * L, L)] = (
                        plsc.load_gather(w1t, [_a1 + jj * L]))

        def fire_write(c, b):
            pltpu.async_copy(
                stage.at[b],
                out_hbm.at[pl.ds((base + c * g) * DH, g * DH)], wsem)

        def drain_write(c, b):
            pltpu.make_async_copy(
                stage.at[b],
                out_hbm.at[pl.ds((base + c * g) * DH, g * DH)], wsem).wait()

        def body(c0, carry):
            for b in range(2):
                c = c0 + b

                @pl.when(c0 > 0)
                def _():
                    drain_write(c - 2, b)
                assemble(c, b)
                fire_write(c, b)
            return carry

        lax.fori_loop(0, nchunk // 2, lambda i, cr: body(i * 2, cr), 0,
                      unroll=False)
        for b in range(2):
            drain_write(nchunk - 2 + b, b)

    return kern


def kernel(position_ids, w0, w1):
    b, s = position_ids.shape
    n = b * s
    pos = position_ids.reshape(n).astype(jnp.int32)
    w0f = w0.reshape(AX0 * D0)
    w1f = w1.reshape(AX1 * D1)
    out = _make_sc_kernel(n)(pos, w0f, w1f)
    return out.reshape(b, s, DH)

# --- scband reference (transcript-rebuilt; emitter-appended) ---
"""Pipeline reference for scband-axial-position-embeddings-40175124086896 (READ-ONLY COPY).

The authoritative reference and input builder live on the scoring server;
editing this copy changes nothing except your own understanding.
"""

import jax, jax.numpy as jnp
import numpy as np

AX0, AX1 = 64, 128
D0, D1 = 256, 768
B, S = 4, 8192


def setup_inputs(seed: int = 0) -> dict:
    key = jax.random.key(seed)
    k1, k2, k3 = jax.random.split(key, 3)
    position_ids = jax.random.randint(k1, (B, S), 0, AX0 * AX1)
    # learned axial position embedding factors (torch init is ones; use small random for a nontrivial reference)
    w0 = jax.random.normal(k2, (AX0, 1, D0), dtype=jnp.float32) * 0.02
    w1 = jax.random.normal(k3, (1, AX1, D1), dtype=jnp.float32) * 0.02
    return {"position_ids": position_ids, "w0": w0, "w1": w1}


def reference(position_ids, w0, w1):
    # eval-mode branch of AxialPositionEmbeddings.forward
    b, s = position_ids.shape
    hidden = D0 + D1
    bw0 = jnp.broadcast_to(w0[None, :, :, :], (b, AX0, AX1, D0))
    bw1 = jnp.broadcast_to(w1[None, :, :, :], (b, AX0, AX1, D1))
    pe = jnp.concatenate([bw0, bw1], axis=-1)
    pe = pe.reshape(b, -1, hidden)
    # per-batch index_select == batched gather along sequence axis
    out = jnp.take_along_axis(pe, position_ids[:, :, None], axis=1)
    return out

if __name__ == "__main__":
    import jax
    _d = setup_inputs()
    print(jax.jit(kernel)(*tuple(_d.values())))

</pallas_src>

<mosaic_0001>
#map = affine_map<(d0, d1) -> (0)>
module attributes {stable_mosaic.version = 14 : i64} {
  func.func @kern(%arg0: i32, %arg1: i32, %arg2: memref<32768xi32, #tpu.memory_space<hbm>>, %arg3: memref<16384xf32, #tpu.memory_space<hbm>>, %arg4: memref<98304xf32, #tpu.memory_space<hbm>>, %arg5: memref<33554432xf32, #tpu.memory_space<hbm>>, %arg6: memref<1024xi32, #tpu.memory_space<vmem>>, %arg7: memref<1024xi32, #tpu.memory_space<vmem>>, %arg8: memref<1024xi32, #tpu.memory_space<vmem>>, %arg9: memref<16384xf32, #tpu.memory_space<vmem>>, %arg10: memref<98304xf32, #tpu.memory_space<vmem>>, %arg11: memref<2x4096xf32, #tpu.memory_space<vmem>>, %arg12: memref<!tpu.dma_semaphore, #tpu.memory_space<semaphore_mem>>, %arg13: memref<!tpu.dma_semaphore, #tpu.memory_space<semaphore_mem>>) attributes {dimension_semantics = [#tpu.dimension_semantics<core_parallel>, #tpu.dimension_semantics<subcore_parallel>], iteration_bounds = array<i64: 2, 16>, scalar_prefetch = 0 : i64, scratch_operands = 8 : i64, tpu.core_type = #tpu.core_type<sc_vector_subcore>, window_params = [{transform_indices = #map}, {transform_indices = #map}, {transform_indices = #map}, {transform_indices = #map}]} {
    %mul3A = arith.constant 2 : i32
    %mul3A_0 = arith.muli %arg1, %mul3A : i32
    %add3A = arith.addi %mul3A_0, %arg0 : i32
    %mul3A_1 = arith.constant 1024 : i32
    %mul3A_2 = arith.muli %add3A, %mul3A_1 : i32
    "tpu.region"() ({
      %run_scoped3A = tpu.sem_alloc : memref<!tpu.dma_semaphore, #tpu.memory_space<semaphore_mem>>
      %dma_start3A = tpu.memref_slice %arg2[%mul3A_2] : memref<32768xi32, #tpu.memory_space<hbm>> -> memref<1024xi32, #tpu.memory_space<hbm>>
      %dma_start3A_1180 = tpu.memref_slice %arg2[%mul3A_2] : memref<32768xi32, #tpu.memory_space<hbm>> -> memref<1024xi32, #tpu.memory_space<hbm>>
      tpu.enqueue_dma source(%dma_start3A_1180 : memref<1024xi32, #tpu.memory_space<hbm>>) target(%arg6 : memref<1024xi32, #tpu.memory_space<vmem>>) target_semaphore(%run_scoped3A : memref<!tpu.dma_semaphore, #tpu.memory_space<semaphore_mem>>)
      %dma_wait3A_1181 = tpu.memref_slice %arg2[%mul3A_2] : memref<32768xi32, #tpu.memory_space<hbm>> -> memref<1024xi32, #tpu.memory_space<hbm>>
      %dma_wait3A_1182 = tpu.memref_slice %arg2[%mul3A_2] : memref<32768xi32, #tpu.memory_space<hbm>> -> memref<1024xi32, #tpu.memory_space<hbm>>
      tpu.wait_dma2 semaphore(%run_scoped3A : memref<!tpu.dma_semaphore, #tpu.memory_space<semaphore_mem>>) src(%dma_wait3A_1182 : memref<1024xi32, #tpu.memory_space<hbm>>) dst(%arg6 : memref<1024xi32, #tpu.memory_space<vmem>>)
      tpu.yield
    }) : () -> ()
    tpu.enqueue_dma source(%arg3 : memref<16384xf32, #tpu.memory_space<hbm>>) target(%arg9 : memref<16384xf32, #tpu.memory_space<vmem>>) target_semaphore(%arg12 : memref<!tpu.dma_semaphore, #tpu.memory_space<semaphore_mem>>)
    tpu.enqueue_dma source(%arg4 : memref<98304xf32, #tpu.memory_space<hbm>>) target(%arg10 : memref<98304xf32, #tpu.memory_space<vmem>>) target_semaphore(%arg12 : memref<!tpu.dma_semaphore, #tpu.memory_space<semaphore_mem>>)
    %get3A = arith.constant 0 : index
    %get3A_3 = tpu.vector_load %arg6[%get3A] {strides = array<i32>} : memref<1024xi32, #tpu.memory_space<vmem>>, vector<16xi32>,
    %shift_right_logical3A = arith.constant 7 : i32
    %shift_right_logical3A_4 = vector.broadcast %shift_right_logical3A : i32 to vector<16xi32>
    %shift_right_logical3A_5 = arith.shrui %get3A_3, %shift_right_logical3A_4 : vector<16xi32>
    %shift_left3A = arith.constant 8 : i32
    %shift_left3A_6 = vector.broadcast %shift_left3A : i32 to vector<16xi32>
    %shift_left3A_7 = arith.shli %shift_right_logical3A_5, %shift_left3A_6 : vector<16xi32>
    %swap3A = arith.constant 0 : index
    %swap3A_8 = tpu.vector_load %arg7[%swap3A] {strides = array<i32>} : memref<1024xi32, #tpu.memory_space<vmem>>, vector<16xi32>,
    tpu.vector_store %arg7[%swap3A], %shift_left3A_7 {strides = array<i32>} : memref<1024xi32, #tpu.memory_space<vmem>>, vector<16xi32>,
    %and3A = arith.constant 127 : i32
    %and3A_9 = vector.broadcast %and3A : i32 to vector<16xi32>
    %and3A_10 = arith.andi %get3A_3, %and3A_9 : vector<16xi32>
    %mul3A_11 = arith.constant 768 : i32
    %mul3A_12 = vector.broadcast %mul3A_11 : i32 to vector<16xi32>
    %mul3A_13 = arith.muli %and3A_10, %mul3A_12 : vector<16xi32>
    %swap3A_14 = arith.constant 0 : index
    %swap3A_15 = tpu.vector_load %arg8[%swap3A_14] {strides = array<i32>} : memref<1024xi32, #tpu.memory_space<vmem>>, vector<16xi32>,
    tpu.vector_store %arg8[%swap3A_14], %mul3A_13 {strides = array<i32>} : memref<1024xi32, #tpu.memory_space<vmem>>, vector<16xi32>,
    %get3A_16 = arith.constant 16 : index
    %get3A_17 = tpu.vector_load %arg6[%get3A_16] {strides = array<i32>} : memref<1024xi32, #tpu.memory_space<vmem>>, vector<16xi32>,
    %shift_right_logical3A_18 = arith.constant 7 : i32
    %shift_right_logical3A_19 = vector.broadcast %shift_right_logical3A_18 : i32 to vector<16xi32>
    %shift_right_logical3A_20 = arith.shrui %get3A_17, %shift_right_logical3A_19 : vector<16xi32>
    %shift_left3A_21 = arith.constant 8 : i32
    %shift_left3A_22 = vector.broadcast %shift_left3A_21 : i32 to vector<16xi32>
    %shift_left3A_23 = arith.shli %shift_right_logical3A_20, %shift_left3A_22 : vector<16xi32>
    %swap3A_24 = arith.constant 16 : index
    %swap3A_25 = tpu.vector_load %arg7[%swap3A_24] {strides = array<i32>} : memref<1024xi32, #tpu.memory_space<vmem>>, vector<16xi32>,
    tpu.vector_store %arg7[%swap3A_24], %shift_left3A_23 {strides = array<i32>} : memref<1024xi32, #tpu.memory_space<vmem>>, vector<16xi32>,
    %and3A_26 = arith.constant 127 : i32
    %and3A_27 = vector.broadcast %and3A_26 : i32 to vector<16xi32>
    %and3A_28 = arith.andi %get3A_17, %and3A_27 : vector<16xi32>
    %mul3A_29 = arith.constant 768 : i32
    %mul3A_30 = vector.broadcast %mul3A_29 : i32 to vector<16xi32>
    %mul3A_31 = arith.muli %and3A_28, %mul3A_30 : vector<16xi32>
    %swap3A_32 = arith.constant 16 : index
    %swap3A_33 = tpu.vector_load %arg8[%swap3A_32] {strides = array<i32>} : memref<1024xi32, #tpu.memory_space<vmem>>, vector<16xi32>,
    tpu.vector_store %arg8[%swap3A_32], %mul3A_31 {strides = array<i32>} : memref<1024xi32, #tpu.memory_space<vmem>>, vector<16xi32>,
    %get3A_34 = arith.constant 32 : index
    %get3A_35 = tpu.vector_load %arg6[%get3A_34] {strides = array<i32>} : memref<1024xi32, #tpu.memory_space<vmem>>, vector<16xi32>,
    %shift_right_logical3A_36 = arith.constant 7 : i32
    %shift_right_logical3A_37 = vector.broadcast %shift_right_logical3A_36 : i32 to vector<16xi32>
    %shift_right_logical3A_38 = arith.shrui %get3A_35, %shift_right_logical3A_37 : vector<16xi32>
    %shift_left3A_39 = arith.constant 8 : i32
    %shift_left3A_40 = vector.broadcast %shift_left3A_39 : i32 to vector<16xi32>
    %shift_left3A_41 = arith.shli %shift_right_logical3A_38, %shift_left3A_40 : vector<16xi32>
    %swap3A_42 = arith.constant 32 : index
    %swap3A_43 = tpu.vector_load %arg7[%swap3A_42] {strides = array<i32>} : memref<1024xi32, #tpu.memory_space<vmem>>, vector<16xi32>,
    tpu.vector_store %arg7[%swap3A_42], %shift_left3A_41 {strides = array<i32>} : memref<1024xi32, #tpu.memory_space<vmem>>, vector<16xi32>,
    %and3A_44 = arith.constant 127 : i32
    %and3A_45 = vector.broadcast %and3A_44 : i32 to vector<16xi32>
    %and3A_46 = arith.andi %get3A_35, %and3A_45 : vector<16xi32>
    %mul3A_47 = arith.constant 768 : i32
    %mul3A_48 = vector.broadcast %mul3A_47 : i32 to vector<16xi32>
    %mul3A_49 = arith.muli %and3A_46, %mul3A_48 : vector<16xi32>
    %swap3A_50 = arith.constant 32 : index
    %swap3A_51 = tpu.vector_load %arg8[%swap3A_50] {strides = array<i32>} : memref<1024xi32, #tpu.memory_space<vmem>>, vector<16xi32>,
    tpu.vector_store %arg8[%swap3A_50], %mul3A_49 {strides = array<i32>} : memref<1024xi32, #tpu.memory_space<vmem>>, vector<16xi32>,
    %get3A_52 = arith.constant 48 : index
    %get3A_53 = tpu.vector_load %arg6[%get3A_52] {strides = array<i32>} : memref<1024xi32, #tpu.memory_space<vmem>>, vector<16xi32>,
    %shift_right_logical3A_54 = arith.constant 7 : i32
    %shift_right_logical3A_55 = vector.broadcast %shift_right_logical3A_54 : i32 to vector<16xi32>
    %shift_right_logical3A_56 = arith.shrui %get3A_53, %shift_right_logical3A_55 : vector<16xi32>
    %shift_left3A_57 = arith.constant 8 : i32
    %shift_left3A_58 = vector.broadcast %shift_left3A_57 : i32 to vector<16xi32>
    %shift_left3A_59 = arith.shli %shift_right_logical3A_56, %shift_left3A_58 : vector<16xi32>
    %swap3A_60 = arith.constant 48 : index
    %swap3A_61 = tpu.vector_load %arg7[%swap3A_60] {strides = array<i32>} : memref<1024xi32, #tpu.memory_space<vmem>>, vector<16xi32>,
    tpu.vector_store %arg7[%swap3A_60], %shift_left3A_59 {strides = array<i32>} : memref<1024xi32, #tpu.memory_space<vmem>>, vector<16xi32>,
    %and3A_62 = arith.constant 127 : i32
    %and3A_63 = vector.broadcast %and3A_62 : i32 to vector<16xi32>
    %and3A_64 = arith.andi %get3A_53, %and3A_63 : vector<16xi32>
    %mul3A_65 = arith.constant 768 : i32
    %mul3A_66 = vector.broadcast %mul3A_65 : i32 to vector<16xi32>
    %mul3A_67 = arith.muli %and3A_64, %mul3A_66 : vector<16xi32>
    %swap3A_68 = arith.constant 48 : index
    %swap3A_69 = tpu.vector_load %arg8[%swap3A_68] {strides = array<i32>} : memref<1024xi32, #tpu.memory_space<vmem>>, vector<16xi32>,
    tpu.vector_store %arg8[%swap3A_68], %mul3A_67 {strides = array<i32>} : memref<1024xi32, #tpu.memory_space<vmem>>, vector<16xi32>,
    %get3A_70 = arith.constant 64 : index
    %get3A_71 = tpu.vector_load %arg6[%get3A_70] {strides = array<i32>} : memref<1024xi32, #tpu.memory_space<vmem>>, vector<16xi32>,
    %shift_right_logical3A_72 = arith.constant 7 : i32
    %shift_right_logical3A_73 = vector.broadcast %shift_right_logical3A_72 : i32 to vector<16xi32>
    %shift_right_logical3A_74 = arith.shrui %get3A_71, %shift_right_logical3A_73 : vector<16xi32>
    %shift_left3A_75 = arith.constant 8 : i32
    %shift_left3A_76 = vector.broadcast %shift_left3A_75 : i32 to vector<16xi32>
    %shift_left3A_77 = arith.shli %shift_right_logical3A_74, %shift_left3A_76 : vector<16xi32>
    %swap3A_78 = arith.constant 64 : index
    %swap3A_79 = tpu.vector_load %arg7[%swap3A_78] {strides = array<i32>} : memref<1024xi32, #tpu.memory_space<vmem>>, vector<16xi32>,
    tpu.vector_store %arg7[%swap3A_78], %shift_left3A_77 {strides = array<i32>} : memref<1024xi32, #tpu.memory_space<vmem>>, vector<16xi32>,
    %and3A_80 = arith.constant 127 : i32
    %and3A_81 = vector.broadcast %and3A_80 : i32 to vector<16xi32>
    %and3A_82 = arith.andi %get3A_71, %and3A_81 : vector<16xi32>
    %mul3A_83 = arith.constant 768 : i32
    %mul3A_84 = vector.broadcast %mul3A_83 : i32 to vector<16xi32>
    %mul3A_85 = arith.muli %and3A_82, %mul3A_84 : vector<16xi32>
    %swap3A_86 = arith.constant 64 : index
    %swap3A_87 = tpu.vector_load %arg8[%swap3A_86] {strides = array<i32>} : memref<1024xi32, #tpu.memory_space<vmem>>, vector<16xi32>,
    tpu.vector_store %arg8[%swap3A_86], %mul3A_85 {strides = array<i32>} : memref<1024xi32, #tpu.memory_space<vmem>>, vector<16xi32>,
    %get3A_88 = arith.constant 80 : index
    %get3A_89 = tpu.vector_load %arg6[%get3A_88] {strides = array<i32>} : memref<1024xi32, #tpu.memory_space<vmem>>, vector<16xi32>,
    %shift_right_logical3A_90 = arith.constant 7 : i32
    %shift_right_logical3A_91 = vector.broadcast %shift_right_logical3A_90 : i32 to vector<16xi32>
    %shift_right_logical3A_92 = arith.shrui %get3A_89, %shift_right_logical3A_91 : vector<16xi32>
    %shift_left3A_93 = arith.constant 8 : i32
    %shift_left3A_94 = vector.broadcast %shift_left3A_93 : i32 to vector<16xi32>
    %shift_left3A_95 = arith.shli %shift_right_logical3A_92, %shift_left3A_94 : vector<16xi32>
    %swap3A_96 = arith.constant 80 : index
    %swap3A_97 = tpu.vector_load %arg7[%swap3A_96] {strides = array<i32>} : memref<1024xi32, #tpu.memory_space<vmem>>, vector<16xi32>,
    tpu.vector_store %arg7[%swap3A_96], %shift_left3A_95 {strides = array<i32>} : memref<1024xi32, #tpu.memory_space<vmem>>, vector<16xi32>,
    %and3A_98 = arith.constant 127 : i32
    %and3A_99 = vector.broadcast %and3A_98 : i32 to vector<16xi32>
    %and3A_100 = arith.andi %get3A_89, %and3A_99 : vector<16xi32>
    %mul3A_101 = arith.constant 768 : i32
    %mul3A_102 = vector.broadcast %mul3A_101 : i32 to vector<16xi32>
    %mul3A_103 = arith.muli %and3A_100, %mul3A_102 : vector<16xi32>
    %swap3A_104 = arith.constant 80 : index
    %swap3A_105 = tpu.vector_load %arg8[%swap3A_104] {strides = array<i32>} : memref<1024xi32, #tpu.memory_space<vmem>>, vector<16xi32>,
    tpu.vector_store %arg8[%swap3A_104], %mul3A_103 {strides = array<i32>} : memref<1024xi32, #tpu.memory_space<vmem>>, vector<16xi32>,
    %get3A_106 = arith.constant 96 : index
    %get3A_107 = tpu.vector_load %arg6[%get3A_106] {strides = array<i32>} : memref<1024xi32, #tpu.memory_space<vmem>>, vector<16xi32>,
    %shift_right_logical3A_108 = arith.constant 7 : i32
    %shift_right_logical3A_109 = vector.broadcast %shift_right_logical3A_108 : i32 to vector<16xi32>
    %shift_right_logical3A_110 = arith.shrui %get3A_107, %shift_right_logical3A_109 : vector<16xi32>
    %shift_left3A_111 = arith.constant 8 : i32
    %shift_left3A_112 = vector.broadcast %shift_left3A_111 : i32 to vector<16xi32>
    %shift_left3A_113 = arith.shli %shift_right_logical3A_110, %shift_left3A_112 : vector<16xi32>
    %swap3A_114 = arith.constant 96 : index
    %swap3A_115 = tpu.vector_load %arg7[%swap3A_114] {strides = array<i32>} : memref<1024xi32, #tpu.memory_space<vmem>>, vector<16xi32>,
    tpu.vector_store %arg7[%swap3A_114], %shift_left3A_113 {strides = array<i32>} : memref<1024xi32, #tpu.memory_space<vmem>>, vector<16xi32>,
    %and3A_116 = arith.constant 127 : i32
    %and3A_117 = vector.broadcast %and3A_116 : i32 to vector<16xi32>
    %and3A_118 = arith.andi %get3A_107, %and3A_117 : vector<16xi32>
    %mul3A_119 = arith.constant 768 : i32
    %mul3A_120 = vector.broadcast %mul3A_119 : i32 to vector<16xi32>
    %mul3A_121 = arith.muli %and3A_118, %mul3A_120 : vector<16xi32>
    %swap3A_122 = arith.constant 96 : index
    %swap3A_123 = tpu.vector_load %arg8[%swap3A_122] {strides = array<i32>} : memref<1024xi32, #tpu.memory_space<vmem>>, vector<16xi32>,
    tpu.vector_store %arg8[%swap3A_122], %mul3A_121 {strides = array<i32>} : memref<1024xi32, #tpu.memory_space<vmem>>, vector<16xi32>,
    %get3A_124 = arith.constant 112 : index
    %get3A_125 = tpu.vector_load %arg6[%get3A_124] {strides = array<i32>} : memref<1024xi32, #tpu.memory_space<vmem>>, vector<16xi32>,
    %shift_right_logical3A_126 = arith.constant 7 : i32
    %shift_right_logical3A_127 = vector.broadcast %shift_right_logical3A_126 : i32 to vector<16xi32>
    %shift_right_logical3A_128 = arith.shrui %get3A_125, %shift_right_logical3A_127 : vector<16xi32>
    %shift_left3A_129 = arith.constant 8 : i32
    %shift_left3A_130 = vector.broadcast %shift_left3A_129 : i32 to vector<16xi32>
    %shift_left3A_131 = arith.shli %shift_right_logical3A_128, %shift_left3A_130 : vector<16xi32>
    %swap3A_132 = arith.constant 112 : index
    %swap3A_133 = tpu.vector_load %arg7[%swap3A_132] {strides = array<i32>} : memref<1024xi32, #tpu.memory_space<vmem>>, vector<16xi32>,
    tpu.vector_store %arg7[%swap3A_132], %shift_left3A_131 {strides = array<i32>} : memref<1024xi32, #tpu.memory_space<vmem>>, vector<16xi32>,
    %and3A_134 = arith.constant 127 : i32
    %and3A_135 = vector.broadcast %and3A_134 : i32 to vector<16xi32>
    %and3A_136 = arith.andi %get3A_125, %and3A_135 : vector<16xi32>
    %mul3A_137 = arith.constant 768 : i32
    %mul3A_138 = vector.broadcast %mul3A_137 : i32 to vector<16xi32>
    %mul3A_139 = arith.muli %and3A_136, %mul3A_138 : vector<16xi32>
    %swap3A_140 = arith.constant 112 : index
    %swap3A_141 = tpu.vector_load %arg8[%swap3A_140] {strides = array<i32>} : memref<1024xi32, #tpu.memory_space<vmem>>, vector<16xi32>,
    tpu.vector_store %arg8[%swap3A_140], %mul3A_139 {strides = array<i32>} : memref<1024xi32, #tpu.memory_space<vmem>>, vector<16xi32>,
    %get3A_142 = arith.constant 128 : index
    %get3A_143 = tpu.vector_load %arg6[%get3A_142] {strides = array<i32>} : memref<1024xi32, #tpu.memory_space<vmem>>, vector<16xi32>,
    %shift_right_logical3A_144 = arith.constant 7 : i32
    %shift_right_logical3A_145 = vector.broadcast %shift_right_logical3A_144 : i32 to vector<16xi32>
    %shift_right_logical3A_146 = arith.shrui %get3A_143, %shift_right_logical3A_145 : vector<16xi32>
    %shift_left3A_147 = arith.constant 8 : i32
    %shift_left3A_148 = vector.broadcast %shift_left3A_147 : i32 to vector<16xi32>
    %shift_left3A_149 = arith.shli %shift_right_logical3A_146, %shift_left3A_148 : vector<16xi32>
    %swap3A_150 = arith.constant 128 : index
    %swap3A_151 = tpu.vector_load %arg7[%swap3A_150] {strides = array<i32>} : memref<1024xi32, #tpu.memory_space<vmem>>, vector<16xi32>,
    tpu.vector_store %arg7[%swap3A_150], %shift_left3A_149 {strides = array<i32>} : memref<1024xi32, #tpu.memory_space<vmem>>, vector<16xi32>,
    %and3A_152 = arith.constant 127 : i32
    %and3A_153 = vector.broadcast %and3A_152 : i32 to vector<16xi32>
    %and3A_154 = arith.andi %get3A_143, %and3A_153 : vector<16xi32>
    %mul3A_155 = arith.constant 768 : i32
    %mul3A_156 = vector.broadcast %mul3A_155 : i32 to vector<16xi32>
    %mul3A_157 = arith.muli %and3A_154, %mul3A_156 : vector<16xi32>
    %swap3A_158 = arith.constant 128 : index
    %swap3A_159 = tpu.vector_load %arg8[%swap3A_158] {strides = array<i32>} : memref<1024xi32, #tpu.memory_space<vmem>>, vector<16xi32>,
    tpu.vector_store %arg8[%swap3A_158], %mul3A_157 {strides = array<i32>} : memref<1024xi32, #tpu.memory_space<vmem>>, vector<16xi32>,
    %get3A_160 = arith.constant 144 : index
    %get3A_161 = tpu.vector_load %arg6[%get3A_160] {strides = array<i32>} : memref<1024xi32, #tpu.memory_space<vmem>>, vector<16xi32>,
    %shift_right_logical3A_162 = arith.constant 7 : i32
    %shift_right_logical3A_163 = vector.broadcast %shift_right_logical3A_162 : i32 to vector<16xi32>
    %shift_right_logical3A_164 = arith.shrui %get3A_161, %shift_right_logical3A_163 : vector<16xi32>
    %shift_left3A_165 = arith.constant 8 : i32
    %shift_left3A_166 = vector.broadcast %shift_left3A_165 : i32 to vector<16xi32>
    %shift_left3A_167 = arith.shli %shift_right_logical3A_164, %shift_left3A_166 : vector<16xi32>
    %swap3A_168 = arith.constant 144 : index
    %swap3A_169 = tpu.vector_load %arg7[%swap3A_168] {strides = array<i32>} : memref<1024xi32, #tpu.memory_space<vmem>>, vector<16xi32>,
    tpu.vector_store %arg7[%swap3A_168], %shift_left3A_167 {strides = array<i32>} : memref<1024xi32, #tpu.memory_space<vmem>>, vector<16xi32>,
    %and3A_170 = arith.constant 127 : i32
    %and3A_171 = vector.broadcast %and3A_170 : i32 to vector<16xi32>
    %and3A_172 = arith.andi %get3A_161, %and3A_171 : vector<16xi32>
    %mul3A_173 = arith.constant 768 : i32
    %mul3A_174 = vector.broadcast %mul3A_173 : i32 to vector<16xi32>
    %mul3A_175 = arith.muli %and3A_172, %mul3A_174 : vector<16xi32>
    %swap3A_176 = arith.constant 144 : index
    %swap3A_177 = tpu.vector_load %arg8[%swap3A_176] {strides = array<i32>} : memref<1024xi32, #tpu.memory_space<vmem>>, vector<16xi32>,
    tpu.vector_store %arg8[%swap3A_176], %mul3A_175 {strides = array<i32>} : memref<1024xi32, #tpu.memory_space<vmem>>, vector<16xi32>,
    %get3A_178 = arith.constant 160 : index
    %get3A_179 = tpu.vector_load %arg6[%get3A_178] {strides = array<i32>} : memref<1024xi32, #tpu.memory_space<vmem>>, vector<16xi32>,
    %shift_right_logical3A_180 = arith.constant 7 : i32
    %shift_right_logical3A_181 = vector.broadcast %shift_right_logical3A_180 : i32 to vector<16xi32>
    %shift_right_logical3A_182 = arith.shrui %get3A_179, %shift_right_logical3A_181 : vector<16xi32>
    %shift_left3A_183 = arith.constant 8 : i32
    %shift_left3A_184 = vector.broadcast %shift_left3A_183 : i32 to vector<16xi32>
    %shift_left3A_185 = arith.shli %shift_right_logical3A_182, %shift_left3A_184 : vector<16xi32>
    %swap3A_186 = arith.constant 160 : index
    %swap3A_187 = tpu.vector_load %arg7[%swap3A_186] {strides = array<i32>} : memref<1024xi32, #tpu.memory_space<vmem>>, vector<16xi32>,
    tpu.vector_store %arg7[%swap3A_186], %shift_left3A_185 {strides = array<i32>} : memref<1024xi32, #tpu.memory_space<vmem>>, vector<16xi32>,
    %and3A_188 = arith.constant 127 : i32
    %and3A_189 = vector.broadcast %and3A_188 : i32 to vector<16xi32>
    %and3A_190 = arith.andi %get3A_179, %and3A_189 : vector<16xi32>
    %mul3A_191 = arith.constant 768 : i32
    %mul3A_192 = vector.broadcast %mul3A_191 : i32 to vector<16xi32>
    %mul3A_193 = arith.muli %and3A_190, %mul3A_192 : vector<16xi32>
    %swap3A_194 = arith.constant 160 : index
    %swap3A_195 = tpu.vector_load %arg8[%swap3A_194] {strides = array<i32>} : memref<1024xi32, #tpu.memory_space<vmem>>, vector<16xi32>,
    tpu.vector_store %arg8[%swap3A_194], %mul3A_193 {strides = array<i32>} : memref<1024xi32, #tpu.memory_space<vmem>>, vector<16xi32>,
    %get3A_196 = arith.constant 176 : index
    %get3A_197 = tpu.vector_load %arg6[%get3A_196] {strides = array<i32>} : memref<1024xi32, #tpu.memory_space<vmem>>, vector<16xi32>,
    %shift_right_logical3A_198 = arith.constant 7 : i32
    %shift_right_logical3A_199 = vector.broadcast %shift_right_logical3A_198 : i32 to vector<16xi32>
    %shift_right_logical3A_200 = arith.shrui %get3A_197, %shift_right_logical3A_199 : vector<16xi32>
    %shift_left3A_201 = arith.constant 8 : i32
    %shift_left3A_202 = vector.broadcast %shift_left3A_201 : i32 to vector<16xi32>
    %shift_left3A_203 = arith.shli %shift_right_logical3A_200, %shift_left3A_202 : vector<16xi32>
    %swap3A_204 = arith.constant 176 : index
    %swap3A_205 = tpu.vector_load %arg7[%swap3A_204] {strides = array<i32>} : memref<1024xi32, #tpu.memory_space<vmem>>, vector<16xi32>,
    tpu.vector_store %arg7[%swap3A_204], %shift_left3A_203 {strides = array<i32>} : memref<1024xi32, #tpu.memory_space<vmem>>, vector<16xi32>,
    %and3A_206 = arith.constant 127 : i32
    %and3A_207 = vector.broadcast %and3A_206 : i32 to vector<16xi32>
    %and3A_208 = arith.andi %get3A_197, %and3A_207 : vector<16xi32>
    %mul3A_209 = arith.constant 768 : i32
    %mul3A_210 = vector.broadcast %mul3A_209 : i32 to vector<16xi32>
    %mul3A_211 = arith.muli %and3A_208, %mul3A_210 : vector<16xi32>
    %swap3A_212 = arith.constant 176 : index
    %swap3A_213 = tpu.vector_load %arg8[%swap3A_212] {strides = array<i32>} : memref<1024xi32, #tpu.memory_space<vmem>>, vector<16xi32>,
    tpu.vector_store %arg8[%swap3A_212], %mul3A_211 {strides = array<i32>} : memref<1024xi32, #tpu.memory_space<vmem>>, vector<16xi32>,
    %get3A_214 = arith.constant 192 : index
    %get3A_215 = tpu.vector_load %arg6[%get3A_214] {strides = array<i32>} : memref<1024xi32, #tpu.memory_space<vmem>>, vector<16xi32>,
    %shift_right_logical3A_216 = arith.constant 7 : i32
    %shift_right_logical3A_217 = vector.broadcast %shift_right_logical3A_216 : i32 to vector<16xi32>
    %shift_right_logical3A_218 = arith.shrui %get3A_215, %shift_right_logical3A_217 : vector<16xi32>
    %shift_left3A_219 = arith.constant 8 : i32
    %shift_left3A_220 = vector.broadcast %shift_left3A_219 : i32 to vector<16xi32>
    %shift_left3A_221 = arith.shli %shift_right_logical3A_218, %shift_left3A_220 : vector<16xi32>
    %swap3A_222 = arith.constant 192 : index
    %swap3A_223 = tpu.vector_load %arg7[%swap3A_222] {strides = array<i32>} : memref<1024xi32, #tpu.memory_space<vmem>>, vector<16xi32>,
    tpu.vector_store %arg7[%swap3A_222], %shift_left3A_221 {strides = array<i32>} : memref<1024xi32, #tpu.memory_space<vmem>>, vector<16xi32>,
    %and3A_224 = arith.constant 127 : i32
    %and3A_225 = vector.broadcast %and3A_224 : i32 to vector<16xi32>
    %and3A_226 = arith.andi %get3A_215, %and3A_225 : vector<16xi32>
    %mul3A_227 = arith.constant 768 : i32
    %mul3A_228 = vector.broadcast %mul3A_227 : i32 to vector<16xi32>
    %mul3A_229 = arith.muli %and3A_226, %mul3A_228 : vector<16xi32>
    %swap3A_230 = arith.constant 192 : index
    %swap3A_231 = tpu.vector_load %arg8[%swap3A_230] {strides = array<i32>} : memref<1024xi32, #tpu.memory_space<vmem>>, vector<16xi32>,
    tpu.vector_store %arg8[%swap3A_230], %mul3A_229 {strides = array<i32>} : memref<1024xi32, #tpu.memory_space<vmem>>, vector<16xi32>,
    %get3A_232 = arith.constant 208 : index
    %get3A_233 = tpu.vector_load %arg6[%get3A_232] {strides = array<i32>} : memref<1024xi32, #tpu.memory_space<vmem>>, vector<16xi32>,
    %shift_right_logical3A_234 = arith.constant 7 : i32
    %shift_right_logical3A_235 = vector.broadcast %shift_right_logical3A_234 : i32 to vector<16xi32>
    %shift_right_logical3A_236 = arith.shrui %get3A_233, %shift_right_logical3A_235 : vector<16xi32>
    %shift_left3A_237 = arith.constant 8 : i32
    %shift_left3A_238 = vector.broadcast %shift_left3A_237 : i32 to vector<16xi32>
    %shift_left3A_239 = arith.shli %shift_right_logical3A_236, %shift_left3A_238 : vector<16xi32>
    %swap3A_240 = arith.constant 208 : index
    %swap3A_241 = tpu.vector_load %arg7[%swap3A_240] {strides = array<i32>} : memref<1024xi32, #tpu.memory_space<vmem>>, vector<16xi32>,
    tpu.vector_store %arg7[%swap3A_240], %shift_left3A_239 {strides = array<i32>} : memref<1024xi32, #tpu.memory_space<vmem>>, vector<16xi32>,
    %and3A_242 = arith.constant 127 : i32
    %and3A_243 = vector.broadcast %and3A_242 : i32 to vector<16xi32>
    %and3A_244 = arith.andi %get3A_233, %and3A_243 : vector<16xi32>
    %mul3A_245 = arith.constant 768 : i32
    %mul3A_246 = vector.broadcast %mul3A_245 : i32 to vector<16xi32>
    %mul3A_247 = arith.muli %and3A_244, %mul3A_246 : vector<16xi32>
    %swap3A_248 = arith.constant 208 : index
    %swap3A_249 = tpu.vector_load %arg8[%swap3A_248] {strides = array<i32>} : memref<1024xi32, #tpu.memory_space<vmem>>, vector<16xi32>,
    tpu.vector_store %arg8[%swap3A_248], %mul3A_247 {strides = array<i32>} : memref<1024xi32, #tpu.memory_space<vmem>>, vector<16xi32>,
    %get3A_250 = arith.constant 224 : index
    %get3A_251 = tpu.vector_load %arg6[%get3A_250] {strides = array<i32>} : memref<1024xi32, #tpu.memory_space<vmem>>, vector<16xi32>,
    %shift_right_logical3A_252 = arith.constant 7 : i32
    %shift_right_logical3A_253 = vector.broadcast %shift_right_logical3A_252 : i32 to vector<16xi32>
    %shift_right_logical3A_254 = arith.shrui %get3A_251, %shift_right_logical3A_253 : vector<16xi32>
    %shift_left3A_255 = arith.constant 8 : i32
    %shift_left3A_256 = vector.broadcast %shift_left3A_255 : i32 to vector<16xi32>
    %shift_left3A_257 = arith.shli %shift_right_logical3A_254, %shift_left3A_256 : vector<16xi32>
    %swap3A_258 = arith.constant 224 : index
    %swap3A_259 = tpu.vector_load %arg7[%swap3A_258] {strides = array<i32>} : memref<1024xi32, #tpu.memory_space<vmem>>, vector<16xi32>,
    tpu.vector_store %arg7[%swap3A_258], %shift_left3A_257 {strides = array<i32>} : memref<1024xi32, #tpu.memory_space<vmem>>, vector<16xi32>,
    %and3A_260 = arith.constant 127 : i32
    %and3A_261 = vector.broadcast %and3A_260 : i32 to vector<16xi32>
    %and3A_262 = arith.andi %get3A_251, %and3A_261 : vector<16xi32>
    %mul3A_263 = arith.constant 768 : i32
    %mul3A_264 = vector.broadcast %mul3A_263 : i32 to vector<16xi32>
    %mul3A_265 = arith.muli %and3A_262, %mul3A_264 : vector<16xi32>
    %swap3A_266 = arith.constant 224 : index
    %swap3A_267 = tpu.vector_load %arg8[%swap3A_266] {strides = array<i32>} : memref<1024xi32, #tpu.memory_space<vmem>>, vector<16xi32>,
    tpu.vector_store %arg8[%swap3A_266], %mul3A_265 {strides = array<i32>} : memref<1024xi32, #tpu.memory_space<vmem>>, vector<16xi32>,
    %get3A_268 = arith.constant 240 : index
    %get3A_269 = tpu.vector_load %arg6[%get3A_268] {strides = array<i32>} : memref<1024xi32, #tpu.memory_space<vmem>>, vector<16xi32>,
    %shift_right_logical3A_270 = arith.constant 7 : i32
    %shift_right_logical3A_271 = vector.broadcast %shift_right_logical3A_270 : i32 to vector<16xi32>
    %shift_right_logical3A_272 = arith.shrui %get3A_269, %shift_right_logical3A_271 : vector<16xi32>
    %shift_left3A_273 = arith.constant 8 : i32
    %shift_left3A_274 = vector.broadcast %shift_left3A_273 : i32 to vector<16xi32>
    %shift_left3A_275 = arith.shli %shift_right_logical3A_272, %shift_left3A_274 : vector<16xi32>
    %swap3A_276 = arith.constant 240 : index
    %swap3A_277 = tpu.vector_load %arg7[%swap3A_276] {strides = array<i32>} : memref<1024xi32, #tpu.memory_space<vmem>>, vector<16xi32>,
    tpu.vector_store %arg7[%swap3A_276], %shift_left3A_275 {strides = array<i32>} : memref<1024xi32, #tpu.memory_space<vmem>>, vector<16xi32>,
    %and3A_278 = arith.constant 127 : i32
    %and3A_279 = vector.broadcast %and3A_278 : i32 to vector<16xi32>
    %and3A_280 = arith.andi %get3A_269, %and3A_279 : vector<16xi32>
    %mul3A_281 = arith.constant 768 : i32
    %mul3A_282 = vector.broadcast %mul3A_281 : i32 to vector<16xi32>
    %mul3A_283 = arith.muli %and3A_280, %mul3A_282 : vector<16xi32>
    %swap3A_284 = arith.constant 240 : index
    %swap3A_285 = tpu.vector_load %arg8[%swap3A_284] {strides = array<i32>} : memref<1024xi32, #tpu.memory_space<vmem>>, vector<16xi32>,
    tpu.vector_store %arg8[%swap3A_284], %mul3A_283 {strides = array<i32>} : memref<1024xi32, #tpu.memory_space<vmem>>, vector<16xi32>,
    %get3A_286 = arith.constant 256 : index
    %get3A_287 = tpu.vector_load %arg6[%get3A_286] {strides = array<i32>} : memref<1024xi32, #tpu.memory_space<vmem>>, vector<16xi32>,
    %shift_right_logical3A_288 = arith.constant 7 : i32
    %shift_right_logical3A_289 = vector.broadcast %shift_right_logical3A_288 : i32 to vector<16xi32>
    %shift_right_logical3A_290 = arith.shrui %get3A_287, %shift_right_logical3A_289 : vector<16xi32>
    %shift_left3A_291 = arith.constant 8 : i32
    %shift_left3A_292 = vector.broadcast %shift_left3A_291 : i32 to vector<16xi32>
    %shift_left3A_293 = arith.shli %shift_right_logical3A_290, %shift_left3A_292 : vector<16xi32>
    %swap3A_294 = arith.constant 256 : index
    %swap3A_295 = tpu.vector_load %arg7[%swap3A_294] {strides = array<i32>} : memref<1024xi32, #tpu.memory_space<vmem>>, vector<16xi32>,
    tpu.vector_store %arg7[%swap3A_294], %shift_left3A_293 {strides = array<i32>} : memref<1024xi32, #tpu.memory_space<vmem>>, vector<16xi32>,
    %and3A_296 = arith.constant 127 : i32
    %and3A_297 = vector.broadcast %and3A_296 : i32 to vector<16xi32>
    %and3A_298 = arith.andi %get3A_287, %and3A_297 : vector<16xi32>
    %mul3A_299 = arith.constant 768 : i32
    %mul3A_300 = vector.broadcast %mul3A_299 : i32 to vector<16xi32>
    %mul3A_301 = arith.muli %and3A_298, %mul3A_300 : vector<16xi32>
    %swap3A_302 = arith.constant 256 : index
    %swap3A_303 = tpu.vector_load %arg8[%swap3A_302] {strides = array<i32>} : memref<1024xi32, #tpu.memory_space<vmem>>, vector<16xi32>,
    tpu.vector_store %arg8[%swap3A_302], %mul3A_301 {strides = array<i32>} : memref<1024xi32, #tpu.memory_space<vmem>>, vector<16xi32>,
    %get3A_304 = arith.constant 272 : index
    %get3A_305 = tpu.vector_load %arg6[%get3A_304] {strides = array<i32>} : memref<1024xi32, #tpu.memory_space<vmem>>, vector<16xi32>,
    %shift_right_logical3A_306 = arith.constant 7 : i32
    %shift_right_logical3A_307 = vector.broadcast %shift_right_logical3A_306 : i32 to vector<16xi32>
    %shift_right_logical3A_308 = arith.shrui %get3A_305, %shift_right_logical3A_307 : vector<16xi32>
    %shift_left3A_309 = arith.constant 8 : i32
    %shift_left3A_310 = vector.broadcast %shift_left3A_309 : i32 to vector<16xi32>
    %shift_left3A_311 = arith.shli %shift_right_logical3A_308, %shift_left3A_310 : vector<16xi32>
    %swap3A_312 = arith.constant 272 : index
    %swap3A_313 = tpu.vector_load %arg7[%swap3A_312] {strides = array<i32>} : memref<1024xi32, #tpu.memory_space<vmem>>, vector<16xi32>,
    tpu.vector_store %arg7[%swap3A_312], %shift_left3A_311 {strides = array<i32>} : memref<1024xi32, #tpu.memory_space<vmem>>, vector<16xi32>,
    %and3A_314 = arith.constant 127 : i32
    %and3A_315 = vector.broadcast %and3A_314 : i32 to vector<16xi32>
    %and3A_316 = arith.andi %get3A_305, %and3A_315 : vector<16xi32>
    %mul3A_317 = arith.constant 768 : i32
    %mul3A_318 = vector.broadcast %mul3A_317 : i32 to vector<16xi32>
    %mul3A_319 = arith.muli %and3A_316, %mul3A_318 : vector<16xi32>
    %swap3A_320 = arith.constant 272 : index
    %swap3A_321 = tpu.vector_load %arg8[%swap3A_320] {strides = array<i32>} : memref<1024xi32, #tpu.memory_space<vmem>>, vector<16xi32>,
    tpu.vector_store %arg8[%swap3A_320], %mul3A_319 {strides = array<i32>} : memref<1024xi32, #tpu.memory_space<vmem>>, vector<16xi32>,
    %get3A_322 = arith.constant 288 : index
    %get3A_323 = tpu.vector_load %arg6[%get3A_322] {strides = array<i32>} : memref<1024xi32, #tpu.memory_space<vmem>>, vector<16xi32>,
    %shift_right_logical3A_324 = arith.constant 7 : i32
    %shift_right_logical3A_325 = vector.broadcast %shift_right_logical3A_324 : i32 to vector<16xi32>
    %shift_right_logical3A_326 = arith.shrui %get3A_323, %shift_right_logical3A_325 : vector<16xi32>
    %shift_left3A_327 = arith.constant 8 : i32
    %shift_left3A_328 = vector.broadcast %shift_left3A_327 : i32 to vector<16xi32>
    %shift_left3A_329 = arith.shli %shift_right_logical3A_326, %shift_left3A_328 : vector<16xi32>
    %swap3A_330 = arith.constant 288 : index
    %swap3A_331 = tpu.vector_load %arg7[%swap3A_330] {strides = array<i32>} : memref<1024xi32, #tpu.memory_space<vmem>>, vector<16xi32>,
    tpu.vector_store %arg7[%swap3A_330], %shift_left3A_329 {strides = array<i32>} : memref<1024xi32, #tpu.memory_space<vmem>>, vector<16xi32>,
    %and3A_332 = arith.constant 127 : i32
    %and3A_333 = vector.broadcast %and3A_332 : i32 to vector<16xi32>
    %and3A_334 = arith.andi %get3A_323, %and3A_333 : vector<16xi32>
    %mul3A_335 = arith.constant 768 : i32
    %mul3A_336 = vector.broadcast %mul3A_335 : i32 to vector<16xi32>
    %mul3A_337 = arith.muli %and3A_334, %mul3A_336 : vector<16xi32>
    %swap3A_338 = arith.constant 288 : index
    %swap3A_339 = tpu.vector_load %arg8[%swap3A_338] {strides = array<i32>} : memref<1024xi32, #tpu.memory_space<vmem>>, vector<16xi32>,
    tpu.vector_store %arg8[%swap3A_338], %mul3A_337 {strides = array<i32>} : memref<1024xi32, #tpu.memory_space<vmem>>, vector<16xi32>,
    %get3A_340 = arith.constant 304 : index
    %get3A_341 = tpu.vector_load %arg6[%get3A_340] {strides = array<i32>} : memref<1024xi32, #tpu.memory_space<vmem>>, vector<16xi32>,
    %shift_right_logical3A_342 = arith.constant 7 : i32
    %shift_right_logical3A_343 = vector.broadcast %shift_right_logical3A_342 : i32 to vector<16xi32>
    %shift_right_logical3A_344 = arith.shrui %get3A_341, %shift_right_logical3A_343 : vector<16xi32>
    %shift_left3A_345 = arith.constant 8 : i32
    %shift_left3A_346 = vector.broadcast %shift_left3A_345 : i32 to vector<16xi32>
    %shift_left3A_347 = arith.shli %shift_right_logical3A_344, %shift_left3A_346 : vector<16xi32>
    %swap3A_348 = arith.constant 304 : index
    %swap3A_349 = tpu.vector_load %arg7[%swap3A_348] {strides = array<i32>} : memref<1024xi32, #tpu.memory_space<vmem>>, vector<16xi32>,
    tpu.vector_store %arg7[%swap3A_348], %shift_left3A_347 {strides = array<i32>} : memref<1024xi32, #tpu.memory_space<vmem>>, vector<16xi32>,
    %and3A_350 = arith.constant 127 : i32
    %and3A_351 = vector.broadcast %and3A_350 : i32 to vector<16xi32>
    %and3A_352 = arith.andi %get3A_341, %and3A_351 : vector<16xi32>
    %mul3A_353 = arith.constant 768 : i32
    %mul3A_354 = vector.broadcast %mul3A_353 : i32 to vector<16xi32>
    %mul3A_355 = arith.muli %and3A_352, %mul3A_354 : vector<16xi32>
    %swap3A_356 = arith.constant 304 : index
    %swap3A_357 = tpu.vector_load %arg8[%swap3A_356] {strides = array<i32>} : memref<1024xi32, #tpu.memory_space<vmem>>, vector<16xi32>,
    tpu.vector_store %arg8[%swap3A_356], %mul3A_355 {strides = array<i32>} : memref<1024xi32, #tpu.memory_space<vmem>>, vector<16xi32>,
    %get3A_358 = arith.constant 320 : index
    %get3A_359 = tpu.vector_load %arg6[%get3A_358] {strides = array<i32>} : memref<1024xi32, #tpu.memory_space<vmem>>, vector<16xi32>,
    %shift_right_logical3A_360 = arith.constant 7 : i32
    %shift_right_logical3A_361 = vector.broadcast %shift_right_logical3A_360 : i32 to vector<16xi32>
    %shift_right_logical3A_362 = arith.shrui %get3A_359, %shift_right_logical3A_361 : vector<16xi32>
    %shift_left3A_363 = arith.constant 8 : i32
    %shift_left3A_364 = vector.broadcast %shift_left3A_363 : i32 to vector<16xi32>
    %shift_left3A_365 = arith.shli %shift_right_logical3A_362, %shift_left3A_364 : vector<16xi32>
    %swap3A_366 = arith.constant 320 : index
    %swap3A_367 = tpu.vector_load %arg7[%swap3A_366] {strides = array<i32>} : memref<1024xi32, #tpu.memory_space<vmem>>, vector<16xi32>,
    tpu.vector_store %arg7[%swap3A_366], %shift_left3A_365 {strides = array<i32>} : memref<1024xi32, #tpu.memory_space<vmem>>, vector<16xi32>,
    %and3A_368 = arith.constant 127 : i32
    %and3A_369 = vector.broadcast %and3A_368 : i32 to vector<16xi32>
    %and3A_370 = arith.andi %get3A_359, %and3A_369 : vector<16xi32>
    %mul3A_371 = arith.constant 768 : i32
    %mul3A_372 = vector.broadcast %mul3A_371 : i32 to vector<16xi32>
    %mul3A_373 = arith.muli %and3A_370, %mul3A_372 : vector<16xi32>
    %swap3A_374 = arith.constant 320 : index
    %swap3A_375 = tpu.vector_load %arg8[%swap3A_374] {strides = array<i32>} : memref<1024xi32, #tpu.memory_space<vmem>>, vector<16xi32>,
    tpu.vector_store %arg8[%swap3A_374], %mul3A_373 {strides = array<i32>} : memref<1024xi32, #tpu.memory_space<vmem>>, vector<16xi32>,
    %get3A_376 = arith.constant 336 : index
    %get3A_377 = tpu.vector_load %arg6[%get3A_376] {strides = array<i32>} : memref<1024xi32, #tpu.memory_space<vmem>>, vector<16xi32>,
    %shift_right_logical3A_378 = arith.constant 7 : i32
    %shift_right_logical3A_379 = vector.broadcast %shift_right_logical3A_378 : i32 to vector<16xi32>
    %shift_right_logical3A_380 = arith.shrui %get3A_377, %shift_right_logical3A_379 : vector<16xi32>
    %shift_left3A_381 = arith.constant 8 : i32
    %shift_left3A_382 = vector.broadcast %shift_left3A_381 : i32 to vector<16xi32>
    %shift_left3A_383 = arith.shli %shift_right_logical3A_380, %shift_left3A_382 : vector<16xi32>
    %swap3A_384 = arith.constant 336 : index
    %swap3A_385 = tpu.vector_load %arg7[%swap3A_384] {strides = array<i32>} : memref<1024xi32, #tpu.memory_space<vmem>>, vector<16xi32>,
    tpu.vector_store %arg7[%swap3A_384], %shift_left3A_383 {strides = array<i32>} : memref<1024xi32, #tpu.memory_space<vmem>>, vector<16xi32>,
    %and3A_386 = arith.constant 127 : i32
    %and3A_387 = vector.broadcast %and3A_386 : i32 to vector<16xi32>
    %and3A_388 = arith.andi %get3A_377, %and3A_387 : vector<16xi32>
    %mul3A_389 = arith.constant 768 : i32
    %mul3A_390 = vector.broadcast %mul3A_389 : i32 to vector<16xi32>
    %mul3A_391 = arith.muli %and3A_388, %mul3A_390 : vector<16xi32>
    %swap3A_392 = arith.constant 336 : index
    %swap3A_393 = tpu.vector_load %arg8[%swap3A_392] {strides = array<i32>} : memref<1024xi32, #tpu.memory_space<vmem>>, vector<16xi32>,
    tpu.vector_store %arg8[%swap3A_392], %mul3A_391 {strides = array<i32>} : memref<1024xi32, #tpu.memory_space<vmem>>, vector<16xi32>,
    %get3A_394 = arith.constant 352 : index
    %get3A_395 = tpu.vector_load %arg6[%get3A_394] {strides = array<i32>} : memref<1024xi32, #tpu.memory_space<vmem>>, vector<16xi32>,
    %shift_right_logical3A_396 = arith.constant 7 : i32
    %shift_right_logical3A_397 = vector.broadcast %shift_right_logical3A_396 : i32 to vector<16xi32>
    %shift_right_logical3A_398 = arith.shrui %get3A_395, %shift_right_logical3A_397 : vector<16xi32>
    %shift_left3A_399 = arith.constant 8 : i32
    %shift_left3A_400 = vector.broadcast %shift_left3A_399 : i32 to vector<16xi32>
    %shift_left3A_401 = arith.shli %shift_right_logical3A_398, %shift_left3A_400 : vector<16xi32>
    %swap3A_402 = arith.constant 352 : index
    %swap3A_403 = tpu.vector_load %arg7[%swap3A_402] {strides = array<i32>} : memref<1024xi32, #tpu.memory_space<vmem>>, vector<16xi32>,
    tpu.vector_store %arg7[%swap3A_402], %shift_left3A_401 {strides = array<i32>} : memref<1024xi32, #tpu.memory_space<vmem>>, vector<16xi32>,
    %and3A_404 = arith.constant 127 : i32
    %and3A_405 = vector.broadcast %and3A_404 : i32 to vector<16xi32>
    %and3A_406 = arith.andi %get3A_395, %and3A_405 : vector<16xi32>
    %mul3A_407 = arith.constant 768 : i32
    %mul3A_408 = vector.broadcast %mul3A_407 : i32 to vector<16xi32>
    %mul3A_409 = arith.muli %and3A_406, %mul3A_408 : vector<16xi32>
    %swap3A_410 = arith.constant 352 : index
    %swap3A_411 = tpu.vector_load %arg8[%swap3A_410] {strides = array<i32>} : memref<1024xi32, #tpu.memory_space<vmem>>, vector<16xi32>,
    tpu.vector_store %arg8[%swap3A_410], %mul3A_409 {strides = array<i32>} : memref<1024xi32, #tpu.memory_space<vmem>>, vector<16xi32>,
    %get3A_412 = arith.constant 368 : index
    %get3A_413 = tpu.vector_load %arg6[%get3A_412] {strides = array<i32>} : memref<1024xi32, #tpu.memory_space<vmem>>, vector<16xi32>,
    %shift_right_logical3A_414 = arith.constant 7 : i32
    %shift_right_logical3A_415 = vector.broadcast %shift_right_logical3A_414 : i32 to vector<16xi32>
    %shift_right_logical3A_416 = arith.shrui %get3A_413, %shift_right_logical3A_415 : vector<16xi32>
    %shift_left3A_417 = arith.constant 8 : i32
    %shift_left3A_418 = vector.broadcast %shift_left3A_417 : i32 to vector<16xi32>
    %shift_left3A_419 = arith.shli %shift_right_logical3A_416, %shift_left3A_418 : vector<16xi32>
    %swap3A_420 = arith.constant 368 : index
    %swap3A_421 = tpu.vector_load %arg7[%swap3A_420] {strides = array<i32>} : memref<1024xi32, #tpu.memory_space<vmem>>, vector<16xi32>,
    tpu.vector_store %arg7[%swap3A_420], %shift_left3A_419 {strides = array<i32>} : memref<1024xi32, #tpu.memory_space<vmem>>, vector<16xi32>,
    %and3A_422 = arith.constant 127 : i32
    %and3A_423 = vector.broadcast %and3A_422 : i32 to vector<16xi32>
    %and3A_424 = arith.andi %get3A_413, %and3A_423 : vector<16xi32>
    %mul3A_425 = arith.constant 768 : i32
    %mul3A_426 = vector.broadcast %mul3A_425 : i32 to vector<16xi32>
    %mul3A_427 = arith.muli %and3A_424, %mul3A_426 : vector<16xi32>
    %swap3A_428 = arith.constant 368 : index
    %swap3A_429 = tpu.vector_load %arg8[%swap3A_428] {strides = array<i32>} : memref<1024xi32, #tpu.memory_space<vmem>>, vector<16xi32>,
    tpu.vector_store %arg8[%swap3A_428], %mul3A_427 {strides = array<i32>} : memref<1024xi32, #tpu.memory_space<vmem>>, vector<16xi32>,
    %get3A_430 = arith.constant 384 : index
    %get3A_431 = tpu.vector_load %arg6[%get3A_430] {strides = array<i32>} : memref<1024xi32, #tpu.memory_space<vmem>>, vector<16xi32>,
    %shift_right_logical3A_432 = arith.constant 7 : i32
    %shift_right_logical3A_433 = vector.broadcast %shift_right_logical3A_432 : i32 to vector<16xi32>
    %shift_right_logical3A_434 = arith.shrui %get3A_431, %shift_right_logical3A_433 : vector<16xi32>
    %shift_left3A_435 = arith.constant 8 : i32
    %shift_left3A_436 = vector.broadcast %shift_left3A_435 : i32 to vector<16xi32>
    %shift_left3A_437 = arith.shli %shift_right_logical3A_434, %shift_left3A_436 : vector<16xi32>
    %swap3A_438 = arith.constant 384 : index
    %swap3A_439 = tpu.vector_load %arg7[%swap3A_438] {strides = array<i32>} : memref<1024xi32, #tpu.memory_space<vmem>>, vector<16xi32>,
    tpu.vector_store %arg7[%swap3A_438], %shift_left3A_437 {strides = array<i32>} : memref<1024xi32, #tpu.memory_space<vmem>>, vector<16xi32>,
    %and3A_440 = arith.constant 127 : i32
    %and3A_441 = vector.broadcast %and3A_440 : i32 to vector<16xi32>
    %and3A_442 = arith.andi %get3A_431, %and3A_441 : vector<16xi32>
    %mul3A_443 = arith.constant 768 : i32
    %mul3A_444 = vector.broadcast %mul3A_443 : i32 to vector<16xi32>
    %mul3A_445 = arith.muli %and3A_442, %mul3A_444 : vector<16xi32>
    %swap3A_446 = arith.constant 384 : index
    %swap3A_447 = tpu.vector_load %arg8[%swap3A_446] {strides = array<i32>} : memref<1024xi32, #tpu.memory_space<vmem>>, vector<16xi32>,
    tpu.vector_store %arg8[%swap3A_446], %mul3A_445 {strides = array<i32>} : memref<1024xi32, #tpu.memory_space<vmem>>, vector<16xi32>,
    %get3A_448 = arith.constant 400 : index
    %get3A_449 = tpu.vector_load %arg6[%get3A_448] {strides = array<i32>} : memref<1024xi32, #tpu.memory_space<vmem>>, vector<16xi32>,
    %shift_right_logical3A_450 = arith.constant 7 : i32
    %shift_right_logical3A_451 = vector.broadcast %shift_right_logical3A_450 : i32 to vector<16xi32>
    %shift_right_logical3A_452 = arith.shrui %get3A_449, %shift_right_logical3A_451 : vector<16xi32>
    %shift_left3A_453 = arith.constant 8 : i32
    %shift_left3A_454 = vector.broadcast %shift_left3A_453 : i32 to vector<16xi32>
    %shift_left3A_455 = arith.shli %shift_right_logical3A_452, %shift_left3A_454 : vector<16xi32>
    %swap3A_456 = arith.constant 400 : index
    %swap3A_457 = tpu.vector_load %arg7[%swap3A_456] {strides = array<i32>} : memref<1024xi32, #tpu.memory_space<vmem>>, vector<16xi32>,
    tpu.vector_store %arg7[%swap3A_456], %shift_left3A_455 {strides = array<i32>} : memref<1024xi32, #tpu.memory_space<vmem>>, vector<16xi32>,
    %and3A_458 = arith.constant 127 : i32
    %and3A_459 = vector.broadcast %and3A_458 : i32 to vector<16xi32>
    %and3A_460 = arith.andi %get3A_449, %and3A_459 : vector<16xi32>
    %mul3A_461 = arith.constant 768 : i32
    %mul3A_462 = vector.broadcast %mul3A_461 : i32 to vector<16xi32>
    %mul3A_463 = arith.muli %and3A_460, %mul3A_462 : vector<16xi32>
    %swap3A_464 = arith.constant 400 : index
    %swap3A_465 = tpu.vector_load %arg8[%swap3A_464] {strides = array<i32>} : memref<1024xi32, #tpu.memory_space<vmem>>, vector<16xi32>,
    tpu.vector_store %arg8[%swap3A_464], %mul3A_463 {strides = array<i32>} : memref<1024xi32, #tpu.memory_space<vmem>>, vector<16xi32>,
    %get3A_466 = arith.constant 416 : index
    %get3A_467 = tpu.vector_load %arg6[%get3A_466] {strides = array<i32>} : memref<1024xi32, #tpu.memory_space<vmem>>, vector<16xi32>,
    %shift_right_logical3A_468 = arith.constant 7 : i32
    %shift_right_logical3A_469 = vector.broadcast %shift_right_logical3A_468 : i32 to vector<16xi32>
    %shift_right_logical3A_470 = arith.shrui %get3A_467, %shift_right_logical3A_469 : vector<16xi32>
    %shift_left3A_471 = arith.constant 8 : i32
    %shift_left3A_472 = vector.broadcast %shift_left3A_471 : i32 to vector<16xi32>
    %shift_left3A_473 = arith.shli %shift_right_logical3A_470, %shift_left3A_472 : vector<16xi32>
    %swap3A_474 = arith.constant 416 : index
    %swap3A_475 = tpu.vector_load %arg7[%swap3A_474] {strides = array<i32>} : memref<1024xi32, #tpu.memory_space<vmem>>, vector<16xi32>,
    tpu.vector_store %arg7[%swap3A_474], %shift_left3A_473 {strides = array<i32>} : memref<1024xi32, #tpu.memory_space<vmem>>, vector<16xi32>,
    %and3A_476 = arith.constant 127 : i32
    %and3A_477 = vector.broadcast %and3A_476 : i32 to vector<16xi32>
    %and3A_478 = arith.andi %get3A_467, %and3A_477 : vector<16xi32>
    %mul3A_479 = arith.constant 768 : i32
    %mul3A_480 = vector.broadcast %mul3A_479 : i32 to vector<16xi32>
    %mul3A_481 = arith.muli %and3A_478, %mul3A_480 : vector<16xi32>
    %swap3A_482 = arith.constant 416 : index
    %swap3A_483 = tpu.vector_load %arg8[%swap3A_482] {strides = array<i32>} : memref<1024xi32, #tpu.memory_space<vmem>>, vector<16xi32>,
    tpu.vector_store %arg8[%swap3A_482], %mul3A_481 {strides = array<i32>} : memref<1024xi32, #tpu.memory_space<vmem>>, vector<16xi32>,
    %get3A_484 = arith.constant 432 : index
    %get3A_485 = tpu.vector_load %arg6[%get3A_484] {strides = array<i32>} : memref<1024xi32, #tpu.memory_space<vmem>>, vector<16xi32>,
    %shift_right_logical3A_486 = arith.constant 7 : i32
    %shift_right_logical3A_487 = vector.broadcast %shift_right_logical3A_486 : i32 to vector<16xi32>
    %shift_right_logical3A_488 = arith.shrui %get3A_485, %shift_right_logical3A_487 : vector<16xi32>
    %shift_left3A_489 = arith.constant 8 : i32
    %shift_left3A_490 = vector.broadcast %shift_left3A_489 : i32 to vector<16xi32>
    %shift_left3A_491 = arith.shli %shift_right_logical3A_488, %shift_left3A_490 : vector<16xi32>
    %swap3A_492 = arith.constant 432 : index
    %swap3A_493 = tpu.vector_load %arg7[%swap3A_492] {strides = array<i32>} : memref<1024xi32, #tpu.memory_space<vmem>>, vector<16xi32>,
    tpu.vector_store %arg7[%swap3A_492], %shift_left3A_491 {strides = array<i32>} : memref<1024xi32, #tpu.memory_space<vmem>>, vector<16xi32>,
    %and3A_494 = arith.constant 127 : i32
    %and3A_495 = vector.broadcast %and3A_494 : i32 to vector<16xi32>
    %and3A_496 = arith.andi %get3A_485, %and3A_495 : vector<16xi32>
    %mul3A_497 = arith.constant 768 : i32
    %mul3A_498 = vector.broadcast %mul3A_497 : i32 to vector<16xi32>
    %mul3A_499 = arith.muli %and3A_496, %mul3A_498 : vector<16xi32>
    %swap3A_500 = arith.constant 432 : index
    %swap3A_501 = tpu.vector_load %arg8[%swap3A_500] {strides = array<i32>} : memref<1024xi32, #tpu.memory_space<vmem>>, vector<16xi32>,
    tpu.vector_store %arg8[%swap3A_500], %mul3A_499 {strides = array<i32>} : memref<1024xi32, #tpu.memory_space<vmem>>, vector<16xi32>,
    %get3A_502 = arith.constant 448 : index
    %get3A_503 = tpu.vector_load %arg6[%get3A_502] {strides = array<i32>} : memref<1024xi32, #tpu.memory_space<vmem>>, vector<16xi32>,
    %shift_right_logical3A_504 = arith.constant 7 : i32
    %shift_right_logical3A_505 = vector.broadcast %shift_right_logical3A_504 : i32 to vector<16xi32>
    %shift_right_logical3A_506 = arith.shrui %get3A_503, %shift_right_logical3A_505 : vector<16xi32>
    %shift_left3A_507 = arith.constant 8 : i32
    %shift_left3A_508 = vector.broadcast %shift_left3A_507 : i32 to vector<16xi32>
    %shift_left3A_509 = arith.shli %shift_right_logical3A_506, %shift_left3A_508 : vector<16xi32>
    %swap3A_510 = arith.constant 448 : index
    %swap3A_511 = tpu.vector_load %arg7[%swap3A_510] {strides = array<i32>} : memref<1024xi32, #tpu.memory_space<vmem>>, vector<16xi32>,
    tpu.vector_store %arg7[%swap3A_510], %shift_left3A_509 {strides = array<i32>} : memref<1024xi32, #tpu.memory_space<vmem>>, vector<16xi32>,
    %and3A_512 = arith.constant 127 : i32
    %and3A_513 = vector.broadcast %and3A_512 : i32 to vector<16xi32>
    %and3A_514 = arith.andi %get3A_503, %and3A_513 : vector<16xi32>
    %mul3A_515 = arith.constant 768 : i32
    %mul3A_516 = vector.broadcast %mul3A_515 : i32 to vector<16xi32>
    %mul3A_517 = arith.muli %and3A_514, %mul3A_516 : vector<16xi32>
    %swap3A_518 = arith.constant 448 : index
    %swap3A_519 = tpu.vector_load %arg8[%swap3A_518] {strides = array<i32>} : memref<1024xi32, #tpu.memory_space<vmem>>, vector<16xi32>,
    tpu.vector_store %arg8[%swap3A_518], %mul3A_517 {strides = array<i32>} : memref<1024xi32, #tpu.memory_space<vmem>>, vector<16xi32>,
    %get3A_520 = arith.constant 464 : index
    %get3A_521 = tpu.vector_load %arg6[%get3A_520] {strides = array<i32>} : memref<1024xi32, #tpu.memory_space<vmem>>, vector<16xi32>,
    %shift_right_logical3A_522 = arith.constant 7 : i32
    %shift_right_logical3A_523 = vector.broadcast %shift_right_logical3A_522 : i32 to vector<16xi32>
    %shift_right_logical3A_524 = arith.shrui %get3A_521, %shift_right_logical3A_523 : vector<16xi32>
    %shift_left3A_525 = arith.constant 8 : i32
    %shift_left3A_526 = vector.broadcast %shift_left3A_525 : i32 to vector<16xi32>
    %shift_left3A_527 = arith.shli %shift_right_logical3A_524, %shift_left3A_526 : vector<16xi32>
    %swap3A_528 = arith.constant 464 : index
    %swap3A_529 = tpu.vector_load %arg7[%swap3A_528] {strides = array<i32>} : memref<1024xi32, #tpu.memory_space<vmem>>, vector<16xi32>,
    tpu.vector_store %arg7[%swap3A_528], %shift_left3A_527 {strides = array<i32>} : memref<1024xi32, #tpu.memory_space<vmem>>, vector<16xi32>,
    %and3A_530 = arith.constant 127 : i32
    %and3A_531 = vector.broadcast %and3A_530 : i32 to vector<16xi32>
    %and3A_532 = arith.andi %get3A_521, %and3A_531 : vector<16xi32>
    %mul3A_533 = arith.constant 768 : i32
    %mul3A_534 = vector.broadcast %mul3A_533 : i32 to vector<16xi32>
    %mul3A_535 = arith.muli %and3A_532, %mul3A_534 : vector<16xi32>
    %swap3A_536 = arith.constant 464 : index
    %swap3A_537 = tpu.vector_load %arg8[%swap3A_536] {strides = array<i32>} : memref<1024xi32, #tpu.memory_space<vmem>>, vector<16xi32>,
    tpu.vector_store %arg8[%swap3A_536], %mul3A_535 {strides = array<i32>} : memref<1024xi32, #tpu.memory_space<vmem>>, vector<16xi32>,
    %get3A_538 = arith.constant 480 : index
    %get3A_539 = tpu.vector_load %arg6[%get3A_538] {strides = array<i32>} : memref<1024xi32, #tpu.memory_space<vmem>>, vector<16xi32>,
    %shift_right_logical3A_540 = arith.constant 7 : i32
    %shift_right_logical3A_541 = vector.broadcast %shift_right_logical3A_540 : i32 to vector<16xi32>
    %shift_right_logical3A_542 = arith.shrui %get3A_539, %shift_right_logical3A_541 : vector<16xi32>
    %shift_left3A_543 = arith.constant 8 : i32
    %shift_left3A_544 = vector.broadcast %shift_left3A_543 : i32 to vector<16xi32>
    %shift_left3A_545 = arith.shli %shift_right_logical3A_542, %shift_left3A_544 : vector<16xi32>
    %swap3A_546 = arith.constant 480 : index
    %swap3A_547 = tpu.vector_load %arg7[%swap3A_546] {strides = array<i32>} : memref<1024xi32, #tpu.memory_space<vmem>>, vector<16xi32>,
    tpu.vector_store %arg7[%swap3A_546], %shift_left3A_545 {strides = array<i32>} : memref<1024xi32, #tpu.memory_space<vmem>>, vector<16xi32>,
    %and3A_548 = arith.constant 127 : i32
    %and3A_549 = vector.broadcast %and3A_548 : i32 to vector<16xi32>
    %and3A_550 = arith.andi %get3A_539, %and3A_549 : vector<16xi32>
    %mul3A_551 = arith.constant 768 : i32
    %mul3A_552 = vector.broadcast %mul3A_551 : i32 to vector<16xi32>
    %mul3A_553 = arith.muli %and3A_550, %mul3A_552 : vector<16xi32>
    %swap3A_554 = arith.constant 480 : index
    %swap3A_555 = tpu.vector_load %arg8[%swap3A_554] {strides = array<i32>} : memref<1024xi32, #tpu.memory_space<vmem>>, vector<16xi32>,
    tpu.vector_store %arg8[%swap3A_554], %mul3A_553 {strides = array<i32>} : memref<1024xi32, #tpu.memory_space<vmem>>, vector<16xi32>,
    %get3A_556 = arith.constant 496 : index
    %get3A_557 = tpu.vector_load %arg6[%get3A_556] {strides = array<i32>} : memref<1024xi32, #tpu.memory_space<vmem>>, vector<16xi32>,
    %shift_right_logical3A_558 = arith.constant 7 : i32
    %shift_right_logical3A_559 = vector.broadcast %shift_right_logical3A_558 : i32 to vector<16xi32>
    %shift_right_logical3A_560 = arith.shrui %get3A_557, %shift_right_logical3A_559 : vector<16xi32>
    %shift_left3A_561 = arith.constant 8 : i32
    %shift_left3A_562 = vector.broadcast %shift_left3A_561 : i32 to vector<16xi32>
    %shift_left3A_563 = arith.shli %shift_right_logical3A_560, %shift_left3A_562 : vector<16xi32>
    %swap3A_564 = arith.constant 496 : index
    %swap3A_565 = tpu.vector_load %arg7[%swap3A_564] {strides = array<i32>} : memref<1024xi32, #tpu.memory_space<vmem>>, vector<16xi32>,
    tpu.vector_store %arg7[%swap3A_564], %shift_left3A_563 {strides = array<i32>} : memref<1024xi32, #tpu.memory_space<vmem>>, vector<16xi32>,
    %and3A_566 = arith.constant 127 : i32
    %and3A_567 = vector.broadcast %and3A_566 : i32 to vector<16xi32>
    %and3A_568 = arith.andi %get3A_557, %and3A_567 : vector<16xi32>
    %mul3A_569 = arith.constant 768 : i32
    %mul3A_570 = vector.broadcast %mul3A_569 : i32 to vector<16xi32>
    %mul3A_571 = arith.muli %and3A_568, %mul3A_570 : vector<16xi32>
    %swap3A_572 = arith.constant 496 : index
    %swap3A_573 = tpu.vector_load %arg8[%swap3A_572] {strides = array<i32>} : memref<1024xi32, #tpu.memory_space<vmem>>, vector<16xi32>,
    tpu.vector_store %arg8[%swap3A_572], %mul3A_571 {strides = array<i32>} : memref<1024xi32, #tpu.memory_space<vmem>>, vector<16xi32>,
    %get3A_574 = arith.constant 512 : index
    %get3A_575 = tpu.vector_load %arg6[%get3A_574] {strides = array<i32>} : memref<1024xi32, #tpu.memory_space<vmem>>, vector<16xi32>,
    %shift_right_logical3A_576 = arith.constant 7 : i32
    %shift_right_logical3A_577 = vector.broadcast %shift_right_logical3A_576 : i32 to vector<16xi32>
    %shift_right_logical3A_578 = arith.shrui %get3A_575, %shift_right_logical3A_577 : vector<16xi32>
    %shift_left3A_579 = arith.constant 8 : i32
    %shift_left3A_580 = vector.broadcast %shift_left3A_579 : i32 to vector<16xi32>
    %shift_left3A_581 = arith.shli %shift_right_logical3A_578, %shift_left3A_580 : vector<16xi32>
    %swap3A_582 = arith.constant 512 : index
    %swap3A_583 = tpu.vector_load %arg7[%swap3A_582] {strides = array<i32>} : memref<1024xi32, #tpu.memory_space<vmem>>, vector<16xi32>,
    tpu.vector_store %arg7[%swap3A_582], %shift_left3A_581 {strides = array<i32>} : memref<1024xi32, #tpu.memory_space<vmem>>, vector<16xi32>,
    %and3A_584 = arith.constant 127 : i32
    %and3A_585 = vector.broadcast %and3A_584 : i32 to vector<16xi32>
    %and3A_586 = arith.andi %get3A_575, %and3A_585 : vector<16xi32>
    %mul3A_587 = arith.constant 768 : i32
    %mul3A_588 = vector.broadcast %mul3A_587 : i32 to vector<16xi32>
    %mul3A_589 = arith.muli %and3A_586, %mul3A_588 : vector<16xi32>
    %swap3A_590 = arith.constant 512 : index
    %swap3A_591 = tpu.vector_load %arg8[%swap3A_590] {strides = array<i32>} : memref<1024xi32, #tpu.memory_space<vmem>>, vector<16xi32>,
    tpu.vector_store %arg8[%swap3A_590], %mul3A_589 {strides = array<i32>} : memref<1024xi32, #tpu.memory_space<vmem>>, vector<16xi32>,
    %get3A_592 = arith.constant 528 : index
    %get3A_593 = tpu.vector_load %arg6[%get3A_592] {strides = array<i32>} : memref<1024xi32, #tpu.memory_space<vmem>>, vector<16xi32>,
    %shift_right_logical3A_594 = arith.constant 7 : i32
    %shift_right_logical3A_595 = vector.broadcast %shift_right_logical3A_594 : i32 to vector<16xi32>
    %shift_right_logical3A_596 = arith.shrui %get3A_593, %shift_right_logical3A_595 : vector<16xi32>
    %shift_left3A_597 = arith.constant 8 : i32
    %shift_left3A_598 = vector.broadcast %shift_left3A_597 : i32 to vector<16xi32>
    %shift_left3A_599 = arith.shli %shift_right_logical3A_596, %shift_left3A_598 : vector<16xi32>
    %swap3A_600 = arith.constant 528 : index
    %swap3A_601 = tpu.vector_load %arg7[%swap3A_600] {strides = array<i32>} : memref<1024xi32, #tpu.memory_space<vmem>>, vector<16xi32>,
    tpu.vector_store %arg7[%swap3A_600], %shift_left3A_599 {strides = array<i32>} : memref<1024xi32, #tpu.memory_space<vmem>>, vector<16xi32>,
    %and3A_602 = arith.constant 127 : i32
    %and3A_603 = vector.broadcast %and3A_602 : i32 to vector<16xi32>
    %and3A_604 = arith.andi %get3A_593, %and3A_603 : vector<16xi32>
    %mul3A_605 = arith.constant 768 : i32
    %mul3A_606 = vector.broadcast %mul3A_605 : i32 to vector<16xi32>
    %mul3A_607 = arith.muli %and3A_604, %mul3A_606 : vector<16xi32>
    %swap3A_608 = arith.constant 528 : index
    %swap3A_609 = tpu.vector_load %arg8[%swap3A_608] {strides = array<i32>} : memref<1024xi32, #tpu.memory_space<vmem>>, vector<16xi32>,
    tpu.vector_store %arg8[%swap3A_608], %mul3A_607 {strides = array<i32>} : memref<1024xi32, #tpu.memory_space<vmem>>, vector<16xi32>,
    %get3A_610 = arith.constant 544 : index
    %get3A_611 = tpu.vector_load %arg6[%get3A_610] {strides = array<i32>} : memref<1024xi32, #tpu.memory_space<vmem>>, vector<16xi32>,
    %shift_right_logical3A_612 = arith.constant 7 : i32
    %shift_right_logical3A_613 = vector.broadcast %shift_right_logical3A_612 : i32 to vector<16xi32>
    %shift_right_logical3A_614 = arith.shrui %get3A_611, %shift_right_logical3A_613 : vector<16xi32>
    %shift_left3A_615 = arith.constant 8 : i32
    %shift_left3A_616 = vector.broadcast %shift_left3A_615 : i32 to vector<16xi32>
    %shift_left3A_617 = arith.shli %shift_right_logical3A_614, %shift_left3A_616 : vector<16xi32>
    %swap3A_618 = arith.constant 544 : index
    %swap3A_619 = tpu.vector_load %arg7[%swap3A_618] {strides = array<i32>} : memref<1024xi32, #tpu.memory_space<vmem>>, vector<16xi32>,
    tpu.vector_store %arg7[%swap3A_618], %shift_left3A_617 {strides = array<i32>} : memref<1024xi32, #tpu.memory_space<vmem>>, vector<16xi32>,
    %and3A_620 = arith.constant 127 : i32
    %and3A_621 = vector.broadcast %and3A_620 : i32 to vector<16xi32>
    %and3A_622 = arith.andi %get3A_611, %and3A_621 : vector<16xi32>
    %mul3A_623 = arith.constant 768 : i32
    %mul3A_624 = vector.broadcast %mul3A_623 : i32 to vector<16xi32>
    %mul3A_625 = arith.muli %and3A_622, %mul3A_624 : vector<16xi32>
    %swap3A_626 = arith.constant 544 : index
    %swap3A_627 = tpu.vector_load %arg8[%swap3A_626] {strides = array<i32>} : memref<1024xi32, #tpu.memory_space<vmem>>, vector<16xi32>,
    tpu.vector_store %arg8[%swap3A_626], %mul3A_625 {strides = array<i32>} : memref<1024xi32, #tpu.memory_space<vmem>>, vector<16xi32>,
    %get3A_628 = arith.constant 560 : index
    %get3A_629 = tpu.vector_load %arg6[%get3A_628] {strides = array<i32>} : memref<1024xi32, #tpu.memory_space<vmem>>, vector<16xi32>,
    %shift_right_logical3A_630 = arith.constant 7 : i32
    %shift_right_logical3A_631 = vector.broadcast %shift_right_logical3A_630 : i32 to vector<16xi32>
    %shift_right_logical3A_632 = arith.shrui %get3A_629, %shift_right_logical3A_631 : vector<16xi32>
    %shift_left3A_633 = arith.constant 8 : i32
    %shift_left3A_634 = vector.broadcast %shift_left3A_633 : i32 to vector<16xi32>
    %shift_left3A_635 = arith.shli %shift_right_logical3A_632, %shift_left3A_634 : vector<16xi32>
    %swap3A_636 = arith.constant 560 : index
    %swap3A_637 = tpu.vector_load %arg7[%swap3A_636] {strides = array<i32>} : memref<1024xi32, #tpu.memory_space<vmem>>, vector<16xi32>,
    tpu.vector_store %arg7[%swap3A_636], %shift_left3A_635 {strides = array<i32>} : memref<1024xi32, #tpu.memory_space<vmem>>, vector<16xi32>,
    %and3A_638 = arith.constant 127 : i32
    %and3A_639 = vector.broadcast %and3A_638 : i32 to vector<16xi32>
    %and3A_640 = arith.andi %get3A_629, %and3A_639 : vector<16xi32>
    %mul3A_641 = arith.constant 768 : i32
    %mul3A_642 = vector.broadcast %mul3A_641 : i32 to vector<16xi32>
    %mul3A_643 = arith.muli %and3A_640, %mul3A_642 : vector<16xi32>
    %swap3A_644 = arith.constant 560 : index
    %swap3A_645 = tpu.vector_load %arg8[%swap3A_644] {strides = array<i32>} : memref<1024xi32, #tpu.memory_space<vmem>>, vector<16xi32>,
    tpu.vector_store %arg8[%swap3A_644], %mul3A_643 {strides = array<i32>} : memref<1024xi32, #tpu.memory_space<vmem>>, vector<16xi32>,
    %get3A_646 = arith.constant 576 : index
    %get3A_647 = tpu.vector_load %arg6[%get3A_646] {strides = array<i32>} : memref<1024xi32, #tpu.memory_space<vmem>>, vector<16xi32>,
    %shift_right_logical3A_648 = arith.constant 7 : i32
    %shift_right_logical3A_649 = vector.broadcast %shift_right_logical3A_648 : i32 to vector<16xi32>
    %shift_right_logical3A_650 = arith.shrui %get3A_647, %shift_right_logical3A_649 : vector<16xi32>
    %shift_left3A_651 = arith.constant 8 : i32
    %shift_left3A_652 = vector.broadcast %shift_left3A_651 : i32 to vector<16xi32>
    %shift_left3A_653 = arith.shli %shift_right_logical3A_650, %shift_left3A_652 : vector<16xi32>
    %swap3A_654 = arith.constant 576 : index
    %swap3A_655 = tpu.vector_load %arg7[%swap3A_654] {strides = array<i32>} : memref<1024xi32, #tpu.memory_space<vmem>>, vector<16xi32>,
    tpu.vector_store %arg7[%swap3A_654], %shift_left3A_653 {strides = array<i32>} : memref<1024xi32, #tpu.memory_space<vmem>>, vector<16xi32>,
    %and3A_656 = arith.constant 127 : i32
    %and3A_657 = vector.broadcast %and3A_656 : i32 to vector<16xi32>
    %and3A_658 = arith.andi %get3A_647, %and3A_657 : vector<16xi32>
    %mul3A_659 = arith.constant 768 : i32
    %mul3A_660 = vector.broadcast %mul3A_659 : i32 to vector<16xi32>
    %mul3A_661 = arith.muli %and3A_658, %mul3A_660 : vector<16xi32>
    %swap3A_662 = arith.constant 576 : index
    %swap3A_663 = tpu.vector_load %arg8[%swap3A_662] {strides = array<i32>} : memref<1024xi32, #tpu.memory_space<vmem>>, vector<16xi32>,
    tpu.vector_store %arg8[%swap3A_662], %mul3A_661 {strides = array<i32>} : memref<1024xi32, #tpu.memory_space<vmem>>, vector<16xi32>,
    %get3A_664 = arith.constant 592 : index
    %get3A_665 = tpu.vector_load %arg6[%get3A_664] {strides = array<i32>} : memref<1024xi32, #tpu.memory_space<vmem>>, vector<16xi32>,
    %shift_right_logical3A_666 = arith.constant 7 : i32
    %shift_right_logical3A_667 = vector.broadcast %shift_right_logical3A_666 : i32 to vector<16xi32>
    %shift_right_logical3A_668 = arith.shrui %get3A_665, %shift_right_logical3A_667 : vector<16xi32>
    %shift_left3A_669 = arith.constant 8 : i32
    %shift_left3A_670 = vector.broadcast %shift_left3A_669 : i32 to vector<16xi32>
    %shift_left3A_671 = arith.shli %shift_right_logical3A_668, %shift_left3A_670 : vector<16xi32>
    %swap3A_672 = arith.constant 592 : index
    %swap3A_673 = tpu.vector_load %arg7[%swap3A_672] {strides = array<i32>} : memref<1024xi32, #tpu.memory_space<vmem>>, vector<16xi32>,
    tpu.vector_store %arg7[%swap3A_672], %shift_left3A_671 {strides = array<i32>} : memref<1024xi32, #tpu.memory_space<vmem>>, vector<16xi32>,
    %and3A_674 = arith.constant 127 : i32
    %and3A_675 = vector.broadcast %and3A_674 : i32 to vector<16xi32>
    %and3A_676 = arith.andi %get3A_665, %and3A_675 : vector<16xi32>
    %mul3A_677 = arith.constant 768 : i32
    %mul3A_678 = vector.broadcast %mul3A_677 : i32 to vector<16xi32>
    %mul3A_679 = arith.muli %and3A_676, %mul3A_678 : vector<16xi32>
    %swap3A_680 = arith.constant 592 : index
    %swap3A_681 = tpu.vector_load %arg8[%swap3A_680] {strides = array<i32>} : memref<1024xi32, #tpu.memory_space<vmem>>, vector<16xi32>,
    tpu.vector_store %arg8[%swap3A_680], %mul3A_679 {strides = array<i32>} : memref<1024xi32, #tpu.memory_space<vmem>>, vector<16xi32>,
    %get3A_682 = arith.constant 608 : index
    %get3A_683 = tpu.vector_load %arg6[%get3A_682] {strides = array<i32>} : memref<1024xi32, #tpu.memory_space<vmem>>, vector<16xi32>,
    %shift_right_logical3A_684 = arith.constant 7 : i32
    %shift_right_logical3A_685 = vector.broadcast %shift_right_logical3A_684 : i32 to vector<16xi32>
    %shift_right_logical3A_686 = arith.shrui %get3A_683, %shift_right_logical3A_685 : vector<16xi32>
    %shift_left3A_687 = arith.constant 8 : i32
    %shift_left3A_688 = vector.broadcast %shift_left3A_687 : i32 to vector<16xi32>
    %shift_left3A_689 = arith.shli %shift_right_logical3A_686, %shift_left3A_688 : vector<16xi32>
    %swap3A_690 = arith.constant 608 : index
    %swap3A_691 = tpu.vector_load %arg7[%swap3A_690] {strides = array<i32>} : memref<1024xi32, #tpu.memory_space<vmem>>, vector<16xi32>,
    tpu.vector_store %arg7[%swap3A_690], %shift_left3A_689 {strides = array<i32>} : memref<1024xi32, #tpu.memory_space<vmem>>, vector<16xi32>,
    %and3A_692 = arith.constant 127 : i32
    %and3A_693 = vector.broadcast %and3A_692 : i32 to vector<16xi32>
    %and3A_694 = arith.andi %get3A_683, %and3A_693 : vector<16xi32>
    %mul3A_695 = arith.constant 768 : i32
    %mul3A_696 = vector.broadcast %mul3A_695 : i32 to vector<16xi32>
    %mul3A_697 = arith.muli %and3A_694, %mul3A_696 : vector<16xi32>
    %swap3A_698 = arith.constant 608 : index
    %swap3A_699 = tpu.vector_load %arg8[%swap3A_698] {strides = array<i32>} : memref<1024xi32, #tpu.memory_space<vmem>>, vector<16xi32>,
    tpu.vector_store %arg8[%swap3A_698], %mul3A_697 {strides = array<i32>} : memref<1024xi32, #tpu.memory_space<vmem>>, vector<16xi32>,
    %get3A_700 = arith.constant 624 : index
    %get3A_701 = tpu.vector_load %arg6[%get3A_700] {strides = array<i32>} : memref<1024xi32, #tpu.memory_space<vmem>>, vector<16xi32>,
    %shift_right_logical3A_702 = arith.constant 7 : i32
    %shift_right_logical3A_703 = vector.broadcast %shift_right_logical3A_702 : i32 to vector<16xi32>
    %shift_right_logical3A_704 = arith.shrui %get3A_701, %shift_right_logical3A_703 : vector<16xi32>
    %shift_left3A_705 = arith.constant 8 : i32
    %shift_left3A_706 = vector.broadcast %shift_left3A_705 : i32 to vector<16xi32>
    %shift_left3A_707 = arith.shli %shift_right_logical3A_704, %shift_left3A_706 : vector<16xi32>
    %swap3A_708 = arith.constant 624 : index
    %swap3A_709 = tpu.vector_load %arg7[%swap3A_708] {strides = array<i32>} : memref<1024xi32, #tpu.memory_space<vmem>>, vector<16xi32>,
    tpu.vector_store %arg7[%swap3A_708], %shift_left3A_707 {strides = array<i32>} : memref<1024xi32, #tpu.memory_space<vmem>>, vector<16xi32>,
    %and3A_710 = arith.constant 127 : i32
    %and3A_711 = vector.broadcast %and3A_710 : i32 to vector<16xi32>
    %and3A_712 = arith.andi %get3A_701, %and3A_711 : vector<16xi32>
    %mul3A_713 = arith.constant 768 : i32
    %mul3A_714 = vector.broadcast %mul3A_713 : i32 to vector<16xi32>
    %mul3A_715 = arith.muli %and3A_712, %mul3A_714 : vector<16xi32>
    %swap3A_716 = arith.constant 624 : index
    %swap3A_717 = tpu.vector_load %arg8[%swap3A_716] {strides = array<i32>} : memref<1024xi32, #tpu.memory_space<vmem>>, vector<16xi32>,
    tpu.vector_store %arg8[%swap3A_716], %mul3A_715 {strides = array<i32>} : memref<1024xi32, #tpu.memory_space<vmem>>, vector<16xi32>,
    %get3A_718 = arith.constant 640 : index
    %get3A_719 = tpu.vector_load %arg6[%get3A_718] {strides = array<i32>} : memref<1024xi32, #tpu.memory_space<vmem>>, vector<16xi32>,
    %shift_right_logical3A_720 = arith.constant 7 : i32
    %shift_right_logical3A_721 = vector.broadcast %shift_right_logical3A_720 : i32 to vector<16xi32>
    %shift_right_logical3A_722 = arith.shrui %get3A_719, %shift_right_logical3A_721 : vector<16xi32>
    %shift_left3A_723 = arith.constant 8 : i32
    %shift_left3A_724 = vector.broadcast %shift_left3A_723 : i32 to vector<16xi32>
    %shift_left3A_725 = arith.shli %shift_right_logical3A_722, %shift_left3A_724 : vector<16xi32>
    %swap3A_726 = arith.constant 640 : index
    %swap3A_727 = tpu.vector_load %arg7[%swap3A_726] {strides = array<i32>} : memref<1024xi32, #tpu.memory_space<vmem>>, vector<16xi32>,
    tpu.vector_store %arg7[%swap3A_726], %shift_left3A_725 {strides = array<i32>} : memref<1024xi32, #tpu.memory_space<vmem>>, vector<16xi32>,
    %and3A_728 = arith.constant 127 : i32
    %and3A_729 = vector.broadcast %and3A_728 : i32 to vector<16xi32>
    %and3A_730 = arith.andi %get3A_719, %and3A_729 : vector<16xi32>
    %mul3A_731 = arith.constant 768 : i32
    %mul3A_732 = vector.broadcast %mul3A_731 : i32 to vector<16xi32>
    %mul3A_733 = arith.muli %and3A_730, %mul3A_732 : vector<16xi32>
    %swap3A_734 = arith.constant 640 : index
    %swap3A_735 = tpu.vector_load %arg8[%swap3A_734] {strides = array<i32>} : memref<1024xi32, #tpu.memory_space<vmem>>, vector<16xi32>,
    tpu.vector_store %arg8[%swap3A_734], %mul3A_733 {strides = array<i32>} : memref<1024xi32, #tpu.memory_space<vmem>>, vector<16xi32>,
    %get3A_736 = arith.constant 656 : index
    %get3A_737 = tpu.vector_load %arg6[%get3A_736] {strides = array<i32>} : memref<1024xi32, #tpu.memory_space<vmem>>, vector<16xi32>,
    %shift_right_logical3A_738 = arith.constant 7 : i32
    %shift_right_logical3A_739 = vector.broadcast %shift_right_logical3A_738 : i32 to vector<16xi32>
    %shift_right_logical3A_740 = arith.shrui %get3A_737, %shift_right_logical3A_739 : vector<16xi32>
    %shift_left3A_741 = arith.constant 8 : i32
    %shift_left3A_742 = vector.broadcast %shift_left3A_741 : i32 to vector<16xi32>
    %shift_left3A_743 = arith.shli %shift_right_logical3A_740, %shift_left3A_742 : vector<16xi32>
    %swap3A_744 = arith.constant 656 : index
    %swap3A_745 = tpu.vector_load %arg7[%swap3A_744] {strides = array<i32>} : memref<1024xi32, #tpu.memory_space<vmem>>, vector<16xi32>,
    tpu.vector_store %arg7[%swap3A_744], %shift_left3A_743 {strides = array<i32>} : memref<1024xi32, #tpu.memory_space<vmem>>, vector<16xi32>,
    %and3A_746 = arith.constant 127 : i32
    %and3A_747 = vector.broadcast %and3A_746 : i32 to vector<16xi32>
    %and3A_748 = arith.andi %get3A_737, %and3A_747 : vector<16xi32>
    %mul3A_749 = arith.constant 768 : i32
    %mul3A_750 = vector.broadcast %mul3A_749 : i32 to vector<16xi32>
    %mul3A_751 = arith.muli %and3A_748, %mul3A_750 : vector<16xi32>
    %swap3A_752 = arith.constant 656 : index
    %swap3A_753 = tpu.vector_load %arg8[%swap3A_752] {strides = array<i32>} : memref<1024xi32, #tpu.memory_space<vmem>>, vector<16xi32>,
    tpu.vector_store %arg8[%swap3A_752], %mul3A_751 {strides = array<i32>} : memref<1024xi32, #tpu.memory_space<vmem>>, vector<16xi32>,
    %get3A_754 = arith.constant 672 : index
    %get3A_755 = tpu.vector_load %arg6[%get3A_754] {strides = array<i32>} : memref<1024xi32, #tpu.memory_space<vmem>>, vector<16xi32>,
    %shift_right_logical3A_756 = arith.constant 7 : i32
    %shift_right_logical3A_757 = vector.broadcast %shift_right_logical3A_756 : i32 to vector<16xi32>
    %shift_right_logical3A_758 = arith.shrui %get3A_755, %shift_right_logical3A_757 : vector<16xi32>
    %shift_left3A_759 = arith.constant 8 : i32
    %shift_left3A_760 = vector.broadcast %shift_left3A_759 : i32 to vector<16xi32>
    %shift_left3A_761 = arith.shli %shift_right_logical3A_758, %shift_left3A_760 : vector<16xi32>
    %swap3A_762 = arith.constant 672 : index
    %swap3A_763 = tpu.vector_load %arg7[%swap3A_762] {strides = array<i32>} : memref<1024xi32, #tpu.memory_space<vmem>>, vector<16xi32>,
    tpu.vector_store %arg7[%swap3A_762], %shift_left3A_761 {strides = array<i32>} : memref<1024xi32, #tpu.memory_space<vmem>>, vector<16xi32>,
    %and3A_764 = arith.constant 127 : i32
    %and3A_765 = vector.broadcast %and3A_764 : i32 to vector<16xi32>
    %and3A_766 = arith.andi %get3A_755, %and3A_765 : vector<16xi32>
    %mul3A_767 = arith.constant 768 : i32
    %mul3A_768 = vector.broadcast %mul3A_767 : i32 to vector<16xi32>
    %mul3A_769 = arith.muli %and3A_766, %mul3A_768 : vector<16xi32>
    %swap3A_770 = arith.constant 672 : index
    %swap3A_771 = tpu.vector_load %arg8[%swap3A_770] {strides = array<i32>} : memref<1024xi32, #tpu.memory_space<vmem>>, vector<16xi32>,
    tpu.vector_store %arg8[%swap3A_770], %mul3A_769 {strides = array<i32>} : memref<1024xi32, #tpu.memory_space<vmem>>, vector<16xi32>,
    %get3A_772 = arith.constant 688 : index
    %get3A_773 = tpu.vector_load %arg6[%get3A_772] {strides = array<i32>} : memref<1024xi32, #tpu.memory_space<vmem>>, vector<16xi32>,
    %shift_right_logical3A_774 = arith.constant 7 : i32
    %shift_right_logical3A_775 = vector.broadcast %shift_right_logical3A_774 : i32 to vector<16xi32>
    %shift_right_logical3A_776 = arith.shrui %get3A_773, %shift_right_logical3A_775 : vector<16xi32>
    %shift_left3A_777 = arith.constant 8 : i32
    %shift_left3A_778 = vector.broadcast %shift_left3A_777 : i32 to vector<16xi32>
    %shift_left3A_779 = arith.shli %shift_right_logical3A_776, %shift_left3A_778 : vector<16xi32>
    %swap3A_780 = arith.constant 688 : index
    %swap3A_781 = tpu.vector_load %arg7[%swap3A_780] {strides = array<i32>} : memref<1024xi32, #tpu.memory_space<vmem>>, vector<16xi32>,
    tpu.vector_store %arg7[%swap3A_780], %shift_left3A_779 {strides = array<i32>} : memref<1024xi32, #tpu.memory_space<vmem>>, vector<16xi32>,
    %and3A_782 = arith.constant 127 : i32
    %and3A_783 = vector.broadcast %and3A_782 : i32 to vector<16xi32>
    %and3A_784 = arith.andi %get3A_773, %and3A_783 : vector<16xi32>
    %mul3A_785 = arith.constant 768 : i32
    %mul3A_786 = vector.broadcast %mul3A_785 : i32 to vector<16xi32>
    %mul3A_787 = arith.muli %and3A_784, %mul3A_786 : vector<16xi32>
    %swap3A_788 = arith.constant 688 : index
    %swap3A_789 = tpu.vector_load %arg8[%swap3A_788] {strides = array<i32>} : memref<1024xi32, #tpu.memory_space<vmem>>, vector<16xi32>,
    tpu.vector_store %arg8[%swap3A_788], %mul3A_787 {strides = array<i32>} : memref<1024xi32, #tpu.memory_space<vmem>>, vector<16xi32>,
    %get3A_790 = arith.constant 704 : index
    %get3A_791 = tpu.vector_load %arg6[%get3A_790] {strides = array<i32>} : memref<1024xi32, #tpu.memory_space<vmem>>, vector<16xi32>,
    %shift_right_logical3A_792 = arith.constant 7 : i32
    %shift_right_logical3A_793 = vector.broadcast %shift_right_logical3A_792 : i32 to vector<16xi32>
    %shift_right_logical3A_794 = arith.shrui %get3A_791, %shift_right_logical3A_793 : vector<16xi32>
    %shift_left3A_795 = arith.constant 8 : i32
    %shift_left3A_796 = vector.broadcast %shift_left3A_795 : i32 to vector<16xi32>
    %shift_left3A_797 = arith.shli %shift_right_logical3A_794, %shift_left3A_796 : vector<16xi32>
    %swap3A_798 = arith.constant 704 : index
    %swap3A_799 = tpu.vector_load %arg7[%swap3A_798] {strides = array<i32>} : memref<1024xi32, #tpu.memory_space<vmem>>, vector<16xi32>,
    tpu.vector_store %arg7[%swap3A_798], %shift_left3A_797 {strides = array<i32>} : memref<1024xi32, #tpu.memory_space<vmem>>, vector<16xi32>,
    %and3A_800 = arith.constant 127 : i32
    %and3A_801 = vector.broadcast %and3A_800 : i32 to vector<16xi32>
    %and3A_802 = arith.andi %get3A_791, %and3A_801 : vector<16xi32>
    %mul3A_803 = arith.constant 768 : i32
    %mul3A_804 = vector.broadcast %mul3A_803 : i32 to vector<16xi32>
    %mul3A_805 = arith.muli %and3A_802, %mul3A_804 : vector<16xi32>
    %swap3A_806 = arith.constant 704 : index
    %swap3A_807 = tpu.vector_load %arg8[%swap3A_806] {strides = array<i32>} : memref<1024xi32, #tpu.memory_space<vmem>>, vector<16xi32>,
    tpu.vector_store %arg8[%swap3A_806], %mul3A_805 {strides = array<i32>} : memref<1024xi32, #tpu.memory_space<vmem>>, vector<16xi32>,
    %get3A_808 = arith.constant 720 : index
    %get3A_809 = tpu.vector_load %arg6[%get3A_808] {strides = array<i32>} : memref<1024xi32, #tpu.memory_space<vmem>>, vector<16xi32>,
    %shift_right_logical3A_810 = arith.constant 7 : i32
    %shift_right_logical3A_811 = vector.broadcast %shift_right_logical3A_810 : i32 to vector<16xi32>
    %shift_right_logical3A_812 = arith.shrui %get3A_809, %shift_right_logical3A_811 : vector<16xi32>
    %shift_left3A_813 = arith.constant 8 : i32
    %shift_left3A_814 = vector.broadcast %shift_left3A_813 : i32 to vector<16xi32>
    %shift_left3A_815 = arith.shli %shift_right_logical3A_812, %shift_left3A_814 : vector<16xi32>
    %swap3A_816 = arith.constant 720 : index
    %swap3A_817 = tpu.vector_load %arg7[%swap3A_816] {strides = array<i32>} : memref<1024xi32, #tpu.memory_space<vmem>>, vector<16xi32>,
    tpu.vector_store %arg7[%swap3A_816], %shift_left3A_815 {strides = array<i32>} : memref<1024xi32, #tpu.memory_space<vmem>>, vector<16xi32>,
    %and3A_818 = arith.constant 127 : i32
    %and3A_819 = vector.broadcast %and3A_818 : i32 to vector<16xi32>
    %and3A_820 = arith.andi %get3A_809, %and3A_819 : vector<16xi32>
    %mul3A_821 = arith.constant 768 : i32
    %mul3A_822 = vector.broadcast %mul3A_821 : i32 to vector<16xi32>
    %mul3A_823 = arith.muli %and3A_820, %mul3A_822 : vector<16xi32>
    %swap3A_824 = arith.constant 720 : index
    %swap3A_825 = tpu.vector_load %arg8[%swap3A_824] {strides = array<i32>} : memref<1024xi32, #tpu.memory_space<vmem>>, vector<16xi32>,
    tpu.vector_store %arg8[%swap3A_824], %mul3A_823 {strides = array<i32>} : memref<1024xi32, #tpu.memory_space<vmem>>, vector<16xi32>,
    %get3A_826 = arith.constant 736 : index
    %get3A_827 = tpu.vector_load %arg6[%get3A_826] {strides = array<i32>} : memref<1024xi32, #tpu.memory_space<vmem>>, vector<16xi32>,
    %shift_right_logical3A_828 = arith.constant 7 : i32
    %shift_right_logical3A_829 = vector.broadcast %shift_right_logical3A_828 : i32 to vector<16xi32>
    %shift_right_logical3A_830 = arith.shrui %get3A_827, %shift_right_logical3A_829 : vector<16xi32>
    %shift_left3A_831 = arith.constant 8 : i32
    %shift_left3A_832 = vector.broadcast %shift_left3A_831 : i32 to vector<16xi32>
    %shift_left3A_833 = arith.shli %shift_right_logical3A_830, %shift_left3A_832 : vector<16xi32>
    %swap3A_834 = arith.constant 736 : index
    %swap3A_835 = tpu.vector_load %arg7[%swap3A_834] {strides = array<i32>} : memref<1024xi32, #tpu.memory_space<vmem>>, vector<16xi32>,
    tpu.vector_store %arg7[%swap3A_834], %shift_left3A_833 {strides = array<i32>} : memref<1024xi32, #tpu.memory_space<vmem>>, vector<16xi32>,
    %and3A_836 = arith.constant 127 : i32
    %and3A_837 = vector.broadcast %and3A_836 : i32 to vector<16xi32>
    %and3A_838 = arith.andi %get3A_827, %and3A_837 : vector<16xi32>
    %mul3A_839 = arith.constant 768 : i32
    %mul3A_840 = vector.broadcast %mul3A_839 : i32 to vector<16xi32>
    %mul3A_841 = arith.muli %and3A_838, %mul3A_840 : vector<16xi32>
    %swap3A_842 = arith.constant 736 : index
    %swap3A_843 = tpu.vector_load %arg8[%swap3A_842] {strides = array<i32>} : memref<1024xi32, #tpu.memory_space<vmem>>, vector<16xi32>,
    tpu.vector_store %arg8[%swap3A_842], %mul3A_841 {strides = array<i32>} : memref<1024xi32, #tpu.memory_space<vmem>>, vector<16xi32>,
    %get3A_844 = arith.constant 752 : index
    %get3A_845 = tpu.vector_load %arg6[%get3A_844] {strides = array<i32>} : memref<1024xi32, #tpu.memory_space<vmem>>, vector<16xi32>,
    %shift_right_logical3A_846 = arith.constant 7 : i32
    %shift_right_logical3A_847 = vector.broadcast %shift_right_logical3A_846 : i32 to vector<16xi32>
    %shift_right_logical3A_848 = arith.shrui %get3A_845, %shift_right_logical3A_847 : vector<16xi32>
    %shift_left3A_849 = arith.constant 8 : i32
    %shift_left3A_850 = vector.broadcast %shift_left3A_849 : i32 to vector<16xi32>
    %shift_left3A_851 = arith.shli %shift_right_logical3A_848, %shift_left3A_850 : vector<16xi32>
    %swap3A_852 = arith.constant 752 : index
    %swap3A_853 = tpu.vector_load %arg7[%swap3A_852] {strides = array<i32>} : memref<1024xi32, #tpu.memory_space<vmem>>, vector<16xi32>,
    tpu.vector_store %arg7[%swap3A_852], %shift_left3A_851 {strides = array<i32>} : memref<1024xi32, #tpu.memory_space<vmem>>, vector<16xi32>,
    %and3A_854 = arith.constant 127 : i32
    %and3A_855 = vector.broadcast %and3A_854 : i32 to vector<16xi32>
    %and3A_856 = arith.andi %get3A_845, %and3A_855 : vector<16xi32>
    %mul3A_857 = arith.constant 768 : i32
    %mul3A_858 = vector.broadcast %mul3A_857 : i32 to vector<16xi32>
    %mul3A_859 = arith.muli %and3A_856, %mul3A_858 : vector<16xi32>
    %swap3A_860 = arith.constant 752 : index
    %swap3A_861 = tpu.vector_load %arg8[%swap3A_860] {strides = array<i32>} : memref<1024xi32, #tpu.memory_space<vmem>>, vector<16xi32>,
    tpu.vector_store %arg8[%swap3A_860], %mul3A_859 {strides = array<i32>} : memref<1024xi32, #tpu.memory_space<vmem>>, vector<16xi32>,
    %get3A_862 = arith.constant 768 : index
    %get3A_863 = tpu.vector_load %arg6[%get3A_862] {strides = array<i32>} : memref<1024xi32, #tpu.memory_space<vmem>>, vector<16xi32>,
    %shift_right_logical3A_864 = arith.constant 7 : i32
    %shift_right_logical3A_865 = vector.broadcast %shift_right_logical3A_864 : i32 to vector<16xi32>
    %shift_right_logical3A_866 = arith.shrui %get3A_863, %shift_right_logical3A_865 : vector<16xi32>
    %shift_left3A_867 = arith.constant 8 : i32
    %shift_left3A_868 = vector.broadcast %shift_left3A_867 : i32 to vector<16xi32>
    %shift_left3A_869 = arith.shli %shift_right_logical3A_866, %shift_left3A_868 : vector<16xi32>
    %swap3A_870 = arith.constant 768 : index
    %swap3A_871 = tpu.vector_load %arg7[%swap3A_870] {strides = array<i32>} : memref<1024xi32, #tpu.memory_space<vmem>>, vector<16xi32>,
    tpu.vector_store %arg7[%swap3A_870], %shift_left3A_869 {strides = array<i32>} : memref<1024xi32, #tpu.memory_space<vmem>>, vector<16xi32>,
    %and3A_872 = arith.constant 127 : i32
    %and3A_873 = vector.broadcast %and3A_872 : i32 to vector<16xi32>
    %and3A_874 = arith.andi %get3A_863, %and3A_873 : vector<16xi32>
    %mul3A_875 = arith.constant 768 : i32
    %mul3A_876 = vector.broadcast %mul3A_875 : i32 to vector<16xi32>
    %mul3A_877 = arith.muli %and3A_874, %mul3A_876 : vector<16xi32>
    %swap3A_878 = arith.constant 768 : index
    %swap3A_879 = tpu.vector_load %arg8[%swap3A_878] {strides = array<i32>} : memref<1024xi32, #tpu.memory_space<vmem>>, vector<16xi32>,
    tpu.vector_store %arg8[%swap3A_878], %mul3A_877 {strides = array<i32>} : memref<1024xi32, #tpu.memory_space<vmem>>, vector<16xi32>,
    %get3A_880 = arith.constant 784 : index
    %get3A_881 = tpu.vector_load %arg6[%get3A_880] {strides = array<i32>} : memref<1024xi32, #tpu.memory_space<vmem>>, vector<16xi32>,
    %shift_right_logical3A_882 = arith.constant 7 : i32
    %shift_right_logical3A_883 = vector.broadcast %shift_right_logical3A_882 : i32 to vector<16xi32>
    %shift_right_logical3A_884 = arith.shrui %get3A_881, %shift_right_logical3A_883 : vector<16xi32>
    %shift_left3A_885 = arith.constant 8 : i32
    %shift_left3A_886 = vector.broadcast %shift_left3A_885 : i32 to vector<16xi32>
    %shift_left3A_887 = arith.shli %shift_right_logical3A_884, %shift_left3A_886 : vector<16xi32>
    %swap3A_888 = arith.constant 784 : index
    %swap3A_889 = tpu.vector_load %arg7[%swap3A_888] {strides = array<i32>} : memref<1024xi32, #tpu.memory_space<vmem>>, vector<16xi32>,
    tpu.vector_store %arg7[%swap3A_888], %shift_left3A_887 {strides = array<i32>} : memref<1024xi32, #tpu.memory_space<vmem>>, vector<16xi32>,
    %and3A_890 = arith.constant 127 : i32
    %and3A_891 = vector.broadcast %and3A_890 : i32 to vector<16xi32>
    %and3A_892 = arith.andi %get3A_881, %and3A_891 : vector<16xi32>
    %mul3A_893 = arith.constant 768 : i32
    %mul3A_894 = vector.broadcast %mul3A_893 : i32 to vector<16xi32>
    %mul3A_895 = arith.muli %and3A_892, %mul3A_894 : vector<16xi32>
    %swap3A_896 = arith.constant 784 : index
    %swap3A_897 = tpu.vector_load %arg8[%swap3A_896] {strides = array<i32>} : memref<1024xi32, #tpu.memory_space<vmem>>, vector<16xi32>,
    tpu.vector_store %arg8[%swap3A_896], %mul3A_895 {strides = array<i32>} : memref<1024xi32, #tpu.memory_space<vmem>>, vector<16xi32>,
    %get3A_898 = arith.constant 800 : index
    %get3A_899 = tpu.vector_load %arg6[%get3A_898] {strides = array<i32>} : memref<1024xi32, #tpu.memory_space<vmem>>, vector<16xi32>,
    %shift_right_logical3A_900 = arith.constant 7 : i32
    %shift_right_logical3A_901 = vector.broadcast %shift_right_logical3A_900 : i32 to vector<16xi32>
    %shift_right_logical3A_902 = arith.shrui %get3A_899, %shift_right_logical3A_901 : vector<16xi32>
    %shift_left3A_903 = arith.constant 8 : i32
    %shift_left3A_904 = vector.broadcast %shift_left3A_903 : i32 to vector<16xi32>
    %shift_left3A_905 = arith.shli %shift_right_logical3A_902, %shift_left3A_904 : vector<16xi32>
    %swap3A_906 = arith.constant 800 : index
    %swap3A_907 = tpu.vector_load %arg7[%swap3A_906] {strides = array<i32>} : memref<1024xi32, #tpu.memory_space<vmem>>, vector<16xi32>,
    tpu.vector_store %arg7[%swap3A_906], %shift_left3A_905 {strides = array<i32>} : memref<1024xi32, #tpu.memory_space<vmem>>, vector<16xi32>,
    %and3A_908 = arith.constant 127 : i32
    %and3A_909 = vector.broadcast %and3A_908 : i32 to vector<16xi32>
    %and3A_910 = arith.andi %get3A_899, %and3A_909 : vector<16xi32>
    %mul3A_911 = arith.constant 768 : i32
    %mul3A_912 = vector.broadcast %mul3A_911 : i32 to vector<16xi32>
    %mul3A_913 = arith.muli %and3A_910, %mul3A_912 : vector<16xi32>
    %swap3A_914 = arith.constant 800 : index
    %swap3A_915 = tpu.vector_load %arg8[%swap3A_914] {strides = array<i32>} : memref<1024xi32, #tpu.memory_space<vmem>>, vector<16xi32>,
    tpu.vector_store %arg8[%swap3A_914], %mul3A_913 {strides = array<i32>} : memref<1024xi32, #tpu.memory_space<vmem>>, vector<16xi32>,
    %get3A_916 = arith.constant 816 : index
    %get3A_917 = tpu.vector_load %arg6[%get3A_916] {strides = array<i32>} : memref<1024xi32, #tpu.memory_space<vmem>>, vector<16xi32>,
    %shift_right_logical3A_918 = arith.constant 7 : i32
    %shift_right_logical3A_919 = vector.broadcast %shift_right_logical3A_918 : i32 to vector<16xi32>
    %shift_right_logical3A_920 = arith.shrui %get3A_917, %shift_right_logical3A_919 : vector<16xi32>
    %shift_left3A_921 = arith.constant 8 : i32
    %shift_left3A_922 = vector.broadcast %shift_left3A_921 : i32 to vector<16xi32>
    %shift_left3A_923 = arith.shli %shift_right_logical3A_920, %shift_left3A_922 : vector<16xi32>
    %swap3A_924 = arith.constant 816 : index
    %swap3A_925 = tpu.vector_load %arg7[%swap3A_924] {strides = array<i32>} : memref<1024xi32, #tpu.memory_space<vmem>>, vector<16xi32>,
    tpu.vector_store %arg7[%swap3A_924], %shift_left3A_923 {strides = array<i32>} : memref<1024xi32, #tpu.memory_space<vmem>>, vector<16xi32>,
    %and3A_926 = arith.constant 127 : i32
    %and3A_927 = vector.broadcast %and3A_926 : i32 to vector<16xi32>
    %and3A_928 = arith.andi %get3A_917, %and3A_927 : vector<16xi32>
    %mul3A_929 = arith.constant 768 : i32
    %mul3A_930 = vector.broadcast %mul3A_929 : i32 to vector<16xi32>
    %mul3A_931 = arith.muli %and3A_928, %mul3A_930 : vector<16xi32>
    %swap3A_932 = arith.constant 816 : index
    %swap3A_933 = tpu.vector_load %arg8[%swap3A_932] {strides = array<i32>} : memref<1024xi32, #tpu.memory_space<vmem>>, vector<16xi32>,
    tpu.vector_store %arg8[%swap3A_932], %mul3A_931 {strides = array<i32>} : memref<1024xi32, #tpu.memory_space<vmem>>, vector<16xi32>,
    %get3A_934 = arith.constant 832 : index
    %get3A_935 = tpu.vector_load %arg6[%get3A_934] {strides = array<i32>} : memref<1024xi32, #tpu.memory_space<vmem>>, vector<16xi32>,
    %shift_right_logical3A_936 = arith.constant 7 : i32
    %shift_right_logical3A_937 = vector.broadcast %shift_right_logical3A_936 : i32 to vector<16xi32>
    %shift_right_logical3A_938 = arith.shrui %get3A_935, %shift_right_logical3A_937 : vector<16xi32>
    %shift_left3A_939 = arith.constant 8 : i32
    %shift_left3A_940 = vector.broadcast %shift_left3A_939 : i32 to vector<16xi32>
    %shift_left3A_941 = arith.shli %shift_right_logical3A_938, %shift_left3A_940 : vector<16xi32>
    %swap3A_942 = arith.constant 832 : index
    %swap3A_943 = tpu.vector_load %arg7[%swap3A_942] {strides = array<i32>} : memref<1024xi32, #tpu.memory_space<vmem>>, vector<16xi32>,
    tpu.vector_store %arg7[%swap3A_942], %shift_left3A_941 {strides = array<i32>} : memref<1024xi32, #tpu.memory_space<vmem>>, vector<16xi32>,
    %and3A_944 = arith.constant 127 : i32
    %and3A_945 = vector.broadcast %and3A_944 : i32 to vector<16xi32>
    %and3A_946 = arith.andi %get3A_935, %and3A_945 : vector<16xi32>
    %mul3A_947 = arith.constant 768 : i32
    %mul3A_948 = vector.broadcast %mul3A_947 : i32 to vector<16xi32>
    %mul3A_949 = arith.muli %and3A_946, %mul3A_948 : vector<16xi32>
    %swap3A_950 = arith.constant 832 : index
    %swap3A_951 = tpu.vector_load %arg8[%swap3A_950] {strides = array<i32>} : memref<1024xi32, #tpu.memory_space<vmem>>, vector<16xi32>,
    tpu.vector_store %arg8[%swap3A_950], %mul3A_949 {strides = array<i32>} : memref<1024xi32, #tpu.memory_space<vmem>>, vector<16xi32>,
    %get3A_952 = arith.constant 848 : index
    %get3A_953 = tpu.vector_load %arg6[%get3A_952] {strides = array<i32>} : memref<1024xi32, #tpu.memory_space<vmem>>, vector<16xi32>,
    %shift_right_logical3A_954 = arith.constant 7 : i32
    %shift_right_logical3A_955 = vector.broadcast %shift_right_logical3A_954 : i32 to vector<16xi32>
    %shift_right_logical3A_956 = arith.shrui %get3A_953, %shift_right_logical3A_955 : vector<16xi32>
    %shift_left3A_957 = arith.constant 8 : i32
    %shift_left3A_958 = vector.broadcast %shift_left3A_957 : i32 to vector<16xi32>
    %shift_left3A_959 = arith.shli %shift_right_logical3A_956, %shift_left3A_958 : vector<16xi32>
    %swap3A_960 = arith.constant 848 : index
    %swap3A_961 = tpu.vector_load %arg7[%swap3A_960] {strides = array<i32>} : memref<1024xi32, #tpu.memory_space<vmem>>, vector<16xi32>,
    tpu.vector_store %arg7[%swap3A_960], %shift_left3A_959 {strides = array<i32>} : memref<1024xi32, #tpu.memory_space<vmem>>, vector<16xi32>,
    %and3A_962 = arith.constant 127 : i32
    %and3A_963 = vector.broadcast %and3A_962 : i32 to vector<16xi32>
    %and3A_964 = arith.andi %get3A_953, %and3A_963 : vector<16xi32>
    %mul3A_965 = arith.constant 768 : i32
    %mul3A_966 = vector.broadcast %mul3A_965 : i32 to vector<16xi32>
    %mul3A_967 = arith.muli %and3A_964, %mul3A_966 : vector<16xi32>
    %swap3A_968 = arith.constant 848 : index
    %swap3A_969 = tpu.vector_load %arg8[%swap3A_968] {strides = array<i32>} : memref<1024xi32, #tpu.memory_space<vmem>>, vector<16xi32>,
    tpu.vector_store %arg8[%swap3A_968], %mul3A_967 {strides = array<i32>} : memref<1024xi32, #tpu.memory_space<vmem>>, vector<16xi32>,
    %get3A_970 = arith.constant 864 : index
    %get3A_971 = tpu.vector_load %arg6[%get3A_970] {strides = array<i32>} : memref<1024xi32, #tpu.memory_space<vmem>>, vector<16xi32>,
    %shift_right_logical3A_972 = arith.constant 7 : i32
    %shift_right_logical3A_973 = vector.broadcast %shift_right_logical3A_972 : i32 to vector<16xi32>
    %shift_right_logical3A_974 = arith.shrui %get3A_971, %shift_right_logical3A_973 : vector<16xi32>
    %shift_left3A_975 = arith.constant 8 : i32
    %shift_left3A_976 = vector.broadcast %shift_left3A_975 : i32 to vector<16xi32>
    %shift_left3A_977 = arith.shli %shift_right_logical3A_974, %shift_left3A_976 : vector<16xi32>
    %swap3A_978 = arith.constant 864 : index
    %swap3A_979 = tpu.vector_load %arg7[%swap3A_978] {strides = array<i32>} : memref<1024xi32, #tpu.memory_space<vmem>>, vector<16xi32>,
    tpu.vector_store %arg7[%swap3A_978], %shift_left3A_977 {strides = array<i32>} : memref<1024xi32, #tpu.memory_space<vmem>>, vector<16xi32>,
    %and3A_980 = arith.constant 127 : i32
    %and3A_981 = vector.broadcast %and3A_980 : i32 to vector<16xi32>
    %and3A_982 = arith.andi %get3A_971, %and3A_981 : vector<16xi32>
    %mul3A_983 = arith.constant 768 : i32
    %mul3A_984 = vector.broadcast %mul3A_983 : i32 to vector<16xi32>
    %mul3A_985 = arith.muli %and3A_982, %mul3A_984 : vector<16xi32>
    %swap3A_986 = arith.constant 864 : index
    %swap3A_987 = tpu.vector_load %arg8[%swap3A_986] {strides = array<i32>} : memref<1024xi32, #tpu.memory_space<vmem>>, vector<16xi32>,
    tpu.vector_store %arg8[%swap3A_986], %mul3A_985 {strides = array<i32>} : memref<1024xi32, #tpu.memory_space<vmem>>, vector<16xi32>,
    %get3A_988 = arith.constant 880 : index
    %get3A_989 = tpu.vector_load %arg6[%get3A_988] {strides = array<i32>} : memref<1024xi32, #tpu.memory_space<vmem>>, vector<16xi32>,
    %shift_right_logical3A_990 = arith.constant 7 : i32
    %shift_right_logical3A_991 = vector.broadcast %shift_right_logical3A_990 : i32 to vector<16xi32>
    %shift_right_logical3A_992 = arith.shrui %get3A_989, %shift_right_logical3A_991 : vector<16xi32>
    %shift_left3A_993 = arith.constant 8 : i32
    %shift_left3A_994 = vector.broadcast %shift_left3A_993 : i32 to vector<16xi32>
    %shift_left3A_995 = arith.shli %shift_right_logical3A_992, %shift_left3A_994 : vector<16xi32>
    %swap3A_996 = arith.constant 880 : index
    %swap3A_997 = tpu.vector_load %arg7[%swap3A_996] {strides = array<i32>} : memref<1024xi32, #tpu.memory_space<vmem>>, vector<16xi32>,
    tpu.vector_store %arg7[%swap3A_996], %shift_left3A_995 {strides = array<i32>} : memref<1024xi32, #tpu.memory_space<vmem>>, vector<16xi32>,
    %and3A_998 = arith.constant 127 : i32
    %and3A_999 = vector.broadcast %and3A_998 : i32 to vector<16xi32>
    %and3A_1000 = arith.andi %get3A_989, %and3A_999 : vector<16xi32>
    %mul3A_1001 = arith.constant 768 : i32
    %mul3A_1002 = vector.broadcast %mul3A_1001 : i32 to vector<16xi32>
    %mul3A_1003 = arith.muli %and3A_1000, %mul3A_1002 : vector<16xi32>
    %swap3A_1004 = arith.constant 880 : index
    %swap3A_1005 = tpu.vector_load %arg8[%swap3A_1004] {strides = array<i32>} : memref<1024xi32, #tpu.memory_space<vmem>>, vector<16xi32>,
    tpu.vector_store %arg8[%swap3A_1004], %mul3A_1003 {strides = array<i32>} : memref<1024xi32, #tpu.memory_space<vmem>>, vector<16xi32>,
    %get3A_1006 = arith.constant 896 : index
    %get3A_1007 = tpu.vector_load %arg6[%get3A_1006] {strides = array<i32>} : memref<1024xi32, #tpu.memory_space<vmem>>, vector<16xi32>,
    %shift_right_logical3A_1008 = arith.constant 7 : i32
    %shift_right_logical3A_1009 = vector.broadcast %shift_right_logical3A_1008 : i32 to vector<16xi32>
    %shift_right_logical3A_1010 = arith.shrui %get3A_1007, %shift_right_logical3A_1009 : vector<16xi32>
    %shift_left3A_1011 = arith.constant 8 : i32
    %shift_left3A_1012 = vector.broadcast %shift_left3A_1011 : i32 to vector<16xi32>
    %shift_left3A_1013 = arith.shli %shift_right_logical3A_1010, %shift_left3A_1012 : vector<16xi32>
    %swap3A_1014 = arith.constant 896 : index
    %swap3A_1015 = tpu.vector_load %arg7[%swap3A_1014] {strides = array<i32>} : memref<1024xi32, #tpu.memory_space<vmem>>, vector<16xi32>,
    tpu.vector_store %arg7[%swap3A_1014], %shift_left3A_1013 {strides = array<i32>} : memref<1024xi32, #tpu.memory_space<vmem>>, vector<16xi32>,
    %and3A_1016 = arith.constant 127 : i32
    %and3A_1017 = vector.broadcast %and3A_1016 : i32 to vector<16xi32>
    %and3A_1018 = arith.andi %get3A_1007, %and3A_1017 : vector<16xi32>
    %mul3A_1019 = arith.constant 768 : i32
    %mul3A_1020 = vector.broadcast %mul3A_1019 : i32 to vector<16xi32>
    %mul3A_1021 = arith.muli %and3A_1018, %mul3A_1020 : vector<16xi32>
    %swap3A_1022 = arith.constant 896 : index
    %swap3A_1023 = tpu.vector_load %arg8[%swap3A_1022] {strides = array<i32>} : memref<1024xi32, #tpu.memory_space<vmem>>, vector<16xi32>,
    tpu.vector_store %arg8[%swap3A_1022], %mul3A_1021 {strides = array<i32>} : memref<1024xi32, #tpu.memory_space<vmem>>, vector<16xi32>,
    %get3A_1024 = arith.constant 912 : index
    %get3A_1025 = tpu.vector_load %arg6[%get3A_1024] {strides = array<i32>} : memref<1024xi32, #tpu.memory_space<vmem>>, vector<16xi32>,
    %shift_right_logical3A_1026 = arith.constant 7 : i32
    %shift_right_logical3A_1027 = vector.broadcast %shift_right_logical3A_1026 : i32 to vector<16xi32>
    %shift_right_logical3A_1028 = arith.shrui %get3A_1025, %shift_right_logical3A_1027 : vector<16xi32>
    %shift_left3A_1029 = arith.constant 8 : i32
    %shift_left3A_1030 = vector.broadcast %shift_left3A_1029 : i32 to vector<16xi32>
    %shift_left3A_1031 = arith.shli %shift_right_logical3A_1028, %shift_left3A_1030 : vector<16xi32>
    %swap3A_1032 = arith.constant 912 : index
    %swap3A_1033 = tpu.vector_load %arg7[%swap3A_1032] {strides = array<i32>} : memref<1024xi32, #tpu.memory_space<vmem>>, vector<16xi32>,
    tpu.vector_store %arg7[%swap3A_1032], %shift_left3A_1031 {strides = array<i32>} : memref<1024xi32, #tpu.memory_space<vmem>>, vector<16xi32>,
    %and3A_1034 = arith.constant 127 : i32
    %and3A_1035 = vector.broadcast %and3A_1034 : i32 to vector<16xi32>
    %and3A_1036 = arith.andi %get3A_1025, %and3A_1035 : vector<16xi32>
    %mul3A_1037 = arith.constant 768 : i32
    %mul3A_1038 = vector.broadcast %mul3A_1037 : i32 to vector<16xi32>
    %mul3A_1039 = arith.muli %and3A_1036, %mul3A_1038 : vector<16xi32>
    %swap3A_1040 = arith.constant 912 : index
    %swap3A_1041 = tpu.vector_load %arg8[%swap3A_1040] {strides = array<i32>} : memref<1024xi32, #tpu.memory_space<vmem>>, vector<16xi32>,
    tpu.vector_store %arg8[%swap3A_1040], %mul3A_1039 {strides = array<i32>} : memref<1024xi32, #tpu.memory_space<vmem>>, vector<16xi32>,
    %get3A_1042 = arith.constant 928 : index
    %get3A_1043 = tpu.vector_load %arg6[%get3A_1042] {strides = array<i32>} : memref<1024xi32, #tpu.memory_space<vmem>>, vector<16xi32>,
    %shift_right_logical3A_1044 = arith.constant 7 : i32
    %shift_right_logical3A_1045 = vector.broadcast %shift_right_logical3A_1044 : i32 to vector<16xi32>
    %shift_right_logical3A_1046 = arith.shrui %get3A_1043, %shift_right_logical3A_1045 : vector<16xi32>
    %shift_left3A_1047 = arith.constant 8 : i32
    %shift_left3A_1048 = vector.broadcast %shift_left3A_1047 : i32 to vector<16xi32>
    %shift_left3A_1049 = arith.shli %shift_right_logical3A_1046, %shift_left3A_1048 : vector<16xi32>
    %swap3A_1050 = arith.constant 928 : index
    %swap3A_1051 = tpu.vector_load %arg7[%swap3A_1050] {strides = array<i32>} : memref<1024xi32, #tpu.memory_space<vmem>>, vector<16xi32>,
    tpu.vector_store %arg7[%swap3A_1050], %shift_left3A_1049 {strides = array<i32>} : memref<1024xi32, #tpu.memory_space<vmem>>, vector<16xi32>,
    %and3A_1052 = arith.constant 127 : i32
    %and3A_1053 = vector.broadcast %and3A_1052 : i32 to vector<16xi32>
    %and3A_1054 = arith.andi %get3A_1043, %and3A_1053 : vector<16xi32>
    %mul3A_1055 = arith.constant 768 : i32
    %mul3A_1056 = vector.broadcast %mul3A_1055 : i32 to vector<16xi32>
    %mul3A_1057 = arith.muli %and3A_1054, %mul3A_1056 : vector<16xi32>
    %swap3A_1058 = arith.constant 928 : index
    %swap3A_1059 = tpu.vector_load %arg8[%swap3A_1058] {strides = array<i32>} : memref<1024xi32, #tpu.memory_space<vmem>>, vector<16xi32>,
    tpu.vector_store %arg8[%swap3A_1058], %mul3A_1057 {strides = array<i32>} : memref<1024xi32, #tpu.memory_space<vmem>>, vector<16xi32>,
    %get3A_1060 = arith.constant 944 : index
    %get3A_1061 = tpu.vector_load %arg6[%get3A_1060] {strides = array<i32>} : memref<1024xi32, #tpu.memory_space<vmem>>, vector<16xi32>,
    %shift_right_logical3A_1062 = arith.constant 7 : i32
    %shift_right_logical3A_1063 = vector.broadcast %shift_right_logical3A_1062 : i32 to vector<16xi32>
    %shift_right_logical3A_1064 = arith.shrui %get3A_1061, %shift_right_logical3A_1063 : vector<16xi32>
    %shift_left3A_1065 = arith.constant 8 : i32
    %shift_left3A_1066 = vector.broadcast %shift_left3A_1065 : i32 to vector<16xi32>
    %shift_left3A_1067 = arith.shli %shift_right_logical3A_1064, %shift_left3A_1066 : vector<16xi32>
    %swap3A_1068 = arith.constant 944 : index
    %swap3A_1069 = tpu.vector_load %arg7[%swap3A_1068] {strides = array<i32>} : memref<1024xi32, #tpu.memory_space<vmem>>, vector<16xi32>,
    tpu.vector_store %arg7[%swap3A_1068], %shift_left3A_1067 {strides = array<i32>} : memref<1024xi32, #tpu.memory_space<vmem>>, vector<16xi32>,
    %and3A_1070 = arith.constant 127 : i32
    %and3A_1071 = vector.broadcast %and3A_1070 : i32 to vector<16xi32>
    %and3A_1072 = arith.andi %get3A_1061, %and3A_1071 : vector<16xi32>
    %mul3A_1073 = arith.constant 768 : i32
    %mul3A_1074 = vector.broadcast %mul3A_1073 : i32 to vector<16xi32>
    %mul3A_1075 = arith.muli %and3A_1072, %mul3A_1074 : vector<16xi32>
    %swap3A_1076 = arith.constant 944 : index
    %swap3A_1077 = tpu.vector_load %arg8[%swap3A_1076] {strides = array<i32>} : memref<1024xi32, #tpu.memory_space<vmem>>, vector<16xi32>,
    tpu.vector_store %arg8[%swap3A_1076], %mul3A_1075 {strides = array<i32>} : memref<1024xi32, #tpu.memory_space<vmem>>, vector<16xi32>,
    %get3A_1078 = arith.constant 960 : index
    %get3A_1079 = tpu.vector_load %arg6[%get3A_1078] {strides = array<i32>} : memref<1024xi32, #tpu.memory_space<vmem>>, vector<16xi32>,
    %shift_right_logical3A_1080 = arith.constant 7 : i32
    %shift_right_logical3A_1081 = vector.broadcast %shift_right_logical3A_1080 : i32 to vector<16xi32>
    %shift_right_logical3A_1082 = arith.shrui %get3A_1079, %shift_right_logical3A_1081 : vector<16xi32>
    %shift_left3A_1083 = arith.constant 8 : i32
    %shift_left3A_1084 = vector.broadcast %shift_left3A_1083 : i32 to vector<16xi32>
    %shift_left3A_1085 = arith.shli %shift_right_logical3A_1082, %shift_left3A_1084 : vector<16xi32>
    %swap3A_1086 = arith.constant 960 : index
    %swap3A_1087 = tpu.vector_load %arg7[%swap3A_1086] {strides = array<i32>} : memref<1024xi32, #tpu.memory_space<vmem>>, vector<16xi32>,
    tpu.vector_store %arg7[%swap3A_1086], %shift_left3A_1085 {strides = array<i32>} : memref<1024xi32, #tpu.memory_space<vmem>>, vector<16xi32>,
    %and3A_1088 = arith.constant 127 : i32
    %and3A_1089 = vector.broadcast %and3A_1088 : i32 to vector<16xi32>
    %and3A_1090 = arith.andi %get3A_1079, %and3A_1089 : vector<16xi32>
    %mul3A_1091 = arith.constant 768 : i32
    %mul3A_1092 = vector.broadcast %mul3A_1091 : i32 to vector<16xi32>
    %mul3A_1093 = arith.muli %and3A_1090, %mul3A_1092 : vector<16xi32>
    %swap3A_1094 = arith.constant 960 : index
    %swap3A_1095 = tpu.vector_load %arg8[%swap3A_1094] {strides = array<i32>} : memref<1024xi32, #tpu.memory_space<vmem>>, vector<16xi32>,
    tpu.vector_store %arg8[%swap3A_1094], %mul3A_1093 {strides = array<i32>} : memref<1024xi32, #tpu.memory_space<vmem>>, vector<16xi32>,
    %get3A_1096 = arith.constant 976 : index
    %get3A_1097 = tpu.vector_load %arg6[%get3A_1096] {strides = array<i32>} : memref<1024xi32, #tpu.memory_space<vmem>>, vector<16xi32>,
    %shift_right_logical3A_1098 = arith.constant 7 : i32
    %shift_right_logical3A_1099 = vector.broadcast %shift_right_logical3A_1098 : i32 to vector<16xi32>
    %shift_right_logical3A_1100 = arith.shrui %get3A_1097, %shift_right_logical3A_1099 : vector<16xi32>
    %shift_left3A_1101 = arith.constant 8 : i32
    %shift_left3A_1102 = vector.broadcast %shift_left3A_1101 : i32 to vector<16xi32>
    %shift_left3A_1103 = arith.shli %shift_right_logical3A_1100, %shift_left3A_1102 : vector<16xi32>
    %swap3A_1104 = arith.constant 976 : index
    %swap3A_1105 = tpu.vector_load %arg7[%swap3A_1104] {strides = array<i32>} : memref<1024xi32, #tpu.memory_space<vmem>>, vector<16xi32>,
    tpu.vector_store %arg7[%swap3A_1104], %shift_left3A_1103 {strides = array<i32>} : memref<1024xi32, #tpu.memory_space<vmem>>, vector<16xi32>,
    %and3A_1106 = arith.constant 127 : i32
    %and3A_1107 = vector.broadcast %and3A_1106 : i32 to vector<16xi32>
    %and3A_1108 = arith.andi %get3A_1097, %and3A_1107 : vector<16xi32>
    %mul3A_1109 = arith.constant 768 : i32
    %mul3A_1110 = vector.broadcast %mul3A_1109 : i32 to vector<16xi32>
    %mul3A_1111 = arith.muli %and3A_1108, %mul3A_1110 : vector<16xi32>
    %swap3A_1112 = arith.constant 976 : index
    %swap3A_1113 = tpu.vector_load %arg8[%swap3A_1112] {strides = array<i32>} : memref<1024xi32, #tpu.memory_space<vmem>>, vector<16xi32>,
    tpu.vector_store %arg8[%swap3A_1112], %mul3A_1111 {strides = array<i32>} : memref<1024xi32, #tpu.memory_space<vmem>>, vector<16xi32>,
    %get3A_1114 = arith.constant 992 : index
    %get3A_1115 = tpu.vector_load %arg6[%get3A_1114] {strides = array<i32>} : memref<1024xi32, #tpu.memory_space<vmem>>, vector<16xi32>,
    %shift_right_logical3A_1116 = arith.constant 7 : i32
    %shift_right_logical3A_1117 = vector.broadcast %shift_right_logical3A_1116 : i32 to vector<16xi32>
    %shift_right_logical3A_1118 = arith.shrui %get3A_1115, %shift_right_logical3A_1117 : vector<16xi32>
    %shift_left3A_1119 = arith.constant 8 : i32
    %shift_left3A_1120 = vector.broadcast %shift_left3A_1119 : i32 to vector<16xi32>
    %shift_left3A_1121 = arith.shli %shift_right_logical3A_1118, %shift_left3A_1120 : vector<16xi32>
    %swap3A_1122 = arith.constant 992 : index
    %swap3A_1123 = tpu.vector_load %arg7[%swap3A_1122] {strides = array<i32>} : memref<1024xi32, #tpu.memory_space<vmem>>, vector<16xi32>,
    tpu.vector_store %arg7[%swap3A_1122], %shift_left3A_1121 {strides = array<i32>} : memref<1024xi32, #tpu.memory_space<vmem>>, vector<16xi32>,
    %and3A_1124 = arith.constant 127 : i32
    %and3A_1125 = vector.broadcast %and3A_1124 : i32 to vector<16xi32>
    %and3A_1126 = arith.andi %get3A_1115, %and3A_1125 : vector<16xi32>
    %mul3A_1127 = arith.constant 768 : i32
    %mul3A_1128 = vector.broadcast %mul3A_1127 : i32 to vector<16xi32>
    %mul3A_1129 = arith.muli %and3A_1126, %mul3A_1128 : vector<16xi32>
    %swap3A_1130 = arith.constant 992 : index
    %swap3A_1131 = tpu.vector_load %arg8[%swap3A_1130] {strides = array<i32>} : memref<1024xi32, #tpu.memory_space<vmem>>, vector<16xi32>,
    tpu.vector_store %arg8[%swap3A_1130], %mul3A_1129 {strides = array<i32>} : memref<1024xi32, #tpu.memory_space<vmem>>, vector<16xi32>,
    %get3A_1132 = arith.constant 1008 : index
    %get3A_1133 = tpu.vector_load %arg6[%get3A_1132] {strides = array<i32>} : memref<1024xi32, #tpu.memory_space<vmem>>, vector<16xi32>,
    %shift_right_logical3A_1134 = arith.constant 7 : i32
    %shift_right_logical3A_1135 = vector.broadcast %shift_right_logical3A_1134 : i32 to vector<16xi32>
    %shift_right_logical3A_1136 = arith.shrui %get3A_1133, %shift_right_logical3A_1135 : vector<16xi32>
    %shift_left3A_1137 = arith.constant 8 : i32
    %shift_left3A_1138 = vector.broadcast %shift_left3A_1137 : i32 to vector<16xi32>
    %shift_left3A_1139 = arith.shli %shift_right_logical3A_1136, %shift_left3A_1138 : vector<16xi32>
    %swap3A_1140 = arith.constant 1008 : index
    %swap3A_1141 = tpu.vector_load %arg7[%swap3A_1140] {strides = array<i32>} : memref<1024xi32, #tpu.memory_space<vmem>>, vector<16xi32>,
    tpu.vector_store %arg7[%swap3A_1140], %shift_left3A_1139 {strides = array<i32>} : memref<1024xi32, #tpu.memory_space<vmem>>, vector<16xi32>,
    %and3A_1142 = arith.constant 127 : i32
    %and3A_1143 = vector.broadcast %and3A_1142 : i32 to vector<16xi32>
    %and3A_1144 = arith.andi %get3A_1133, %and3A_1143 : vector<16xi32>
    %mul3A_1145 = arith.constant 768 : i32
    %mul3A_1146 = vector.broadcast %mul3A_1145 : i32 to vector<16xi32>
    %mul3A_1147 = arith.muli %and3A_1144, %mul3A_1146 : vector<16xi32>
    %swap3A_1148 = arith.constant 1008 : index
    %swap3A_1149 = tpu.vector_load %arg8[%swap3A_1148] {strides = array<i32>} : memref<1024xi32, #tpu.memory_space<vmem>>, vector<16xi32>,
    tpu.vector_store %arg8[%swap3A_1148], %mul3A_1147 {strides = array<i32>} : memref<1024xi32, #tpu.memory_space<vmem>>, vector<16xi32>,
    tpu.wait_dma2 semaphore(%arg12 : memref<!tpu.dma_semaphore, #tpu.memory_space<semaphore_mem>>) src(%arg3 : memref<16384xf32, #tpu.memory_space<hbm>>) dst(%arg9 : memref<16384xf32, #tpu.memory_space<vmem>>)
    tpu.wait_dma2 semaphore(%arg12 : memref<!tpu.dma_semaphore, #tpu.memory_space<semaphore_mem>>) src(%arg4 : memref<98304xf32, #tpu.memory_space<hbm>>) dst(%arg10 : memref<98304xf32, #tpu.memory_space<vmem>>)
    %iota3A = tpu.iota {dimensions = array<i32: 0>} : vector<16xi32>
    %scan3A = arith.constant 0 : i32
    %scan3A_1150 = arith.constant 0 : i32
    %scan3A_1151 = arith.constant 128 : i32
    %scan3A_1152 = arith.addi %scan3A_1150, %scan3A_1151 : i32
    %scan3A_1153 = arith.constant 1 : i32
    scf.for %scan3A_1180 = %scan3A_1150 to %scan3A_1152 step %scan3A_1153  : i32 {
      %mul3A_1181 = arith.constant 2 : i32
      %mul3A_1182 = arith.muli %scan3A_1180, %mul3A_1181 : i32
      %add3A_1183 = arith.constant 0 : i32
      %add3A_1184 = arith.addi %mul3A_1182, %add3A_1183 : i32
      %gt3A = arith.constant 0 : i32
      %gt3A_1185 = arith.cmpi sgt, %mul3A_1182, %gt3A : i32
      %convert_element_type3A = arith.extui %gt3A_1185 : i1 to i32
      %cond3A = arith.constant 0 : i32
      %cond3A_1186 = arith.cmpi ne, %convert_element_type3A, %cond3A : i32
      scf.if %cond3A_1186 {
        %sub3A = arith.constant 2 : i32
        %sub3A_1338 = arith.subi %add3A_1184, %sub3A : i32
        %mul3A_1339 = arith.constant 4 : i32
        %mul3A_1340 = arith.muli %sub3A_1338, %mul3A_1339 : i32
        %add3A_1341 = arith.addi %mul3A_2, %mul3A_1340 : i32
        %mul3A_1342 = arith.constant 1024 : i32
        %mul3A_1343 = arith.muli %add3A_1341, %mul3A_1342 : i32
        %dma_wait3A_1344 = arith.constant 0 : i32
        %dma_wait3A_1345 = arith.constant 0 : i32
        %dma_wait3A_1346 = tpu.memref_slice %arg11[%dma_wait3A_1344, %dma_wait3A_1345] : memref<2x4096xf32, #tpu.memory_space<vmem>> -> memref<1x4096xf32, #tpu.memory_space<vmem>>
        %dma_wait3A_1347 = tpu.memref_squeeze %dma_wait3A_1346 : memref<1x4096xf32, #tpu.memory_space<vmem>> -> memref<4096xf32, #tpu.memory_space<vmem>>
        %dma_wait3A_1348 = tpu.memref_slice %arg5[%mul3A_1343] : memref<33554432xf32, #tpu.memory_space<hbm>> -> memref<4096xf32, #tpu.memory_space<hbm>>
        %dma_wait3A_1349 = tpu.memref_slice %arg5[%mul3A_1343] : memref<33554432xf32, #tpu.memory_space<hbm>> -> memref<4096xf32, #tpu.memory_space<hbm>>
        %dma_wait3A_1350 = arith.constant 0 : i32
        %dma_wait3A_1351 = tpu.memref_slice %arg11[%dma_wait3A_1344, %dma_wait3A_1350] : memref<2x4096xf32, #tpu.memory_space<vmem>> -> memref<1x4096xf32, #tpu.memory_space<vmem>>
        %dma_wait3A_1352 = tpu.memref_squeeze %dma_wait3A_1351 : memref<1x4096xf32, #tpu.memory_space<vmem>> -> memref<4096xf32, #tpu.memory_space<vmem>>
        tpu.wait_dma2 semaphore(%arg13 : memref<!tpu.dma_semaphore, #tpu.memory_space<semaphore_mem>>) src(%dma_wait3A_1352 : memref<4096xf32, #tpu.memory_space<vmem>>) dst(%dma_wait3A_1349 : memref<4096xf32, #tpu.memory_space<hbm>>)
      } else {
      }
      %mul3A_1187 = arith.constant 4 : i32
      %mul3A_1188 = arith.muli %add3A_1184, %mul3A_1187 : i32
      %add3A_1189 = arith.constant 0 : i32
      %add3A_1190 = arith.addi %mul3A_1188, %add3A_1189 : i32
      %broadcast_in_dim3A = vector.broadcast %add3A_1190 : i32 to vector<16xi32>
      %gather3A = tpu.vector_load_idx %arg7[%broadcast_in_dim3A] : memref<1024xi32, #tpu.memory_space<vmem>>[vector<16xi32>], vector<16xi32>,
      %add3A_1191 = arith.addi %gather3A, %iota3A : vector<16xi32>
      %gather3A_1192 = tpu.vector_load_idx %arg8[%broadcast_in_dim3A] : memref<1024xi32, #tpu.memory_space<vmem>>[vector<16xi32>], vector<16xi32>,
      %add3A_1193 = arith.addi %gather3A_1192, %iota3A : vector<16xi32>
      %parallel_loop3A = arith.constant 0 : i32
      %parallel_loop3A_1194 = arith.constant 16 : i32
      %parallel_loop3A_1195 = arith.constant 1 : i32
      scf.for %parallel_loop3A_1338 = %parallel_loop3A to %parallel_loop3A_1194 step %parallel_loop3A_1195  : i32 {
        %parallel_loop3A_1339 = arith.constant 16 : i32
        %parallel_loop3A_1340 = arith.muli %parallel_loop3A_1338, %parallel_loop3A_1339 : i32
        %parallel_loop3A_1341 = vector.broadcast %parallel_loop3A_1340 : i32 to vector<16xi32>
        %parallel_loop3A_1342 = arith.addi %add3A_1191, %parallel_loop3A_1341 : vector<16xi32>
        %parallel_loop3A_1343 = tpu.vector_load_idx %arg9[%parallel_loop3A_1342] : memref<16384xf32, #tpu.memory_space<vmem>>[vector<16xi32>], vector<16xf32>,
        %parallel_loop3A_1344 = arith.constant 16 : i32
        %parallel_loop3A_1345 = arith.muli %parallel_loop3A_1338, %parallel_loop3A_1344 : i32
        %parallel_loop3A_1346 = arith.constant 0 : i32
        %parallel_loop3A_1347 = arith.addi %parallel_loop3A_1346, %parallel_loop3A_1345 : i32
        %parallel_loop3A_1348 = arith.constant 0 : i32
        %parallel_loop3A_1349 = arith.index_cast %parallel_loop3A_1348 : i32 to index
        %parallel_loop3A_1350 = arith.index_cast %parallel_loop3A_1347 : i32 to index
        %parallel_loop3A_1351 = tpu.vector_load %arg11[%parallel_loop3A_1349, %parallel_loop3A_1350] {strides = array<i32>} : memref<2x4096xf32, #tpu.memory_space<vmem>>, vector<16xf32>,
        tpu.vector_store %arg11[%parallel_loop3A_1349, %parallel_loop3A_1350], %parallel_loop3A_1343 {strides = array<i32>} : memref<2x4096xf32, #tpu.memory_space<vmem>>, vector<16xf32>,
      } {sc.loop_unroll_factor = 16 : i64, sc.parallel_access}
      %parallel_loop3A_1196 = arith.constant 0 : i32
      %parallel_loop3A_1197 = arith.constant 48 : i32
      %parallel_loop3A_1198 = arith.constant 1 : i32
      scf.for %parallel_loop3A_1338 = %parallel_loop3A_1196 to %parallel_loop3A_1197 step %parallel_loop3A_1198  : i32 {
        %parallel_loop3A_1339 = arith.constant 16 : i32
        %parallel_loop3A_1340 = arith.muli %parallel_loop3A_1338, %parallel_loop3A_1339 : i32
        %parallel_loop3A_1341 = vector.broadcast %parallel_loop3A_1340 : i32 to vector<16xi32>
        %parallel_loop3A_1342 = arith.addi %add3A_1193, %parallel_loop3A_1341 : vector<16xi32>
        %parallel_loop3A_1343 = tpu.vector_load_idx %arg10[%parallel_loop3A_1342] : memref<98304xf32, #tpu.memory_space<vmem>>[vector<16xi32>], vector<16xf32>,
        %parallel_loop3A_1344 = arith.constant 16 : i32
        %parallel_loop3A_1345 = arith.muli %parallel_loop3A_1338, %parallel_loop3A_1344 : i32
        %parallel_loop3A_1346 = arith.constant 256 : i32
        %parallel_loop3A_1347 = arith.addi %parallel_loop3A_1346, %parallel_loop3A_1345 : i32
        %parallel_loop3A_1348 = arith.constant 0 : i32
        %parallel_loop3A_1349 = arith.index_cast %parallel_loop3A_1348 : i32 to index
        %parallel_loop3A_1350 = arith.index_cast %parallel_loop3A_1347 : i32 to index
        %parallel_loop3A_1351 = tpu.vector_load %arg11[%parallel_loop3A_1349, %parallel_loop3A_1350] {strides = array<i32>} : memref<2x4096xf32, #tpu.memory_space<vmem>>, vector<16xf32>,
        tpu.vector_store %arg11[%parallel_loop3A_1349, %parallel_loop3A_1350], %parallel_loop3A_1343 {strides = array<i32>} : memref<2x4096xf32, #tpu.memory_space<vmem>>, vector<16xf32>,
      } {sc.loop_unroll_factor = 16 : i64, sc.parallel_access}
      %mul3A_1199 = arith.constant 4 : i32
      %mul3A_1200 = arith.muli %add3A_1184, %mul3A_1199 : i32
      %add3A_1201 = arith.constant 1 : i32
      %add3A_1202 = arith.addi %mul3A_1200, %add3A_1201 : i32
      %broadcast_in_dim3A_1203 = vector.broadcast %add3A_1202 : i32 to vector<16xi32>
      %gather3A_1204 = tpu.vector_load_idx %arg7[%broadcast_in_dim3A_1203] : memref<1024xi32, #tpu.memory_space<vmem>>[vector<16xi32>], vector<16xi32>,
      %add3A_1205 = arith.addi %gather3A_1204, %iota3A : vector<16xi32>
      %gather3A_1206 = tpu.vector_load_idx %arg8[%broadcast_in_dim3A_1203] : memref<1024xi32, #tpu.memory_space<vmem>>[vector<16xi32>], vector<16xi32>,
      %add3A_1207 = arith.addi %gather3A_1206, %iota3A : vector<16xi32>
      %parallel_loop3A_1208 = arith.constant 0 : i32
      %parallel_loop3A_1209 = arith.constant 16 : i32
      %parallel_loop3A_1210 = arith.constant 1 : i32
      scf.for %parallel_loop3A_1338 = %parallel_loop3A_1208 to %parallel_loop3A_1209 step %parallel_loop3A_1210  : i32 {
        %parallel_loop3A_1339 = arith.constant 16 : i32
        %parallel_loop3A_1340 = arith.muli %parallel_loop3A_1338, %parallel_loop3A_1339 : i32
        %parallel_loop3A_1341 = vector.broadcast %parallel_loop3A_1340 : i32 to vector<16xi32>
        %parallel_loop3A_1342 = arith.addi %add3A_1205, %parallel_loop3A_1341 : vector<16xi32>
        %parallel_loop3A_1343 = tpu.vector_load_idx %arg9[%parallel_loop3A_1342] : memref<16384xf32, #tpu.memory_space<vmem>>[vector<16xi32>], vector<16xf32>,
        %parallel_loop3A_1344 = arith.constant 16 : i32
        %parallel_loop3A_1345 = arith.muli %parallel_loop3A_1338, %parallel_loop3A_1344 : i32
        %parallel_loop3A_1346 = arith.constant 1024 : i32
        %parallel_loop3A_1347 = arith.addi %parallel_loop3A_1346, %parallel_loop3A_1345 : i32
        %parallel_loop3A_1348 = arith.constant 0 : i32
        %parallel_loop3A_1349 = arith.index_cast %parallel_loop3A_1348 : i32 to index
        %parallel_loop3A_1350 = arith.index_cast %parallel_loop3A_1347 : i32 to index
        %parallel_loop3A_1351 = tpu.vector_load %arg11[%parallel_loop3A_1349, %parallel_loop3A_1350] {strides = array<i32>} : memref<2x4096xf32, #tpu.memory_space<vmem>>, vector<16xf32>,
        tpu.vector_store %arg11[%parallel_loop3A_1349, %parallel_loop3A_1350], %parallel_loop3A_1343 {strides = array<i32>} : memref<2x4096xf32, #tpu.memory_space<vmem>>, vector<16xf32>,
      } {sc.loop_unroll_factor = 16 : i64, sc.parallel_access}
      %parallel_loop3A_1211 = arith.constant 0 : i32
      %parallel_loop3A_1212 = arith.constant 48 : i32
      %parallel_loop3A_1213 = arith.constant 1 : i32
      scf.for %parallel_loop3A_1338 = %parallel_loop3A_1211 to %parallel_loop3A_1212 step %parallel_loop3A_1213  : i32 {
        %parallel_loop3A_1339 = arith.constant 16 : i32
        %parallel_loop3A_1340 = arith.muli %parallel_loop3A_1338, %parallel_loop3A_1339 : i32
        %parallel_loop3A_1341 = vector.broadcast %parallel_loop3A_1340 : i32 to vector<16xi32>
        %parallel_loop3A_1342 = arith.addi %add3A_1207, %parallel_loop3A_1341 : vector<16xi32>
        %parallel_loop3A_1343 = tpu.vector_load_idx %arg10[%parallel_loop3A_1342] : memref<98304xf32, #tpu.memory_space<vmem>>[vector<16xi32>], vector<16xf32>,
        %parallel_loop3A_1344 = arith.constant 16 : i32
        %parallel_loop3A_1345 = arith.muli %parallel_loop3A_1338, %parallel_loop3A_1344 : i32
        %parallel_loop3A_1346 = arith.constant 1280 : i32
        %parallel_loop3A_1347 = arith.addi %parallel_loop3A_1346, %parallel_loop3A_1345 : i32
        %parallel_loop3A_1348 = arith.constant 0 : i32
        %parallel_loop3A_1349 = arith.index_cast %parallel_loop3A_1348 : i32 to index
        %parallel_loop3A_1350 = arith.index_cast %parallel_loop3A_1347 : i32 to index
        %parallel_loop3A_1351 = tpu.vector_load %arg11[%parallel_loop3A_1349, %parallel_loop3A_1350] {strides = array<i32>} : memref<2x4096xf32, #tpu.memory_space<vmem>>, vector<16xf32>,
        tpu.vector_store %arg11[%parallel_loop3A_1349, %parallel_loop3A_1350], %parallel_loop3A_1343 {strides = array<i32>} : memref<2x4096xf32, #tpu.memory_space<vmem>>, vector<16xf32>,
      } {sc.loop_unroll_factor = 16 : i64, sc.parallel_access}
      %mul3A_1214 = arith.constant 4 : i32
      %mul3A_1215 = arith.muli %add3A_1184, %mul3A_1214 : i32
      %add3A_1216 = arith.constant 2 : i32
      %add3A_1217 = arith.addi %mul3A_1215, %add3A_1216 : i32
      %broadcast_in_dim3A_1218 = vector.broadcast %add3A_1217 : i32 to vector<16xi32>
      %gather3A_1219 = tpu.vector_load_idx %arg7[%broadcast_in_dim3A_1218] : memref<1024xi32, #tpu.memory_space<vmem>>[vector<16xi32>], vector<16xi32>,
      %add3A_1220 = arith.addi %gather3A_1219, %iota3A : vector<16xi32>
      %gather3A_1221 = tpu.vector_load_idx %arg8[%broadcast_in_dim3A_1218] : memref<1024xi32, #tpu.memory_space<vmem>>[vector<16xi32>], vector<16xi32>,
      %add3A_1222 = arith.addi %gather3A_1221, %iota3A : vector<16xi32>
      %parallel_loop3A_1223 = arith.constant 0 : i32
      %parallel_loop3A_1224 = arith.constant 16 : i32
      %parallel_loop3A_1225 = arith.constant 1 : i32
      scf.for %parallel_loop3A_1338 = %parallel_loop3A_1223 to %parallel_loop3A_1224 step %parallel_loop3A_1225  : i32 {
        %parallel_loop3A_1339 = arith.constant 16 : i32
        %parallel_loop3A_1340 = arith.muli %parallel_loop3A_1338, %parallel_loop3A_1339 : i32
        %parallel_loop3A_1341 = vector.broadcast %parallel_loop3A_1340 : i32 to vector<16xi32>
        %parallel_loop3A_1342 = arith.addi %add3A_1220, %parallel_loop3A_1341 : vector<16xi32>
        %parallel_loop3A_1343 = tpu.vector_load_idx %arg9[%parallel_loop3A_1342] : memref<16384xf32, #tpu.memory_space<vmem>>[vector<16xi32>], vector<16xf32>,
        %parallel_loop3A_1344 = arith.constant 16 : i32
        %parallel_loop3A_1345 = arith.muli %parallel_loop3A_1338, %parallel_loop3A_1344 : i32
        %parallel_loop3A_1346 = arith.constant 2048 : i32
        %parallel_loop3A_1347 = arith.addi %parallel_loop3A_1346, %parallel_loop3A_1345 : i32
        %parallel_loop3A_1348 = arith.constant 0 : i32
        %parallel_loop3A_1349 = arith.index_cast %parallel_loop3A_1348 : i32 to index
        %parallel_loop3A_1350 = arith.index_cast %parallel_loop3A_1347 : i32 to index
        %parallel_loop3A_1351 = tpu.vector_load %arg11[%parallel_loop3A_1349, %parallel_loop3A_1350] {strides = array<i32>} : memref<2x4096xf32, #tpu.memory_space<vmem>>, vector<16xf32>,
        tpu.vector_store %arg11[%parallel_loop3A_1349, %parallel_loop3A_1350], %parallel_loop3A_1343 {strides = array<i32>} : memref<2x4096xf32, #tpu.memory_space<vmem>>, vector<16xf32>,
      } {sc.loop_unroll_factor = 16 : i64, sc.parallel_access}
      %parallel_loop3A_1226 = arith.constant 0 : i32
      %parallel_loop3A_1227 = arith.constant 48 : i32
      %parallel_loop3A_1228 = arith.constant 1 : i32
      scf.for %parallel_loop3A_1338 = %parallel_loop3A_1226 to %parallel_loop3A_1227 step %parallel_loop3A_1228  : i32 {
        %parallel_loop3A_1339 = arith.constant 16 : i32
        %parallel_loop3A_1340 = arith.muli %parallel_loop3A_1338, %parallel_loop3A_1339 : i32
        %parallel_loop3A_1341 = vector.broadcast %parallel_loop3A_1340 : i32 to vector<16xi32>
        %parallel_loop3A_1342 = arith.addi %add3A_1222, %parallel_loop3A_1341 : vector<16xi32>
        %parallel_loop3A_1343 = tpu.vector_load_idx %arg10[%parallel_loop3A_1342] : memref<98304xf32, #tpu.memory_space<vmem>>[vector<16xi32>], vector<16xf32>,
        %parallel_loop3A_1344 = arith.constant 16 : i32
        %parallel_loop3A_1345 = arith.muli %parallel_loop3A_1338, %parallel_loop3A_1344 : i32
        %parallel_loop3A_1346 = arith.constant 2304 : i32
        %parallel_loop3A_1347 = arith.addi %parallel_loop3A_1346, %parallel_loop3A_1345 : i32
        %parallel_loop3A_1348 = arith.constant 0 : i32
        %parallel_loop3A_1349 = arith.index_cast %parallel_loop3A_1348 : i32 to index
        %parallel_loop3A_1350 = arith.index_cast %parallel_loop3A_1347 : i32 to index
        %parallel_loop3A_1351 = tpu.vector_load %arg11[%parallel_loop3A_1349, %parallel_loop3A_1350] {strides = array<i32>} : memref<2x4096xf32, #tpu.memory_space<vmem>>, vector<16xf32>,
        tpu.vector_store %arg11[%parallel_loop3A_1349, %parallel_loop3A_1350], %parallel_loop3A_1343 {strides = array<i32>} : memref<2x4096xf32, #tpu.memory_space<vmem>>, vector<16xf32>,
      } {sc.loop_unroll_factor = 16 : i64, sc.parallel_access}
      %mul3A_1229 = arith.constant 4 : i32
      %mul3A_1230 = arith.muli %add3A_1184, %mul3A_1229 : i32
      %add3A_1231 = arith.constant 3 : i32
      %add3A_1232 = arith.addi %mul3A_1230, %add3A_1231 : i32
      %broadcast_in_dim3A_1233 = vector.broadcast %add3A_1232 : i32 to vector<16xi32>
      %gather3A_1234 = tpu.vector_load_idx %arg7[%broadcast_in_dim3A_1233] : memref<1024xi32, #tpu.memory_space<vmem>>[vector<16xi32>], vector<16xi32>,
      %add3A_1235 = arith.addi %gather3A_1234, %iota3A : vector<16xi32>
      %gather3A_1236 = tpu.vector_load_idx %arg8[%broadcast_in_dim3A_1233] : memref<1024xi32, #tpu.memory_space<vmem>>[vector<16xi32>], vector<16xi32>,
      %add3A_1237 = arith.addi %gather3A_1236, %iota3A : vector<16xi32>
      %parallel_loop3A_1238 = arith.constant 0 : i32
      %parallel_loop3A_1239 = arith.constant 16 : i32
      %parallel_loop3A_1240 = arith.constant 1 : i32
      scf.for %parallel_loop3A_1338 = %parallel_loop3A_1238 to %parallel_loop3A_1239 step %parallel_loop3A_1240  : i32 {
        %parallel_loop3A_1339 = arith.constant 16 : i32
        %parallel_loop3A_1340 = arith.muli %parallel_loop3A_1338, %parallel_loop3A_1339 : i32
        %parallel_loop3A_1341 = vector.broadcast %parallel_loop3A_1340 : i32 to vector<16xi32>
        %parallel_loop3A_1342 = arith.addi %add3A_1235, %parallel_loop3A_1341 : vector<16xi32>
        %parallel_loop3A_1343 = tpu.vector_load_idx %arg9[%parallel_loop3A_1342] : memref<16384xf32, #tpu.memory_space<vmem>>[vector<16xi32>], vector<16xf32>,
        %parallel_loop3A_1344 = arith.constant 16 : i32
        %parallel_loop3A_1345 = arith.muli %parallel_loop3A_1338, %parallel_loop3A_1344 : i32
        %parallel_loop3A_1346 = arith.constant 3072 : i32
        %parallel_loop3A_1347 = arith.addi %parallel_loop3A_1346, %parallel_loop3A_1345 : i32
        %parallel_loop3A_1348 = arith.constant 0 : i32
        %parallel_loop3A_1349 = arith.index_cast %parallel_loop3A_1348 : i32 to index
        %parallel_loop3A_1350 = arith.index_cast %parallel_loop3A_1347 : i32 to index
        %parallel_loop3A_1351 = tpu.vector_load %arg11[%parallel_loop3A_1349, %parallel_loop3A_1350] {strides = array<i32>} : memref<2x4096xf32, #tpu.memory_space<vmem>>, vector<16xf32>,
        tpu.vector_store %arg11[%parallel_loop3A_1349, %parallel_loop3A_1350], %parallel_loop3A_1343 {strides = array<i32>} : memref<2x4096xf32, #tpu.memory_space<vmem>>, vector<16xf32>,
      } {sc.loop_unroll_factor = 16 : i64, sc.parallel_access}
      %parallel_loop3A_1241 = arith.constant 0 : i32
      %parallel_loop3A_1242 = arith.constant 48 : i32
      %parallel_loop3A_1243 = arith.constant 1 : i32
      scf.for %parallel_loop3A_1338 = %parallel_loop3A_1241 to %parallel_loop3A_1242 step %parallel_loop3A_1243  : i32 {
        %parallel_loop3A_1339 = arith.constant 16 : i32
        %parallel_loop3A_1340 = arith.muli %parallel_loop3A_1338, %parallel_loop3A_1339 : i32
        %parallel_loop3A_1341 = vector.broadcast %parallel_loop3A_1340 : i32 to vector<16xi32>
        %parallel_loop3A_1342 = arith.addi %add3A_1237, %parallel_loop3A_1341 : vector<16xi32>
        %parallel_loop3A_1343 = tpu.vector_load_idx %arg10[%parallel_loop3A_1342] : memref<98304xf32, #tpu.memory_space<vmem>>[vector<16xi32>], vector<16xf32>,
        %parallel_loop3A_1344 = arith.constant 16 : i32
        %parallel_loop3A_1345 = arith.muli %parallel_loop3A_1338, %parallel_loop3A_1344 : i32
        %parallel_loop3A_1346 = arith.constant 3328 : i32
        %parallel_loop3A_1347 = arith.addi %parallel_loop3A_1346, %parallel_loop3A_1345 : i32
        %parallel_loop3A_1348 = arith.constant 0 : i32
        %parallel_loop3A_1349 = arith.index_cast %parallel_loop3A_1348 : i32 to index
        %parallel_loop3A_1350 = arith.index_cast %parallel_loop3A_1347 : i32 to index
        %parallel_loop3A_1351 = tpu.vector_load %arg11[%parallel_loop3A_1349, %parallel_loop3A_1350] {strides = array<i32>} : memref<2x4096xf32, #tpu.memory_space<vmem>>, vector<16xf32>,
        tpu.vector_store %arg11[%parallel_loop3A_1349, %parallel_loop3A_1350], %parallel_loop3A_1343 {strides = array<i32>} : memref<2x4096xf32, #tpu.memory_space<vmem>>, vector<16xf32>,
      } {sc.loop_unroll_factor = 16 : i64, sc.parallel_access}
      %mul3A_1244 = arith.constant 4 : i32
      %mul3A_1245 = arith.muli %add3A_1184, %mul3A_1244 : i32
      %add3A_1246 = arith.addi %mul3A_2, %mul3A_1245 : i32
      %mul3A_1247 = arith.constant 1024 : i32
      %mul3A_1248 = arith.muli %add3A_1246, %mul3A_1247 : i32
      %dma_start3A = arith.constant 0 : i32
      %dma_start3A_1249 = arith.constant 0 : i32
      %dma_start3A_1250 = tpu.memref_slice %arg11[%dma_start3A, %dma_start3A_1249] : memref<2x4096xf32, #tpu.memory_space<vmem>> -> memref<1x4096xf32, #tpu.memory_space<vmem>>
      %dma_start3A_1251 = tpu.memref_squeeze %dma_start3A_1250 : memref<1x4096xf32, #tpu.memory_space<vmem>> -> memref<4096xf32, #tpu.memory_space<vmem>>
      %dma_start3A_1252 = tpu.memref_slice %arg5[%mul3A_1248] : memref<33554432xf32, #tpu.memory_space<hbm>> -> memref<4096xf32, #tpu.memory_space<hbm>>
      %dma_start3A_1253 = tpu.memref_slice %arg5[%mul3A_1248] : memref<33554432xf32, #tpu.memory_space<hbm>> -> memref<4096xf32, #tpu.memory_space<hbm>>
      %dma_start3A_1254 = arith.constant 0 : i32
      %dma_start3A_1255 = tpu.memref_slice %arg11[%dma_start3A, %dma_start3A_1254] : memref<2x4096xf32, #tpu.memory_space<vmem>> -> memref<1x4096xf32, #tpu.memory_space<vmem>>
      %dma_start3A_1256 = tpu.memref_squeeze %dma_start3A_1255 : memref<1x4096xf32, #tpu.memory_space<vmem>> -> memref<4096xf32, #tpu.memory_space<vmem>>
      tpu.enqueue_dma source(%dma_start3A_1256 : memref<4096xf32, #tpu.memory_space<vmem>>) target(%dma_start3A_1253 : memref<4096xf32, #tpu.memory_space<hbm>>) target_semaphore(%arg13 : memref<!tpu.dma_semaphore, #tpu.memory_space<semaphore_mem>>)
      %add3A_1257 = arith.constant 1 : i32
      %add3A_1258 = arith.addi %mul3A_1182, %add3A_1257 : i32
      %gt3A_1259 = arith.constant 0 : i32
      %gt3A_1260 = arith.cmpi sgt, %mul3A_1182, %gt3A_1259 : i32
      %convert_element_type3A_1261 = arith.extui %gt3A_1260 : i1 to i32
      %cond3A_1262 = arith.constant 0 : i32
      %cond3A_1263 = arith.cmpi ne, %convert_element_type3A_1261, %cond3A_1262 : i32
      scf.if %cond3A_1263 {
        %sub3A = arith.constant 2 : i32
        %sub3A_1338 = arith.subi %add3A_1258, %sub3A : i32
        %mul3A_1339 = arith.constant 4 : i32
        %mul3A_1340 = arith.muli %sub3A_1338, %mul3A_1339 : i32
        %add3A_1341 = arith.addi %mul3A_2, %mul3A_1340 : i32
        %mul3A_1342 = arith.constant 1024 : i32
        %mul3A_1343 = arith.muli %add3A_1341, %mul3A_1342 : i32
        %dma_wait3A_1344 = arith.constant 1 : i32
        %dma_wait3A_1345 = arith.constant 0 : i32
        %dma_wait3A_1346 = tpu.memref_slice %arg11[%dma_wait3A_1344, %dma_wait3A_1345] : memref<2x4096xf32, #tpu.memory_space<vmem>> -> memref<1x4096xf32, #tpu.memory_space<vmem>>
        %dma_wait3A_1347 = tpu.memref_squeeze %dma_wait3A_1346 : memref<1x4096xf32, #tpu.memory_space<vmem>> -> memref<4096xf32, #tpu.memory_space<vmem>>
        %dma_wait3A_1348 = tpu.memref_slice %arg5[%mul3A_1343] : memref<33554432xf32, #tpu.memory_space<hbm>> -> memref<4096xf32, #tpu.memory_space<hbm>>
        %dma_wait3A_1349 = tpu.memref_slice %arg5[%mul3A_1343] : memref<33554432xf32, #tpu.memory_space<hbm>> -> memref<4096xf32, #tpu.memory_space<hbm>>
        %dma_wait3A_1350 = arith.constant 0 : i32
        %dma_wait3A_1351 = tpu.memref_slice %arg11[%dma_wait3A_1344, %dma_wait3A_1350] : memref<2x4096xf32, #tpu.memory_space<vmem>> -> memref<1x4096xf32, #tpu.memory_space<vmem>>
        %dma_wait3A_1352 = tpu.memref_squeeze %dma_wait3A_1351 : memref<1x4096xf32, #tpu.memory_space<vmem>> -> memref<4096xf32, #tpu.memory_space<vmem>>
        tpu.wait_dma2 semaphore(%arg13 : memref<!tpu.dma_semaphore, #tpu.memory_space<semaphore_mem>>) src(%dma_wait3A_1352 : memref<4096xf32, #tpu.memory_space<vmem>>) dst(%dma_wait3A_1349 : memref<4096xf32, #tpu.memory_space<hbm>>)
      } else {
      }
      %mul3A_1264 = arith.constant 4 : i32
      %mul3A_1265 = arith.muli %add3A_1258, %mul3A_1264 : i32
      %add3A_1266 = arith.constant 0 : i32
      %add3A_1267 = arith.addi %mul3A_1265, %add3A_1266 : i32
      %broadcast_in_dim3A_1268 = vector.broadcast %add3A_1267 : i32 to vector<16xi32>
      %gather3A_1269 = tpu.vector_load_idx %arg7[%broadcast_in_dim3A_1268] : memref<1024xi32, #tpu.memory_space<vmem>>[vector<16xi32>], vector<16xi32>,
      %add3A_1270 = arith.addi %gather3A_1269, %iota3A : vector<16xi32>
      %gather3A_1271 = tpu.vector_load_idx %arg8[%broadcast_in_dim3A_1268] : memref<1024xi32, #tpu.memory_space<vmem>>[vector<16xi32>], vector<16xi32>,
      %add3A_1272 = arith.addi %gather3A_1271, %iota3A : vector<16xi32>
      %parallel_loop3A_1273 = arith.constant 0 : i32
      %parallel_loop3A_1274 = arith.constant 16 : i32
      %parallel_loop3A_1275 = arith.constant 1 : i32
      scf.for %parallel_loop3A_1338 = %parallel_loop3A_1273 to %parallel_loop3A_1274 step %parallel_loop3A_1275  : i32 {
        %parallel_loop3A_1339 = arith.constant 16 : i32
        %parallel_loop3A_1340 = arith.muli %parallel_loop3A_1338, %parallel_loop3A_1339 : i32
        %parallel_loop3A_1341 = vector.broadcast %parallel_loop3A_1340 : i32 to vector<16xi32>
        %parallel_loop3A_1342 = arith.addi %add3A_1270, %parallel_loop3A_1341 : vector<16xi32>
        %parallel_loop3A_1343 = tpu.vector_load_idx %arg9[%parallel_loop3A_1342] : memref<16384xf32, #tpu.memory_space<vmem>>[vector<16xi32>], vector<16xf32>,
        %parallel_loop3A_1344 = arith.constant 16 : i32
        %parallel_loop3A_1345 = arith.muli %parallel_loop3A_1338, %parallel_loop3A_1344 : i32
        %parallel_loop3A_1346 = arith.constant 0 : i32
        %parallel_loop3A_1347 = arith.addi %parallel_loop3A_1346, %parallel_loop3A_1345 : i32
        %parallel_loop3A_1348 = arith.constant 1 : i32
        %parallel_loop3A_1349 = arith.index_cast %parallel_loop3A_1348 : i32 to index
        %parallel_loop3A_1350 = arith.index_cast %parallel_loop3A_1347 : i32 to index
        %parallel_loop3A_1351 = tpu.vector_load %arg11[%parallel_loop3A_1349, %parallel_loop3A_1350] {strides = array<i32>} : memref<2x4096xf32, #tpu.memory_space<vmem>>, vector<16xf32>,
        tpu.vector_store %arg11[%parallel_loop3A_1349, %parallel_loop3A_1350], %parallel_loop3A_1343 {strides = array<i32>} : memref<2x4096xf32, #tpu.memory_space<vmem>>, vector<16xf32>,
      } {sc.loop_unroll_factor = 16 : i64, sc.parallel_access}
      %parallel_loop3A_1276 = arith.constant 0 : i32
      %parallel_loop3A_1277 = arith.constant 48 : i32
      %parallel_loop3A_1278 = arith.constant 1 : i32
      scf.for %parallel_loop3A_1338 = %parallel_loop3A_1276 to %parallel_loop3A_1277 step %parallel_loop3A_1278  : i32 {
        %parallel_loop3A_1339 = arith.constant 16 : i32
        %parallel_loop3A_1340 = arith.muli %parallel_loop3A_1338, %parallel_loop3A_1339 : i32
        %parallel_loop3A_1341 = vector.broadcast %parallel_loop3A_1340 : i32 to vector<16xi32>
        %parallel_loop3A_1342 = arith.addi %add3A_1272, %parallel_loop3A_1341 : vector<16xi32>
        %parallel_loop3A_1343 = tpu.vector_load_idx %arg10[%parallel_loop3A_1342] : memref<98304xf32, #tpu.memory_space<vmem>>[vector<16xi32>], vector<16xf32>,
        %parallel_loop3A_1344 = arith.constant 16 : i32
        %parallel_loop3A_1345 = arith.muli %parallel_loop3A_1338, %parallel_loop3A_1344 : i32
        %parallel_loop3A_1346 = arith.constant 256 : i32
        %parallel_loop3A_1347 = arith.addi %parallel_loop3A_1346, %parallel_loop3A_1345 : i32
        %parallel_loop3A_1348 = arith.constant 1 : i32
        %parallel_loop3A_1349 = arith.index_cast %parallel_loop3A_1348 : i32 to index
        %parallel_loop3A_1350 = arith.index_cast %parallel_loop3A_1347 : i32 to index
        %parallel_loop3A_1351 = tpu.vector_load %arg11[%parallel_loop3A_1349, %parallel_loop3A_1350] {strides = array<i32>} : memref<2x4096xf32, #tpu.memory_space<vmem>>, vector<16xf32>,
        tpu.vector_store %arg11[%parallel_loop3A_1349, %parallel_loop3A_1350], %parallel_loop3A_1343 {strides = array<i32>} : memref<2x4096xf32, #tpu.memory_space<vmem>>, vector<16xf32>,
      } {sc.loop_unroll_factor = 16 : i64, sc.parallel_access}
      %mul3A_1279 = arith.constant 4 : i32
      %mul3A_1280 = arith.muli %add3A_1258, %mul3A_1279 : i32
      %add3A_1281 = arith.constant 1 : i32
      %add3A_1282 = arith.addi %mul3A_1280, %add3A_1281 : i32
      %broadcast_in_dim3A_1283 = vector.broadcast %add3A_1282 : i32 to vector<16xi32>
      %gather3A_1284 = tpu.vector_load_idx %arg7[%broadcast_in_dim3A_1283] : memref<1024xi32, #tpu.memory_space<vmem>>[vector<16xi32>], vector<16xi32>,
      %add3A_1285 = arith.addi %gather3A_1284, %iota3A : vector<16xi32>
      %gather3A_1286 = tpu.vector_load_idx %arg8[%broadcast_in_dim3A_1283] : memref<1024xi32, #tpu.memory_space<vmem>>[vector<16xi32>], vector<16xi32>,
      %add3A_1287 = arith.addi %gather3A_1286, %iota3A : vector<16xi32>
      %parallel_loop3A_1288 = arith.constant 0 : i32
      %parallel_loop3A_1289 = arith.constant 16 : i32
      %parallel_loop3A_1290 = arith.constant 1 : i32
      scf.for %parallel_loop3A_1338 = %parallel_loop3A_1288 to %parallel_loop3A_1289 step %parallel_loop3A_1290  : i32 {
        %parallel_loop3A_1339 = arith.constant 16 : i32
        %parallel_loop3A_1340 = arith.muli %parallel_loop3A_1338, %parallel_loop3A_1339 : i32
        %parallel_loop3A_1341 = vector.broadcast %parallel_loop3A_1340 : i32 to vector<16xi32>
        %parallel_loop3A_1342 = arith.addi %add3A_1285, %parallel_loop3A_1341 : vector<16xi32>
        %parallel_loop3A_1343 = tpu.vector_load_idx %arg9[%parallel_loop3A_1342] : memref<16384xf32, #tpu.memory_space<vmem>>[vector<16xi32>], vector<16xf32>,
        %parallel_loop3A_1344 = arith.constant 16 : i32
        %parallel_loop3A_1345 = arith.muli %parallel_loop3A_1338, %parallel_loop3A_1344 : i32
        %parallel_loop3A_1346 = arith.constant 1024 : i32
        %parallel_loop3A_1347 = arith.addi %parallel_loop3A_1346, %parallel_loop3A_1345 : i32
        %parallel_loop3A_1348 = arith.constant 1 : i32
        %parallel_loop3A_1349 = arith.index_cast %parallel_loop3A_1348 : i32 to index
        %parallel_loop3A_1350 = arith.index_cast %parallel_loop3A_1347 : i32 to index
        %parallel_loop3A_1351 = tpu.vector_load %arg11[%parallel_loop3A_1349, %parallel_loop3A_1350] {strides = array<i32>} : memref<2x4096xf32, #tpu.memory_space<vmem>>, vector<16xf32>,
        tpu.vector_store %arg11[%parallel_loop3A_1349, %parallel_loop3A_1350], %parallel_loop3A_1343 {strides = array<i32>} : memref<2x4096xf32, #tpu.memory_space<vmem>>, vector<16xf32>,
      } {sc.loop_unroll_factor = 16 : i64, sc.parallel_access}
      %parallel_loop3A_1291 = arith.constant 0 : i32
      %parallel_loop3A_1292 = arith.constant 48 : i32
      %parallel_loop3A_1293 = arith.constant 1 : i32
      scf.for %parallel_loop3A_1338 = %parallel_loop3A_1291 to %parallel_loop3A_1292 step %parallel_loop3A_1293  : i32 {
        %parallel_loop3A_1339 = arith.constant 16 : i32
        %parallel_loop3A_1340 = arith.muli %parallel_loop3A_1338, %parallel_loop3A_1339 : i32
        %parallel_loop3A_1341 = vector.broadcast %parallel_loop3A_1340 : i32 to vector<16xi32>
        %parallel_loop3A_1342 = arith.addi %add3A_1287, %parallel_loop3A_1341 : vector<16xi32>
        %parallel_loop3A_1343 = tpu.vector_load_idx %arg10[%parallel_loop3A_1342] : memref<98304xf32, #tpu.memory_space<vmem>>[vector<16xi32>], vector<16xf32>,
        %parallel_loop3A_1344 = arith.constant 16 : i32
        %parallel_loop3A_1345 = arith.muli %parallel_loop3A_1338, %parallel_loop3A_1344 : i32
        %parallel_loop3A_1346 = arith.constant 1280 : i32
        %parallel_loop3A_1347 = arith.addi %parallel_loop3A_1346, %parallel_loop3A_1345 : i32
        %parallel_loop3A_1348 = arith.constant 1 : i32
        %parallel_loop3A_1349 = arith.index_cast %parallel_loop3A_1348 : i32 to index
        %parallel_loop3A_1350 = arith.index_cast %parallel_loop3A_1347 : i32 to index
        %parallel_loop3A_1351 = tpu.vector_load %arg11[%parallel_loop3A_1349, %parallel_loop3A_1350] {strides = array<i32>} : memref<2x4096xf32, #tpu.memory_space<vmem>>, vector<16xf32>,
        tpu.vector_store %arg11[%parallel_loop3A_1349, %parallel_loop3A_1350], %parallel_loop3A_1343 {strides = array<i32>} : memref<2x4096xf32, #tpu.memory_space<vmem>>, vector<16xf32>,
      } {sc.loop_unroll_factor = 16 : i64, sc.parallel_access}
      %mul3A_1294 = arith.constant 4 : i32
      %mul3A_1295 = arith.muli %add3A_1258, %mul3A_1294 : i32
      %add3A_1296 = arith.constant 2 : i32
      %add3A_1297 = arith.addi %mul3A_1295, %add3A_1296 : i32
      %broadcast_in_dim3A_1298 = vector.broadcast %add3A_1297 : i32 to vector<16xi32>
      %gather3A_1299 = tpu.vector_load_idx %arg7[%broadcast_in_dim3A_1298] : memref<1024xi32, #tpu.memory_space<vmem>>[vector<16xi32>], vector<16xi32>,
      %add3A_1300 = arith.addi %gather3A_1299, %iota3A : vector<16xi32>
      %gather3A_1301 = tpu.vector_load_idx %arg8[%broadcast_in_dim3A_1298] : memref<1024xi32, #tpu.memory_space<vmem>>[vector<16xi32>], vector<16xi32>,
      %add3A_1302 = arith.addi %gather3A_1301, %iota3A : vector<16xi32>
      %parallel_loop3A_1303 = arith.constant 0 : i32
      %parallel_loop3A_1304 = arith.constant 16 : i32
      %parallel_loop3A_1305 = arith.constant 1 : i32
      scf.for %parallel_loop3A_1338 = %parallel_loop3A_1303 to %parallel_loop3A_1304 step %parallel_loop3A_1305  : i32 {
        %parallel_loop3A_1339 = arith.constant 16 : i32
        %parallel_loop3A_1340 = arith.muli %parallel_loop3A_1338, %parallel_loop3A_1339 : i32
        %parallel_loop3A_1341 = vector.broadcast %parallel_loop3A_1340 : i32 to vector<16xi32>
        %parallel_loop3A_1342 = arith.addi %add3A_1300, %parallel_loop3A_1341 : vector<16xi32>
        %parallel_loop3A_1343 = tpu.vector_load_idx %arg9[%parallel_loop3A_1342] : memref<16384xf32, #tpu.memory_space<vmem>>[vector<16xi32>], vector<16xf32>,
        %parallel_loop3A_1344 = arith.constant 16 : i32
        %parallel_loop3A_1345 = arith.muli %parallel_loop3A_1338, %parallel_loop3A_1344 : i32
        %parallel_loop3A_1346 = arith.constant 2048 : i32
        %parallel_loop3A_1347 = arith.addi %parallel_loop3A_1346, %parallel_loop3A_1345 : i32
        %parallel_loop3A_1348 = arith.constant 1 : i32
        %parallel_loop3A_1349 = arith.index_cast %parallel_loop3A_1348 : i32 to index
        %parallel_loop3A_1350 = arith.index_cast %parallel_loop3A_1347 : i32 to index
        %parallel_loop3A_1351 = tpu.vector_load %arg11[%parallel_loop3A_1349, %parallel_loop3A_1350] {strides = array<i32>} : memref<2x4096xf32, #tpu.memory_space<vmem>>, vector<16xf32>,
        tpu.vector_store %arg11[%parallel_loop3A_1349, %parallel_loop3A_1350], %parallel_loop3A_1343 {strides = array<i32>} : memref<2x4096xf32, #tpu.memory_space<vmem>>, vector<16xf32>,
      } {sc.loop_unroll_factor = 16 : i64, sc.parallel_access}
      %parallel_loop3A_1306 = arith.constant 0 : i32
      %parallel_loop3A_1307 = arith.constant 48 : i32
      %parallel_loop3A_1308 = arith.constant 1 : i32
      scf.for %parallel_loop3A_1338 = %parallel_loop3A_1306 to %parallel_loop3A_1307 step %parallel_loop3A_1308  : i32 {
        %parallel_loop3A_1339 = arith.constant 16 : i32
        %parallel_loop3A_1340 = arith.muli %parallel_loop3A_1338, %parallel_loop3A_1339 : i32
        %parallel_loop3A_1341 = vector.broadcast %parallel_loop3A_1340 : i32 to vector<16xi32>
        %parallel_loop3A_1342 = arith.addi %add3A_1302, %parallel_loop3A_1341 : vector<16xi32>
        %parallel_loop3A_1343 = tpu.vector_load_idx %arg10[%parallel_loop3A_1342] : memref<98304xf32, #tpu.memory_space<vmem>>[vector<16xi32>], vector<16xf32>,
        %parallel_loop3A_1344 = arith.constant 16 : i32
        %parallel_loop3A_1345 = arith.muli %parallel_loop3A_1338, %parallel_loop3A_1344 : i32
        %parallel_loop3A_1346 = arith.constant 2304 : i32
        %parallel_loop3A_1347 = arith.addi %parallel_loop3A_1346, %parallel_loop3A_1345 : i32
        %parallel_loop3A_1348 = arith.constant 1 : i32
        %parallel_loop3A_1349 = arith.index_cast %parallel_loop3A_1348 : i32 to index
        %parallel_loop3A_1350 = arith.index_cast %parallel_loop3A_1347 : i32 to index
        %parallel_loop3A_1351 = tpu.vector_load %arg11[%parallel_loop3A_1349, %parallel_loop3A_1350] {strides = array<i32>} : memref<2x4096xf32, #tpu.memory_space<vmem>>, vector<16xf32>,
        tpu.vector_store %arg11[%parallel_loop3A_1349, %parallel_loop3A_1350], %parallel_loop3A_1343 {strides = array<i32>} : memref<2x4096xf32, #tpu.memory_space<vmem>>, vector<16xf32>,
      } {sc.loop_unroll_factor = 16 : i64, sc.parallel_access}
      %mul3A_1309 = arith.constant 4 : i32
      %mul3A_1310 = arith.muli %add3A_1258, %mul3A_1309 : i32
      %add3A_1311 = arith.constant 3 : i32
      %add3A_1312 = arith.addi %mul3A_1310, %add3A_1311 : i32
      %broadcast_in_dim3A_1313 = vector.broadcast %add3A_1312 : i32 to vector<16xi32>
      %gather3A_1314 = tpu.vector_load_idx %arg7[%broadcast_in_dim3A_1313] : memref<1024xi32, #tpu.memory_space<vmem>>[vector<16xi32>], vector<16xi32>,
      %add3A_1315 = arith.addi %gather3A_1314, %iota3A : vector<16xi32>
      %gather3A_1316 = tpu.vector_load_idx %arg8[%broadcast_in_dim3A_1313] : memref<1024xi32, #tpu.memory_space<vmem>>[vector<16xi32>], vector<16xi32>,
      %add3A_1317 = arith.addi %gather3A_1316, %iota3A : vector<16xi32>
      %parallel_loop3A_1318 = arith.constant 0 : i32
      %parallel_loop3A_1319 = arith.constant 16 : i32
      %parallel_loop3A_1320 = arith.constant 1 : i32
      scf.for %parallel_loop3A_1338 = %parallel_loop3A_1318 to %parallel_loop3A_1319 step %parallel_loop3A_1320  : i32 {
        %parallel_loop3A_1339 = arith.constant 16 : i32
        %parallel_loop3A_1340 = arith.muli %parallel_loop3A_1338, %parallel_loop3A_1339 : i32
        %parallel_loop3A_1341 = vector.broadcast %parallel_loop3A_1340 : i32 to vector<16xi32>
        %parallel_loop3A_1342 = arith.addi %add3A_1315, %parallel_loop3A_1341 : vector<16xi32>
        %parallel_loop3A_1343 = tpu.vector_load_idx %arg9[%parallel_loop3A_1342] : memref<16384xf32, #tpu.memory_space<vmem>>[vector<16xi32>], vector<16xf32>,
        %parallel_loop3A_1344 = arith.constant 16 : i32
        %parallel_loop3A_1345 = arith.muli %parallel_loop3A_1338, %parallel_loop3A_1344 : i32
        %parallel_loop3A_1346 = arith.constant 3072 : i32
        %parallel_loop3A_1347 = arith.addi %parallel_loop3A_1346, %parallel_loop3A_1345 : i32
        %parallel_loop3A_1348 = arith.constant 1 : i32
        %parallel_loop3A_1349 = arith.index_cast %parallel_loop3A_1348 : i32 to index
        %parallel_loop3A_1350 = arith.index_cast %parallel_loop3A_1347 : i32 to index
        %parallel_loop3A_1351 = tpu.vector_load %arg11[%parallel_loop3A_1349, %parallel_loop3A_1350] {strides = array<i32>} : memref<2x4096xf32, #tpu.memory_space<vmem>>, vector<16xf32>,
        tpu.vector_store %arg11[%parallel_loop3A_1349, %parallel_loop3A_1350], %parallel_loop3A_1343 {strides = array<i32>} : memref<2x4096xf32, #tpu.memory_space<vmem>>, vector<16xf32>,
      } {sc.loop_unroll_factor = 16 : i64, sc.parallel_access}
      %parallel_loop3A_1321 = arith.constant 0 : i32
      %parallel_loop3A_1322 = arith.constant 48 : i32
      %parallel_loop3A_1323 = arith.constant 1 : i32
      scf.for %parallel_loop3A_1338 = %parallel_loop3A_1321 to %parallel_loop3A_1322 step %parallel_loop3A_1323  : i32 {
        %parallel_loop3A_1339 = arith.constant 16 : i32
        %parallel_loop3A_1340 = arith.muli %parallel_loop3A_1338, %parallel_loop3A_1339 : i32
        %parallel_loop3A_1341 = vector.broadcast %parallel_loop3A_1340 : i32 to vector<16xi32>
        %parallel_loop3A_1342 = arith.addi %add3A_1317, %parallel_loop3A_1341 : vector<16xi32>
        %parallel_loop3A_1343 = tpu.vector_load_idx %arg10[%parallel_loop3A_1342] : memref<98304xf32, #tpu.memory_space<vmem>>[vector<16xi32>], vector<16xf32>,
        %parallel_loop3A_1344 = arith.constant 16 : i32
        %parallel_loop3A_1345 = arith.muli %parallel_loop3A_1338, %parallel_loop3A_1344 : i32
        %parallel_loop3A_1346 = arith.constant 3328 : i32
        %parallel_loop3A_1347 = arith.addi %parallel_loop3A_1346, %parallel_loop3A_1345 : i32
        %parallel_loop3A_1348 = arith.constant 1 : i32
        %parallel_loop3A_1349 = arith.index_cast %parallel_loop3A_1348 : i32 to index
        %parallel_loop3A_1350 = arith.index_cast %parallel_loop3A_1347 : i32 to index
        %parallel_loop3A_1351 = tpu.vector_load %arg11[%parallel_loop3A_1349, %parallel_loop3A_1350] {strides = array<i32>} : memref<2x4096xf32, #tpu.memory_space<vmem>>, vector<16xf32>,
        tpu.vector_store %arg11[%parallel_loop3A_1349, %parallel_loop3A_1350], %parallel_loop3A_1343 {strides = array<i32>} : memref<2x4096xf32, #tpu.memory_space<vmem>>, vector<16xf32>,
      } {sc.loop_unroll_factor = 16 : i64, sc.parallel_access}
      %mul3A_1324 = arith.constant 4 : i32
      %mul3A_1325 = arith.muli %add3A_1258, %mul3A_1324 : i32
      %add3A_1326 = arith.addi %mul3A_2, %mul3A_1325 : i32
      %mul3A_1327 = arith.constant 1024 : i32
      %mul3A_1328 = arith.muli %add3A_1326, %mul3A_1327 : i32
      %dma_start3A_1329 = arith.constant 1 : i32
      %dma_start3A_1330 = arith.constant 0 : i32
      %dma_start3A_1331 = tpu.memref_slice %arg11[%dma_start3A_1329, %dma_start3A_1330] : memref<2x4096xf32, #tpu.memory_space<vmem>> -> memref<1x4096xf32, #tpu.memory_space<vmem>>
      %dma_start3A_1332 = tpu.memref_squeeze %dma_start3A_1331 : memref<1x4096xf32, #tpu.memory_space<vmem>> -> memref<4096xf32, #tpu.memory_space<vmem>>
      %dma_start3A_1333 = tpu.memref_slice %arg5[%mul3A_1328] : memref<33554432xf32, #tpu.memory_space<hbm>> -> memref<4096xf32, #tpu.memory_space<hbm>>
      %dma_start3A_1334 = tpu.memref_slice %arg5[%mul3A_1328] : memref<33554432xf32, #tpu.memory_space<hbm>> -> memref<4096xf32, #tpu.memory_space<hbm>>
      %dma_start3A_1335 = arith.constant 0 : i32
      %dma_start3A_1336 = tpu.memref_slice %arg11[%dma_start3A_1329, %dma_start3A_1335] : memref<2x4096xf32, #tpu.memory_space<vmem>> -> memref<1x4096xf32, #tpu.memory_space<vmem>>
      %dma_start3A_1337 = tpu.memref_squeeze %dma_start3A_1336 : memref<1x4096xf32, #tpu.memory_space<vmem>> -> memref<4096xf32, #tpu.memory_space<vmem>>
      tpu.enqueue_dma source(%dma_start3A_1337 : memref<4096xf32, #tpu.memory_space<vmem>>) target(%dma_start3A_1334 : memref<4096xf32, #tpu.memory_space<hbm>>) target_semaphore(%arg13 : memref<!tpu.dma_semaphore, #tpu.memory_space<semaphore_mem>>)
    }
    %scan3A_1154 = arith.constant 128 : i32
    %add3A_1155 = arith.constant 1016 : i32
    %add3A_1156 = arith.addi %mul3A_2, %add3A_1155 : i32
    %mul3A_1157 = arith.constant 1024 : i32
    %mul3A_1158 = arith.muli %add3A_1156, %mul3A_1157 : i32
    %dma_wait3A = arith.constant 0 : i32
    %dma_wait3A_1159 = arith.constant 0 : i32
    %dma_wait3A_1160 = tpu.memref_slice %arg11[%dma_wait3A, %dma_wait3A_1159] : memref<2x4096xf32, #tpu.memory_space<vmem>> -> memref<1x4096xf32, #tpu.memory_space<vmem>>
    %dma_wait3A_1161 = tpu.memref_squeeze %dma_wait3A_1160 : memref<1x4096xf32, #tpu.memory_space<vmem>> -> memref<4096xf32, #tpu.memory_space<vmem>>
    %dma_wait3A_1162 = tpu.memref_slice %arg5[%mul3A_1158] : memref<33554432xf32, #tpu.memory_space<hbm>> -> memref<4096xf32, #tpu.memory_space<hbm>>
    %dma_wait3A_1163 = tpu.memref_slice %arg5[%mul3A_1158] : memref<33554432xf32, #tpu.memory_space<hbm>> -> memref<4096xf32, #tpu.memory_space<hbm>>
    %dma_wait3A_1164 = arith.constant 0 : i32
    %dma_wait3A_1165 = tpu.memref_slice %arg11[%dma_wait3A, %dma_wait3A_1164] : memref<2x4096xf32, #tpu.memory_space<vmem>> -> memref<1x4096xf32, #tpu.memory_space<vmem>>
    %dma_wait3A_1166 = tpu.memref_squeeze %dma_wait3A_1165 : memref<1x4096xf32, #tpu.memory_space<vmem>> -> memref<4096xf32, #tpu.memory_space<vmem>>
    tpu.wait_dma2 semaphore(%arg13 : memref<!tpu.dma_semaphore, #tpu.memory_space<semaphore_mem>>) src(%dma_wait3A_1166 : memref<4096xf32, #tpu.memory_space<vmem>>) dst(%dma_wait3A_1163 : memref<4096xf32, #tpu.memory_space<hbm>>)
    %add3A_1167 = arith.constant 1020 : i32
    %add3A_1168 = arith.addi %mul3A_2, %add3A_1167 : i32
    %mul3A_1169 = arith.constant 1024 : i32
    %mul3A_1170 = arith.muli %add3A_1168, %mul3A_1169 : i32
    %dma_wait3A_1171 = arith.constant 1 : i32
    %dma_wait3A_1172 = arith.constant 0 : i32
    %dma_wait3A_1173 = tpu.memref_slice %arg11[%dma_wait3A_1171, %dma_wait3A_1172] : memref<2x4096xf32, #tpu.memory_space<vmem>> -> memref<1x4096xf32, #tpu.memory_space<vmem>>
    %dma_wait3A_1174 = tpu.memref_squeeze %dma_wait3A_1173 : memref<1x4096xf32, #tpu.memory_space<vmem>> -> memref<4096xf32, #tpu.memory_space<vmem>>
    %dma_wait3A_1175 = tpu.memref_slice %arg5[%mul3A_1170] : memref<33554432xf32, #tpu.memory_space<hbm>> -> memref<4096xf32, #tpu.memory_space<hbm>>
    %dma_wait3A_1176 = tpu.memref_slice %arg5[%mul3A_1170] : memref<33554432xf32, #tpu.memory_space<hbm>> -> memref<4096xf32, #tpu.memory_space<hbm>>
    %dma_wait3A_1177 = arith.constant 0 : i32
    %dma_wait3A_1178 = tpu.memref_slice %arg11[%dma_wait3A_1171, %dma_wait3A_1177] : memref<2x4096xf32, #tpu.memory_space<vmem>> -> memref<1x4096xf32, #tpu.memory_space<vmem>>
    %dma_wait3A_1179 = tpu.memref_squeeze %dma_wait3A_1178 : memref<1x4096xf32, #tpu.memory_space<vmem>> -> memref<4096xf32, #tpu.memory_space<vmem>>
    tpu.wait_dma2 semaphore(%arg13 : memref<!tpu.dma_semaphore, #tpu.memory_space<semaphore_mem>>) src(%dma_wait3A_1179 : memref<4096xf32, #tpu.memory_space<vmem>>) dst(%dma_wait3A_1176 : memref<4096xf32, #tpu.memory_space<hbm>>)
    return
  }
}

</mosaic_0001>

<sc_bundles>
// kernel: kernel.3.cloned.1.call-start
scs
__scs_entry_jumppad:
0x0: {  	(pc) =	sbr.rel $0x88, $3  }
0x1: {  	(tag) =	ssettag $0x0;
	lr =	simm.s32 $0x1  }
0x2: {  	[smem:$0x3F9E] =	sst lr;
	_ =	strace $0xD0000000  }
0x3: {  	_ = 	snop  }
0x4: {  	_ = 	snop  }
0x5: {  	_ = 	snop  }
0x6: {  	_ = 	snop  }
0x7: {  	_ = 	snop  }
__scs_overlays_trampoline_lowered:
0x8: {  	[smem:$0x3FAD] =	sst s0  }
0x9: {  	[smem:$0x3FAE] =	sst s1  }
0xa: {  	[smem:$0x3FAF] =	sst s2  }
0xb: {  	[smem:$0x3FB0] =	sst s3  }
0xc: {  	[smem:$0x3FB1] =	sst s4  }
0xd: {  	[smem:$0x3FB2] =	sst s5  }
0xe: {  	[smem:$0x3FB3] =	sst s6  }
0xf: {  	[smem:$0x3FB4] =	sst s7  }
0x10: {  	[smem:$0x3FB5] =	sst s8  }
0x11: {  	[smem:$0x3FB6] =	sst s9;
	s0 =	simm.s32 @!p0 $0x0  }
0x12: {  	s1 =	sld [smem:$0x3F9C];
	s0 =	simm.s32 @p0 $0x1  }
0x13: {  	[smem:$0x3FB7] =	sst s0;
	s0 =	simm.s32 @!p1 $0x0  }
0x14: {  	s2 =	sld [smem:$0x3F9B];
	s0 =	simm.s32 @p1 $0x1  }
0x15: {  	[smem:$0x3FB8] =	sst s0;
	s0 =	simm.s32 @!p2 $0x0  }
0x16: {  	s3 =	sld [smem:$0x3FDB];
	s0 =	simm.s32 @p2 $0x1  }
0x17: {  	s4 =	simm.s32 $0x1BF5;
	[smem:$0x3FBA] =	sst s0  }
0x18: {  	s0 =	sld [smem:$0x3F9D];
	_ =	swait.ge [sflag:s4], $0x0  }
0x19: {  	s7 =	sld [smem:$0x3F9E]  }
0x1a: {  	s8 =	sadd.s32 $0xFFFFE003, lr  }
0x1b: {  	s9 =	sadd.s32 $0xFFFFFEF7, lr;
	s5 =	simm.s32 $0xFFFFFFFF;
	p2 =	slt.u32 s8, $0xFFFFF086  }
0x1c: {  	p1 =	slt.u32 s9, $0xF7A;
	s5 =	simm.s32 @!p2 $0x0  }
0x1d: {  	s5 =	simm.s32 @p1 $0x1;
	p0 =	seq.s32 s7, s2  }
0x1e: {  	s7 =	smul.u32 @!p0 $0xF7A, s2;
	p2 =	seq.s32 @!p0 s5, $0x0  }
0x1f: {  	s9 =	smul.u32 $0xF7A, s1;
	s8 =	simm.s32 @!p0 $0x1BF5;
	p2 =	por !p2, p0  }
0x20: {  	[sflag:s8] =	ssyncset.s32 @!p0 $0xFFFFF086;
	s6 =	sadd.s32 @!p0 s3, s7;
	s7 =	simm.s32 @!p0 $0x108  }
0x21: {  	s3 =	sadd.s32 s3, s9;
	s6 =	sadd.s32 @!p0 $0x88, s6;
	s7 =	simm.s32 @p2 $0x1082  }
0x22: {  	[simem:s7], [sflag:s8] =	dma.local @!p0 [hbm:s6], $0xF7A  }
0x23: {  	s9 =	sor.u32 $0xD0000000, s2;
	s6 =	simm.s32 $0x108;
	_ =	swait.ge @!p0 [sflag:s8], $0x0  }
0x24: {  	s3 =	sadd.s32 $0x88, s3;
	s6 =	simm.s32 @!p1 $0x1082;
	[sflag:s4] =	ssyncset.s32 $0xFFFFF086  }
0x25: {  	[simem:s6], [sflag:s4] =	dma.local [hbm:s3], $0xF7A  }
0x26: {  	[smem:$0x3F9E] =	sst s1;
	(tag) =	ssettag s2;
	_ =	strace s9  }
0x27: {  	s1 =	sld [smem:$0x3FAE]  }
0x28: {  	s2 =	sld [smem:$0x3FAF]  }
0x29: {  	s4 =	sld [smem:$0x3FB1]  }
0x2a: {  	p0 =	seq.s32 s5, $0x0;
	s5 =	sld [smem:$0x3FB2]  }
0x2b: {  	s6 =	sld [smem:$0x3FB3]  }
0x2c: {  	s7 =	sld [smem:$0x3FB4]  }
0x2d: {  	s3 =	simm.s32 $0x108;
	s8 =	sld [smem:$0x3FB5]  }
0x2e: {  	s3 =	simm.s32 @!p0 $0x1082;
	s9 =	sld [smem:$0x3FB6]  }
0x2f: {  	lr =	sadd.s32 s0, s3;
	s0 =	sld [smem:$0x3FAD]  }
0x30: {  	s3 =	sld [smem:$0x3FB0]  }
0x31: {  	[smem:$0x3FB9] =	sst s10  }
0x32: {  	s10 =	sld [smem:$0x3FB7];
	_ =	sdelay $0x3  }
0x33: {  	p0 =	seq.s32 s10, $0x1;
	s10 =	sld [smem:$0x3FB9];
	_ =	sdelay $0x3  }
0x34: {  	[smem:$0x3FB9] =	sst s10  }
0x35: {  	s10 =	sld [smem:$0x3FB8];
	_ =	sdelay $0x3  }
0x36: {  	p1 =	seq.s32 s10, $0x1;
	s10 =	sld [smem:$0x3FB9];
	_ =	sdelay $0x3  }
0x37: {  	[smem:$0x3FB9] =	sst s10  }
0x38: {  	s10 =	sld [smem:$0x3FBA]  }
0x39: {  	_ = 	snop;
	(pc) =	sbr.ind lr, $3  }
0x3a: {  	_ = 	snop  }
0x3b: {  	_ = 	snop  }
0x3c: {  	p2 =	seq.s32 s10, $0x1;
	s10 =	sld [smem:$0x3FB9]  }
0x3d: {  	_ =	shalt  }
0x3e: {  	_ =	shalt  }
0x3f: {  	_ =	shalt  }
0x40: {  	_ =	shalt  }
0x41: {  	_ =	shalt  }
0x42: {  	_ =	shalt  }
0x43: {  	_ =	shalt  }
0x44: {  	_ =	shalt  }
0x45: {  	_ =	shalt  }
0x46: {  	_ =	shalt  }
0x47: {  	_ =	shalt  }
0x48: {  	_ =	shalt  }
0x49: {  	_ =	shalt  }
0x4a: {  	_ =	shalt  }
0x4b: {  	_ =	shalt  }
0x4c: {  	_ =	shalt  }
0x4d: {  	_ =	shalt  }
0x4e: {  	_ =	shalt  }
0x4f: {  	_ =	shalt  }
0x50: {  	_ =	shalt  }
0x51: {  	_ =	shalt  }
0x52: {  	_ =	shalt  }
0x53: {  	_ =	shalt  }
0x54: {  	_ =	shalt  }
0x55: {  	_ =	shalt  }
0x56: {  	_ =	shalt  }
0x57: {  	_ =	shalt  }
0x58: {  	_ =	shalt  }
0x59: {  	_ =	shalt  }
0x5a: {  	_ =	shalt  }
0x5b: {  	_ =	shalt  }
0x5c: {  	_ =	shalt  }
0x5d: {  	_ =	shalt  }
0x5e: {  	_ =	shalt  }
0x5f: {  	_ =	shalt  }
0x60: {  	_ =	shalt  }
0x61: {  	_ =	shalt  }
0x62: {  	_ =	shalt  }
0x63: {  	_ =	shalt  }
0x64: {  	_ =	shalt  }
0x65: {  	_ =	shalt  }
0x66: {  	_ =	shalt  }
0x67: {  	_ =	shalt  }
0x68: {  	_ =	shalt  }
0x69: {  	_ =	shalt  }
0x6a: {  	_ =	shalt  }
0x6b: {  	_ =	shalt  }
0x6c: {  	_ =	shalt  }
0x6d: {  	_ =	shalt  }
0x6e: {  	_ =	shalt  }
0x6f: {  	_ =	shalt  }
0x70: {  	_ =	shalt  }
0x71: {  	_ =	shalt  }
0x72: {  	_ =	shalt  }
0x73: {  	_ =	shalt  }
0x74: {  	_ =	shalt  }
0x75: {  	_ =	shalt  }
0x76: {  	_ =	shalt  }
0x77: {  	_ =	shalt  }
0x78: {  	_ =	shalt  }
0x79: {  	_ =	shalt  }
0x7a: {  	_ =	shalt  }
0x7b: {  	_ =	shalt  }
0x7c: {  	_ =	shalt  }
0x7d: {  	_ =	shalt  }
0x7e: {  	_ =	shalt  }
0x7f: {  	_ =	shalt  }
0x80: {  	_ =	shalt  }
0x81: {  	_ =	shalt  }
0x82: {  	_ =	shalt  }
0x83: {  	_ =	shalt  }
0x84: {  	_ =	shalt  }
0x85: {  	_ =	shalt  }
0x86: {  	_ =	shalt  }
0x87: {  	_ =	shalt  }
.Lfunc_end0:
.L_simem_size_0:
called_computation_lowered:
.L_overlay_start_0:
0x88: {  	s2 =	sld [smem:$0x3FD9]  }
0x89: {  	s3 =	sld [smem:$0x3FFE];
	_ =	sdelay $0x1  }
0x8a: {  	s1 =	srdreg.scid  }
0x8b: {  	s0 =	sand.u32 $0x1, s1  }
0x8c: {  	s17 =	sshll.u32 s0, $0xA;
	s2 =	sadd.s32 s3, s2  }
0x8d: {  	s2 =	sadd.s32 s2, s17  }
0x8e: {  	[smem:$0x3FC5] =	sst s2  }
0x8f: {  	_ = 	snop  }
0x90: {  	s2 =	sld [smem:$0x3FC8]  }
0x91: {  	s18 =	sld [smem:$0x3FD0];
	(tm) =	ssettm $0x1  }
0x92: {  	s4 =	sld [smem:$0x3FFB];
	_ =	sdelay $0x3  }
0x93: {  	_ =	strace s4  }
0x94: {  	s4 =	sld [smem:$0x3FFC];
	_ =	sdelay $0x3  }
0x95: {  	_ =	strace s4  }
0x96: {  	s4 =	sld [smem:$0x3FFD];
	_ =	sdelay $0x3  }
0x97: {  	_ =	strace s4  }
0x98: {  	_ =	strace $0x8FFFFFFF  }
0x99: {  	s19 =	sld [smem:$0x3FDB];
	_ =	sdelay $0x1  }
0x9a: {  	s5 =	simm.s32 $_scs_section_size  }
0x9b: {  	s6 =	simm.s32 $_size__tile_overlayer_lowered;
	s7 =	simm.s32 $_tile_overlayer_lowered  }
0x9c: {  	s22 =	simm.s32 $0x1BFF;
	s21 =	sshll.u32 s7, $0x1;
	s4 =	sadd.s32 s5, s19  }
0x9d: {  	s8 =	simm.s32 $0x0;
	s20 =	sshll.u32 s6, $0x1;
	s6 =	sadd.s32 s21, s4  }
0x9e: {  	[timem:s8], [sflag:s22] =	dma.local [hbm:s6], s20  }
0x9f: {  	_ =	swait.ge [sflag:s22], s20  }
0xa0: {  	s5 =	ssub.s32 $0x0, s20;
	[sflag:s22] =	ssyncset.done $0x0  }
0xa1: {  	[sflag:s22] =	ssyncadd.s32 s5;
	_ =	sdelay $0x1  }
0xa2: {  	s23 =	simm.s32 $0x1B8B  }
0xa3: {  	_ =	swait.ge [sflag:s23], $0x1  }
0xa4: {  	[sflag:s23] =	ssyncset.done $0x0  }
0xa5: {  	s25 =	simm.s32 $0x1B8E;
	s24 =	sld [smem:$0x3FFE];
	[sflag:s23] =	ssyncadd.s32 $0xFFFFFFFF  }
0xa6: {  	s26 =	simm.s32 $execute0_lowered;
	[smem:$0x3FD2] =	sst s25  }
0xa7: {  	s6 =	sshll.u32 s26, $0x1;
	_ =	strace $0x80000046;
	[dreg:$0x1] =	wrdreg $0xFFFFFFFF  }
0xa8: {  	s28 =	simm.s32 $_size_execute0_lowered;
	s4 =	sadd.s32 s4, s6;
	[dreg:$0x0] =	wrdreg $0x0  }
0xa9: {  	s6 =	sshll.u32 s28, $0x1;
	[dreg:$0x2] =	wrdreg s4  }
0xaa: {  	[dreg:$0x3] =	wrdreg s6  }
0xab: {  	[dreg:$0x4] =	wrdreg $0xC0  }
0xac: {  	_ =	task [dreg:s8], $0x5FFFF  }
0xad: {  	[dreg:$0x1] =	wrdreg $0xFFFFFFFF  }
0xae: {  	[dreg:$0x0] =	wrdreg $0x60  }
0xaf: {  	[dreg:$0x2] =	wrdreg s24  }
0xb0: {  	[dreg:$0x3] =	wrdreg s2  }
0xb1: {  	[dreg:$0x4] =	wrdreg s18  }
0xb2: {  	[dreg:$0x5] =	wrdreg $0x9  }
0xb3: {  	_ =	task.clear_ibuf [dreg:s8], $0x6FFFF;
	_ =	strace $0x90000046  }
0xb4: {  	s29 =	simm.s32 $0x9;
	_ =	strace $0x80000048  }
0xb5: {  	_ =	swait.ge [sflag:s29], $0x1  }
0xb6: {  	[sflag:s29] =	ssyncadd.s32 $0xFFFFFFFF  }
0xb7: {  	_ =	strace $0x90000048  }
0xb8: {  	_ =	sfence  }
0xb9: {  	s30 =	sld [smem:$0x0];
	_ =	sdelay $0x2  }
0xba: {  	s31 =	sshll.u32 s1, $0xD;
	s1 =	sshrl.u32 s1, $0x2  }
0xbb: {  	s3 =	sand.u32 $0x4000, s31;
	s1 =	sadd.s32 s1, s30  }
0xbc: {  	s0 =	sor.u32 s3, s0;
	s1 =	sshll.u32 s1, $0x11  }
0xbd: {  	s0 =	sor.u32 s1, s0  }
0xbe: {  	s0 =	sadd.s32 $0x8F2B, s0  }
0xbf: {  	[sflag:s0] =	ssyncadd.remote.s32 $0x1  }
0xc0: {  	_ =	sfence.sel $0xFFFF  }
0xc1: {  	[dreg:$0x0] =	wrdreg $0xFFFFFFFF;
	(pc) =	sbr.abs _section_cstart, $3  }
0xc2: {  	[dreg:$0x1] =	wrdreg $0xFFFFFFFF  }
0xc3: {  	_ =	task.clear_ibuf [dreg:s8], $0x2FFFF;
	_ =	strace $0x9FFFFFFF  }
0xc4: {  	(tm) =	ssettm $0x7FFFFFFF  }
0xc5: {  	_ =	shalt  }
tec
execute0_lowered:
.L_overlay_start_1:
0x0: {  	(tag) =	ssettag $0x1  }
0x1: {  	s6 =	rddreg [dreg:$0x0]  }
0x2: {  	s1 =	srdreg.scid;
	s2 =	rddreg [dreg:$0x1]  }
0x3: {  	s0 =	stileid.u32;
	s3 =	rddreg [dreg:$0x2]  }
0x4: {  	s4 =	simm.s32 $0x0;
	s10 =	simm.s32 $0xC00;
	s11 =	simm.s32 $0x4C00  }
0x5: {  	s12 =	simm.s32 $0x1;
	s13 =	simm.s32 $0x400;
	s14 =	simm.s32 $0x800  }
0x6: {  	s15 =	simm.s32 $0x2;
	s16 =	simm.s32 $0x0;
	s7 =	sand.u32 $0x1, s1  }
0x7: {  	s5 =	sshll.u32 s0, $0xB;
	s1 =	rddreg [dreg:$0x3];
	s8 =	sshll.u32 s7, $0xA  }
0x8: {  	[smem:$0x7FF] =	sst s4;
	s7 =	ssub.s32 $0x2, s7;
	s5 =	sor.u32 s8, s5  }
0x9: {  	_ =	strace $0x80000047;
	s9 =	sshrl.u32 s7, $0x1;
	s8 =	sshrl.u32 s5, $0x3  }
0xa: {  	s9 =	ssub.s32 s7, s9;
	s8 =	sadd.s32 s8, s6;
	s6 =	sadd.s32 $0x1400, s6  }
0xb: {  	v0 =	vlaneseq.u32;
	s7 =	sadd.s32 $0x400, s8;
	s8 =	smax.u32 s9, $0x1;
	s9 =	simm.s32 $0x3  }
.LBB2_1:
0xc: {  	[tilespmem:s4], [sflag:$0x3] =	stream.linear.gather [hbm4b:s7+s4], $0x400, $0x38;
	[tilespmem:$0x1EC00] =	vst v63  }
0xd: {  	_ =	swait.ge [sflag:s9], $0x400  }
0xe: {  	[sflag:s9] =	ssyncset.done $0x0  }
0xf: {  	[sflag:s9] =	ssyncadd.s32 $0xFFFFFC00  }
0x10: {  	[tilespmem:s10], [sflag:$0x1] =	stream.linear.gather [hbm4b:s2+s4], $0x4000, $0x38;
	[tilespmem:$0x1EC00] =	vst v63  }
0x11: {  	_ = 	snop  }
0x12: {  	[tilespmem:s11], [sflag:$0x1] =	stream.linear.gather [hbm4b:s3+s4], $0x18000, $0x38;
	[tilespmem:$0x1EC00] =	vst v63  }
0x13: {  	v1 =	vld [tilespmem:$0x0];
	_ =	sdelay $0x1  }
0x14: {  	v2 =	vld [tilespmem:$0x10];
	_ =	sdelay $0x1  }
0x15: {  	v3 =	vld [tilespmem:$0x20]  }
0x16: {  	v4 =	vshll.u32 v1, $0x1;
	v1 =	vand.u32 $0x7F, v1  }
0x17: {  	v5 =	vld [tilespmem:$0x30];
	v4 =	vand.u32 $0xFFFFFF00, v4;
	v1 =	vmul.u32 $0x300, v1  }
0x18: {  	v23 =	vshll.u32 v2, $0x1;
	v2 =	vand.u32 $0x7F, v2;
	[tilespmem:$0x400] =	vst v4  }
0x19: {  	v24 =	vld [tilespmem:$0x40];
	v2 =	vmul.u32 $0x300, v2;
	[tilespmem:$0x800] =	vst v1;
	v1 =	vand.u32 $0xFFFFFF00, v23  }
0x1a: {  	[tilespmem:$0x410] =	vst v1;
	v1 =	vshll.u32 v3, $0x1;
	v3 =	vand.u32 $0x7F, v3  }
0x1b: {  	[tilespmem:$0x810] =	vst v2;
	v1 =	vand.u32 $0xFFFFFF00, v1;
	v2 =	vmul.u32 $0x300, v3;
	v3 =	vld [tilespmem:$0x50]  }
0x1c: {  	[tilespmem:$0x420] =	vst v1;
	v1 =	vshll.u32 v5, $0x1;
	v5 =	vand.u32 $0x7F, v5  }
0x1d: {  	v25 =	vld [tilespmem:$0x60];
	[tilespmem:$0x820] =	vst v2;
	v1 =	vand.u32 $0xFFFFFF00, v1;
	v2 =	vmul.u32 $0x300, v5  }
0x1e: {  	v4 =	vand.u32 $0x7F, v24;
	[tilespmem:$0x430] =	vst v1;
	v1 =	vshll.u32 v24, $0x1  }
0x1f: {  	v26 =	vld [tilespmem:$0x70];
	[tilespmem:$0x830] =	vst v2;
	v1 =	vand.u32 $0xFFFFFF00, v1;
	v2 =	vmul.u32 $0x300, v4  }
0x20: {  	[tilespmem:$0x440] =	vst v1;
	v1 =	vshll.u32 v3, $0x1;
	v3 =	vand.u32 $0x7F, v3  }
0x21: {  	[tilespmem:$0x840] =	vst v2;
	v1 =	vand.u32 $0xFFFFFF00, v1;
	v2 =	vmul.u32 $0x300, v3;
	v3 =	vld [tilespmem:$0x80]  }
0x22: {  	v5 =	vand.u32 $0x7F, v25;
	[tilespmem:$0x450] =	vst v1;
	v1 =	vshll.u32 v25, $0x1  }
0x23: {  	v27 =	vld [tilespmem:$0x90];
	[tilespmem:$0x850] =	vst v2;
	v1 =	vand.u32 $0xFFFFFF00, v1;
	v2 =	vmul.u32 $0x300, v5  }
0x24: {  	v4 =	vand.u32 $0x7F, v26;
	[tilespmem:$0x460] =	vst v1;
	v1 =	vshll.u32 v26, $0x1  }
0x25: {  	v28 =	vld [tilespmem:$0xA0];
	[tilespmem:$0x860] =	vst v2;
	v1 =	vand.u32 $0xFFFFFF00, v1;
	v2 =	vmul.u32 $0x300, v4  }
0x26: {  	[tilespmem:$0x470] =	vst v1;
	v1 =	vshll.u32 v3, $0x1;
	v3 =	vand.u32 $0x7F, v3  }
0x27: {  	[tilespmem:$0x870] =	vst v2;
	v1 =	vand.u32 $0xFFFFFF00, v1;
	v2 =	vmul.u32 $0x300, v3;
	v3 =	vld [tilespmem:$0xB0]  }
0x28: {  	v5 =	vand.u32 $0x7F, v27;
	[tilespmem:$0x480] =	vst v1;
	v1 =	vshll.u32 v27, $0x1  }
0x29: {  	v29 =	vld [tilespmem:$0xC0];
	[tilespmem:$0x880] =	vst v2;
	v1 =	vand.u32 $0xFFFFFF00, v1;
	v2 =	vmul.u32 $0x300, v5  }
0x2a: {  	v4 =	vand.u32 $0x7F, v28;
	[tilespmem:$0x490] =	vst v1;
	v1 =	vshll.u32 v28, $0x1  }
0x2b: {  	v30 =	vld [tilespmem:$0xD0];
	[tilespmem:$0x890] =	vst v2;
	v1 =	vand.u32 $0xFFFFFF00, v1;
	v2 =	vmul.u32 $0x300, v4  }
0x2c: {  	[tilespmem:$0x4A0] =	vst v1;
	v1 =	vshll.u32 v3, $0x1;
	v3 =	vand.u32 $0x7F, v3  }
0x2d: {  	[tilespmem:$0x8A0] =	vst v2;
	v1 =	vand.u32 $0xFFFFFF00, v1;
	v2 =	vmul.u32 $0x300, v3;
	v3 =	vld [tilespmem:$0xE0]  }
0x2e: {  	v5 =	vand.u32 $0x7F, v29;
	[tilespmem:$0x4B0] =	vst v1;
	v1 =	vshll.u32 v29, $0x1  }
0x2f: {  	v31 =	vld [tilespmem:$0xF0];
	[tilespmem:$0x8B0] =	vst v2;
	v1 =	vand.u32 $0xFFFFFF00, v1;
	v2 =	vmul.u32 $0x300, v5  }
0x30: {  	v4 =	vand.u32 $0x7F, v30;
	[tilespmem:$0x4C0] =	vst v1;
	v1 =	vshll.u32 v30, $0x1  }
0x31: {  	v32 =	vld [tilespmem:$0x100];
	[tilespmem:$0x8C0] =	vst v2;
	v1 =	vand.u32 $0xFFFFFF00, v1;
	v2 =	vmul.u32 $0x300, v4  }
0x32: {  	[tilespmem:$0x4D0] =	vst v1;
	v1 =	vshll.u32 v3, $0x1;
	v3 =	vand.u32 $0x7F, v3  }
0x33: {  	[tilespmem:$0x8D0] =	vst v2;
	v1 =	vand.u32 $0xFFFFFF00, v1;
	v2 =	vmul.u32 $0x300, v3;
	v3 =	vld [tilespmem:$0x110]  }
0x34: {  	v5 =	vand.u32 $0x7F, v31;
	[tilespmem:$0x4E0] =	vst v1;
	v1 =	vshll.u32 v31, $0x1  }
0x35: {  	v33 =	vld [tilespmem:$0x120];
	[tilespmem:$0x8E0] =	vst v2;
	v1 =	vand.u32 $0xFFFFFF00, v1;
	v2 =	vmul.u32 $0x300, v5  }
0x36: {  	v4 =	vand.u32 $0x7F, v32;
	[tilespmem:$0x4F0] =	vst v1;
	v1 =	vshll.u32 v32, $0x1  }
0x37: {  	v34 =	vld [tilespmem:$0x130];
	[tilespmem:$0x8F0] =	vst v2;
	v1 =	vand.u32 $0xFFFFFF00, v1;
	v2 =	vmul.u32 $0x300, v4  }
0x38: {  	[tilespmem:$0x500] =	vst v1;
	v1 =	vshll.u32 v3, $0x1;
	v3 =	vand.u32 $0x7F, v3  }
0x39: {  	[tilespmem:$0x900] =	vst v2;
	v1 =	vand.u32 $0xFFFFFF00, v1;
	v2 =	vmul.u32 $0x300, v3;
	v3 =	vld [tilespmem:$0x140]  }
0x3a: {  	v5 =	vand.u32 $0x7F, v33;
	[tilespmem:$0x510] =	vst v1;
	v1 =	vshll.u32 v33, $0x1  }
0x3b: {  	v35 =	vld [tilespmem:$0x150];
	[tilespmem:$0x910] =	vst v2;
	v1 =	vand.u32 $0xFFFFFF00, v1;
	v2 =	vmul.u32 $0x300, v5  }
0x3c: {  	v4 =	vand.u32 $0x7F, v34;
	[tilespmem:$0x520] =	vst v1;
	v1 =	vshll.u32 v34, $0x1  }
0x3d: {  	v36 =	vld [tilespmem:$0x160];
	[tilespmem:$0x920] =	vst v2;
	v1 =	vand.u32 $0xFFFFFF00, v1;
	v2 =	vmul.u32 $0x300, v4  }
0x3e: {  	[tilespmem:$0x530] =	vst v1;
	v1 =	vshll.u32 v3, $0x1;
	v3 =	vand.u32 $0x7F, v3  }
0x3f: {  	[tilespmem:$0x930] =	vst v2;
	v1 =	vand.u32 $0xFFFFFF00, v1;
	v2 =	vmul.u32 $0x300, v3;
	v3 =	vld [tilespmem:$0x170]  }
0x40: {  	v5 =	vand.u32 $0x7F, v35;
	[tilespmem:$0x540] =	vst v1;
	v1 =	vshll.u32 v35, $0x1  }
0x41: {  	v37 =	vld [tilespmem:$0x180];
	[tilespmem:$0x940] =	vst v2;
	v1 =	vand.u32 $0xFFFFFF00, v1;
	v2 =	vmul.u32 $0x300, v5  }
0x42: {  	v4 =	vand.u32 $0x7F, v36;
	[tilespmem:$0x550] =	vst v1;
	v1 =	vshll.u32 v36, $0x1  }
0x43: {  	v38 =	vld [tilespmem:$0x190];
	[tilespmem:$0x950] =	vst v2;
	v1 =	vand.u32 $0xFFFFFF00, v1;
	v2 =	vmul.u32 $0x300, v4  }
0x44: {  	[tilespmem:$0x560] =	vst v1;
	v1 =	vshll.u32 v3, $0x1;
	v3 =	vand.u32 $0x7F, v3  }
0x45: {  	[tilespmem:$0x960] =	vst v2;
	v1 =	vand.u32 $0xFFFFFF00, v1;
	v2 =	vmul.u32 $0x300, v3;
	v3 =	vld [tilespmem:$0x1A0]  }
0x46: {  	v5 =	vand.u32 $0x7F, v37;
	[tilespmem:$0x570] =	vst v1;
	v1 =	vshll.u32 v37, $0x1  }
0x47: {  	v39 =	vld [tilespmem:$0x1B0];
	[tilespmem:$0x970] =	vst v2;
	v1 =	vand.u32 $0xFFFFFF00, v1;
	v2 =	vmul.u32 $0x300, v5  }
0x48: {  	v4 =	vand.u32 $0x7F, v38;
	[tilespmem:$0x580] =	vst v1;
	v1 =	vshll.u32 v38, $0x1  }
0x49: {  	v40 =	vld [tilespmem:$0x1C0];
	[tilespmem:$0x980] =	vst v2;
	v1 =	vand.u32 $0xFFFFFF00, v1;
	v2 =	vmul.u32 $0x300, v4  }
0x4a: {  	[tilespmem:$0x590] =	vst v1;
	v1 =	vshll.u32 v3, $0x1;
	v3 =	vand.u32 $0x7F, v3  }
0x4b: {  	[tilespmem:$0x990] =	vst v2;
	v1 =	vand.u32 $0xFFFFFF00, v1;
	v2 =	vmul.u32 $0x300, v3;
	v3 =	vld [tilespmem:$0x1D0]  }
0x4c: {  	v5 =	vand.u32 $0x7F, v39;
	[tilespmem:$0x5A0] =	vst v1;
	v1 =	vshll.u32 v39, $0x1  }
0x4d: {  	v41 =	vld [tilespmem:$0x1E0];
	[tilespmem:$0x9A0] =	vst v2;
	v1 =	vand.u32 $0xFFFFFF00, v1;
	v2 =	vmul.u32 $0x300, v5  }
0x4e: {  	v4 =	vand.u32 $0x7F, v40;
	[tilespmem:$0x5B0] =	vst v1;
	v1 =	vshll.u32 v40, $0x1  }
0x4f: {  	v42 =	vld [tilespmem:$0x1F0];
	[tilespmem:$0x9B0] =	vst v2;
	v1 =	vand.u32 $0xFFFFFF00, v1;
	v2 =	vmul.u32 $0x300, v4  }
0x50: {  	[tilespmem:$0x5C0] =	vst v1;
	v1 =	vshll.u32 v3, $0x1;
	v3 =	vand.u32 $0x7F, v3  }
0x51: {  	[tilespmem:$0x9C0] =	vst v2;
	v1 =	vand.u32 $0xFFFFFF00, v1;
	v2 =	vmul.u32 $0x300, v3;
	v3 =	vld [tilespmem:$0x200]  }
0x52: {  	v5 =	vand.u32 $0x7F, v41;
	[tilespmem:$0x5D0] =	vst v1;
	v1 =	vshll.u32 v41, $0x1  }
0x53: {  	v43 =	vld [tilespmem:$0x210];
	[tilespmem:$0x9D0] =	vst v2;
	v1 =	vand.u32 $0xFFFFFF00, v1;
	v2 =	vmul.u32 $0x300, v5  }
0x54: {  	v4 =	vand.u32 $0x7F, v42;
	[tilespmem:$0x5E0] =	vst v1;
	v1 =	vshll.u32 v42, $0x1  }
0x55: {  	v44 =	vld [tilespmem:$0x220];
	[tilespmem:$0x9E0] =	vst v2;
	v1 =	vand.u32 $0xFFFFFF00, v1;
	v2 =	vmul.u32 $0x300, v4  }
0x56: {  	[tilespmem:$0x5F0] =	vst v1;
	v1 =	vshll.u32 v3, $0x1;
	v3 =	vand.u32 $0x7F, v3  }
0x57: {  	[tilespmem:$0x9F0] =	vst v2;
	v1 =	vand.u32 $0xFFFFFF00, v1;
	v2 =	vmul.u32 $0x300, v3;
	v3 =	vld [tilespmem:$0x230]  }
0x58: {  	v5 =	vand.u32 $0x7F, v43;
	[tilespmem:$0x600] =	vst v1;
	v1 =	vshll.u32 v43, $0x1  }
0x59: {  	v45 =	vld [tilespmem:$0x240];
	[tilespmem:$0xA00] =	vst v2;
	v1 =	vand.u32 $0xFFFFFF00, v1;
	v2 =	vmul.u32 $0x300, v5  }
0x5a: {  	v4 =	vand.u32 $0x7F, v44;
	[tilespmem:$0x610] =	vst v1;
	v1 =	vshll.u32 v44, $0x1  }
0x5b: {  	v46 =	vld [tilespmem:$0x250];
	[tilespmem:$0xA10] =	vst v2;
	v1 =	vand.u32 $0xFFFFFF00, v1;
	v2 =	vmul.u32 $0x300, v4  }
0x5c: {  	[tilespmem:$0x620] =	vst v1;
	v1 =	vshll.u32 v3, $0x1;
	v3 =	vand.u32 $0x7F, v3  }
0x5d: {  	[tilespmem:$0xA20] =	vst v2;
	v1 =	vand.u32 $0xFFFFFF00, v1;
	v2 =	vmul.u32 $0x300, v3;
	v3 =	vld [tilespmem:$0x260]  }
0x5e: {  	v5 =	vand.u32 $0x7F, v45;
	[tilespmem:$0x630] =	vst v1;
	v1 =	vshll.u32 v45, $0x1  }
0x5f: {  	v47 =	vld [tilespmem:$0x270];
	[tilespmem:$0xA30] =	vst v2;
	v1 =	vand.u32 $0xFFFFFF00, v1;
	v2 =	vmul.u32 $0x300, v5  }
0x60: {  	v4 =	vand.u32 $0x7F, v46;
	[tilespmem:$0x640] =	vst v1;
	v1 =	vshll.u32 v46, $0x1  }
0x61: {  	v48 =	vld [tilespmem:$0x280];
	[tilespmem:$0xA40] =	vst v2;
	v1 =	vand.u32 $0xFFFFFF00, v1;
	v2 =	vmul.u32 $0x300, v4  }
0x62: {  	[tilespmem:$0x650] =	vst v1;
	v1 =	vshll.u32 v3, $0x1;
	v3 =	vand.u32 $0x7F, v3  }
0x63: {  	[tilespmem:$0xA50] =	vst v2;
	v1 =	vand.u32 $0xFFFFFF00, v1;
	v2 =	vmul.u32 $0x300, v3;
	v3 =	vld [tilespmem:$0x290]  }
0x64: {  	v5 =	vand.u32 $0x7F, v47;
	[tilespmem:$0x660] =	vst v1;
	v1 =	vshll.u32 v47, $0x1  }
0x65: {  	v49 =	vld [tilespmem:$0x2A0];
	[tilespmem:$0xA60] =	vst v2;
	v1 =	vand.u32 $0xFFFFFF00, v1;
	v2 =	vmul.u32 $0x300, v5  }
0x66: {  	v4 =	vand.u32 $0x7F, v48;
	[tilespmem:$0x670] =	vst v1;
	v1 =	vshll.u32 v48, $0x1  }
0x67: {  	v50 =	vld [tilespmem:$0x2B0];
	[tilespmem:$0xA70] =	vst v2;
	v1 =	vand.u32 $0xFFFFFF00, v1;
	v2 =	vmul.u32 $0x300, v4  }
0x68: {  	[tilespmem:$0x680] =	vst v1;
	v1 =	vshll.u32 v3, $0x1;
	v3 =	vand.u32 $0x7F, v3  }
0x69: {  	[tilespmem:$0xA80] =	vst v2;
	v1 =	vand.u32 $0xFFFFFF00, v1;
	v2 =	vmul.u32 $0x300, v3;
	v3 =	vld [tilespmem:$0x2C0]  }
0x6a: {  	v5 =	vand.u32 $0x7F, v49;
	[tilespmem:$0x690] =	vst v1;
	v1 =	vshll.u32 v49, $0x1  }
0x6b: {  	v51 =	vld [tilespmem:$0x2D0];
	[tilespmem:$0xA90] =	vst v2;
	v1 =	vand.u32 $0xFFFFFF00, v1;
	v2 =	vmul.u32 $0x300, v5  }
0x6c: {  	v4 =	vand.u32 $0x7F, v50;
	[tilespmem:$0x6A0] =	vst v1;
	v1 =	vshll.u32 v50, $0x1  }
0x6d: {  	v52 =	vld [tilespmem:$0x2E0];
	[tilespmem:$0xAA0] =	vst v2;
	v1 =	vand.u32 $0xFFFFFF00, v1;
	v2 =	vmul.u32 $0x300, v4  }
0x6e: {  	[tilespmem:$0x6B0] =	vst v1;
	v1 =	vshll.u32 v3, $0x1;
	v3 =	vand.u32 $0x7F, v3  }
0x6f: {  	[tilespmem:$0xAB0] =	vst v2;
	v1 =	vand.u32 $0xFFFFFF00, v1;
	v2 =	vmul.u32 $0x300, v3;
	v3 =	vld [tilespmem:$0x2F0]  }
0x70: {  	v5 =	vand.u32 $0x7F, v51;
	[tilespmem:$0x6C0] =	vst v1;
	v1 =	vshll.u32 v51, $0x1  }
0x71: {  	v53 =	vld [tilespmem:$0x300];
	[tilespmem:$0xAC0] =	vst v2;
	v1 =	vand.u32 $0xFFFFFF00, v1;
	v2 =	vmul.u32 $0x300, v5  }
0x72: {  	v4 =	vand.u32 $0x7F, v52;
	[tilespmem:$0x6D0] =	vst v1;
	v1 =	vshll.u32 v52, $0x1  }
0x73: {  	v54 =	vld [tilespmem:$0x310];
	[tilespmem:$0xAD0] =	vst v2;
	v1 =	vand.u32 $0xFFFFFF00, v1;
	v2 =	vmul.u32 $0x300, v4  }
0x74: {  	[tilespmem:$0x6E0] =	vst v1;
	v1 =	vshll.u32 v3, $0x1;
	v3 =	vand.u32 $0x7F, v3  }
0x75: {  	[tilespmem:$0xAE0] =	vst v2;
	v1 =	vand.u32 $0xFFFFFF00, v1;
	v2 =	vmul.u32 $0x300, v3;
	v3 =	vld [tilespmem:$0x320]  }
0x76: {  	v5 =	vand.u32 $0x7F, v53;
	[tilespmem:$0x6F0] =	vst v1;
	v1 =	vshll.u32 v53, $0x1  }
0x77: {  	v55 =	vld [tilespmem:$0x330];
	[tilespmem:$0xAF0] =	vst v2;
	v1 =	vand.u32 $0xFFFFFF00, v1;
	v2 =	vmul.u32 $0x300, v5  }
0x78: {  	v4 =	vand.u32 $0x7F, v54;
	[tilespmem:$0x700] =	vst v1;
	v1 =	vshll.u32 v54, $0x1  }
0x79: {  	v56 =	vld [tilespmem:$0x340];
	[tilespmem:$0xB00] =	vst v2;
	v1 =	vand.u32 $0xFFFFFF00, v1;
	v2 =	vmul.u32 $0x300, v4  }
0x7a: {  	[tilespmem:$0x710] =	vst v1;
	v1 =	vshll.u32 v3, $0x1;
	v3 =	vand.u32 $0x7F, v3  }
0x7b: {  	[tilespmem:$0xB10] =	vst v2;
	v1 =	vand.u32 $0xFFFFFF00, v1;
	v2 =	vmul.u32 $0x300, v3;
	v3 =	vld [tilespmem:$0x350]  }
0x7c: {  	v5 =	vand.u32 $0x7F, v55;
	[tilespmem:$0x720] =	vst v1;
	v1 =	vshll.u32 v55, $0x1  }
0x7d: {  	v57 =	vld [tilespmem:$0x360];
	[tilespmem:$0xB20] =	vst v2;
	v1 =	vand.u32 $0xFFFFFF00, v1;
	v2 =	vmul.u32 $0x300, v5  }
0x7e: {  	v4 =	vand.u32 $0x7F, v56;
	[tilespmem:$0x730] =	vst v1;
	v1 =	vshll.u32 v56, $0x1  }
0x7f: {  	v58 =	vld [tilespmem:$0x370];
	[tilespmem:$0xB30] =	vst v2;
	v1 =	vand.u32 $0xFFFFFF00, v1;
	v2 =	vmul.u32 $0x300, v4  }
0x80: {  	[tilespmem:$0x740] =	vst v1;
	v1 =	vshll.u32 v3, $0x1;
	v3 =	vand.u32 $0x7F, v3  }
0x81: {  	[tilespmem:$0xB40] =	vst v2;
	v1 =	vand.u32 $0xFFFFFF00, v1;
	v2 =	vmul.u32 $0x300, v3;
	v3 =	vld [tilespmem:$0x380]  }
0x82: {  	v5 =	vand.u32 $0x7F, v57;
	[tilespmem:$0x750] =	vst v1;
	v1 =	vshll.u32 v57, $0x1  }
0x83: {  	v59 =	vld [tilespmem:$0x390];
	[tilespmem:$0xB50] =	vst v2;
	v1 =	vand.u32 $0xFFFFFF00, v1;
	v2 =	vmul.u32 $0x300, v5  }
0x84: {  	v4 =	vand.u32 $0x7F, v58;
	[tilespmem:$0x760] =	vst v1;
	v1 =	vshll.u32 v58, $0x1  }
0x85: {  	v60 =	vld [tilespmem:$0x3A0];
	[tilespmem:$0xB60] =	vst v2;
	v1 =	vand.u32 $0xFFFFFF00, v1;
	v2 =	vmul.u32 $0x300, v4  }
0x86: {  	[tilespmem:$0x770] =	vst v1;
	v1 =	vshll.u32 v3, $0x1;
	v3 =	vand.u32 $0x7F, v3  }
0x87: {  	[tilespmem:$0xB70] =	vst v2;
	v1 =	vand.u32 $0xFFFFFF00, v1;
	v2 =	vmul.u32 $0x300, v3;
	v3 =	vld [tilespmem:$0x3B0]  }
0x88: {  	v5 =	vand.u32 $0x7F, v59;
	[tilespmem:$0x780] =	vst v1;
	v1 =	vshll.u32 v59, $0x1  }
0x89: {  	v61 =	vld [tilespmem:$0x3C0];
	[tilespmem:$0xB80] =	vst v2;
	v1 =	vand.u32 $0xFFFFFF00, v1;
	v2 =	vmul.u32 $0x300, v5  }
0x8a: {  	v4 =	vand.u32 $0x7F, v60;
	[tilespmem:$0x790] =	vst v1;
	v1 =	vshll.u32 v60, $0x1  }
0x8b: {  	v62 =	vld [tilespmem:$0x3D0];
	[tilespmem:$0xB90] =	vst v2;
	v1 =	vand.u32 $0xFFFFFF00, v1;
	v2 =	vmul.u32 $0x300, v4  }
0x8c: {  	[tilespmem:$0x7A0] =	vst v1;
	v1 =	vshll.u32 v3, $0x1;
	v3 =	vand.u32 $0x7F, v3  }
0x8d: {  	[tilespmem:$0xBA0] =	vst v2;
	v1 =	vand.u32 $0xFFFFFF00, v1;
	v2 =	vmul.u32 $0x300, v3;
	v3 =	vld [tilespmem:$0x3E0]  }
0x8e: {  	v5 =	vand.u32 $0x7F, v61;
	[tilespmem:$0x7B0] =	vst v1;
	v1 =	vshll.u32 v61, $0x1  }
0x8f: {  	v63 =	vld [tilespmem:$0x3F0];
	[tilespmem:$0xBB0] =	vst v2;
	v1 =	vand.u32 $0xFFFFFF00, v1;
	v2 =	vmul.u32 $0x300, v5  }
0x90: {  	v4 =	vand.u32 $0x7F, v62;
	[tilespmem:$0x7C0] =	vst v1;
	v1 =	vshll.u32 v62, $0x1  }
0x91: {  	[tilespmem:$0xBC0] =	vst v2;
	v1 =	vand.u32 $0xFFFFFF00, v1;
	v2 =	vmul.u32 $0x300, v4  }
0x92: {  	[tilespmem:$0x7D0] =	vst v1;
	v1 =	vshll.u32 v3, $0x1;
	v3 =	vand.u32 $0x7F, v3  }
0x93: {  	[tilespmem:$0xBD0] =	vst v2;
	v1 =	vand.u32 $0xFFFFFF00, v1;
	v2 =	vmul.u32 $0x300, v3  }
0x94: {  	v3 =	vand.u32 $0x7F, v63;
	[tilespmem:$0x7E0] =	vst v1;
	v1 =	vshll.u32 v63, $0x1  }
0x95: {  	[tilespmem:$0xBE0] =	vst v2;
	v1 =	vand.u32 $0xFFFFFF00, v1;
	v2 =	vmul.u32 $0x300, v3  }
0x96: {  	[tilespmem:$0x7F0] =	vst v1  }
0x97: {  	[tilespmem:$0xBF0] =	vst v2  }
0x98: {  	_ =	swait.ge [sflag:s12], $0x4000  }
0x99: {  	[sflag:s12] =	ssyncset.done $0x0  }
0x9a: {  	[sflag:s12] =	ssyncadd.s32 $0xFFFFC000  }
0x9b: {  	_ =	swait.ge [sflag:s12], $0x18000  }
0x9c: {  	[sflag:s12] =	ssyncset.done $0x0  }
0x9d: {  	s17 =	simm.s32 $0x0;
	[sflag:s12] =	ssyncadd.s32 $0xFFFE8000  }
.LBB2_2:
0x9e: {  	s18 =	sshll.u32 s17, $0x3  }
0x9f: {  	v1 =	vmov s18  }
0xa0: {  	v5 =	vbroadcast v1, $0x0  }
0xa1: {  	p0 =	seq.s32 s17, $0x0  }
0xa2: {  	s19 =	simm.s32 @!p0 $0x2  }
0xa3: {  	_ =	swait.ge @!p0 [sflag:s19], $0x1000  }
0xa4: {  	[sflag:s19] =	ssyncset.done @!p0 $0x0  }
0xa5: {  	[sflag:s19] =	ssyncadd.s32 @!p0 $0xFFFFF000  }
0xa6: {  	v16 =	vld.idx.msk [tilespmem:v5+s13+$0x0], $0xffff;
	_ =	sdelay $0x4  }
0xa7: {  	v1 =	vor.u32 $0x10, v0;
	v6 =	vadd.s32 v0, v16  }
0xa8: {  	v2 =	vor.u32 $0x20, v0;
	v7 =	vadd.s32 v1, v16  }
0xa9: {  	v3 =	vor.u32 $0x30, v0;
	v8 =	vadd.s32 v2, v16  }
0xaa: {  	v4 =	vor.u32 $0x40, v0;
	v9 =	vadd.s32 v3, v16  }
0xab: {  	v17 =	vld.idx.msk [tilespmem:v5+s14+$0x0], $0xffff;
	v5 =	vor.u32 $0x50, v0;
	v10 =	vadd.s32 v4, v16  }
0xac: {  	v12 =	vadd.s32 v5, v16;
	v11 =	vld.idx.msk [tilespmem:v6+s10+$0x0], $0xffff;
	v6 =	vor.u32 $0x60, v0  }
0xad: {  	v13 =	vld.idx.msk [tilespmem:v7+s10+$0x0], $0xffff;
	v7 =	vor.u32 $0x70, v0;
	v14 =	vadd.s32 v6, v16  }
0xae: {  	v15 =	vld.idx.msk [tilespmem:v8+s10+$0x0], $0xffff;
	v8 =	vor.u32 $0x80, v0;
	v18 =	vadd.s32 v7, v16  }
0xaf: {  	v19 =	vld.idx.msk [tilespmem:v9+s10+$0x0], $0xffff;
	v9 =	vor.u32 $0x90, v0;
	v20 =	vadd.s32 v8, v16  }
0xb0: {  	v21 =	vld.idx.msk [tilespmem:v10+s10+$0x0], $0xffff;
	v10 =	vor.u32 $0xA0, v0;
	v22 =	vadd.s32 v9, v16  }
0xb1: {  	v23 =	vld.idx.msk [tilespmem:v12+s10+$0x0], $0xffff;
	v24 =	vadd.s32 v10, v16;
	[tilespmem:$0x1CC00] =	vst v11  }
0xb2: {  	v11 =	vor.u32 $0xB0, v0;
	[tilespmem:$0x1CC10] =	vst v13;
	v25 =	vld.idx.msk [tilespmem:v14+s10+$0x0], $0xffff  }
0xb3: {  	v12 =	vor.u32 $0xC0, v0;
	[tilespmem:$0x1CC20] =	vst v15;
	v26 =	vadd.s32 v11, v16;
	v18 =	vld.idx.msk [tilespmem:v18+s10+$0x0], $0xffff  }
0xb4: {  	v27 =	vadd.s32 v12, v16;
	v13 =	vor.u32 $0xD0, v0;
	[tilespmem:$0x1CC30] =	vst v19;
	v19 =	vld.idx.msk [tilespmem:v20+s10+$0x0], $0xffff  }
0xb5: {  	[tilespmem:$0x1CC40] =	vst v21;
	v15 =	vor.u32 $0xF0, v0;
	v20 =	vadd.s32 v13, v16;
	v21 =	vld.idx.msk [tilespmem:v22+s10+$0x0], $0xffff  }
0xb6: {  	[tilespmem:$0x1CC50] =	vst v23;
	v14 =	vor.u32 $0xE0, v0;
	v23 =	vld.idx.msk [tilespmem:v24+s10+$0x0], $0xffff;
	v24 =	vadd.s32 v15, v16  }
0xb7: {  	v22 =	vadd.s32 v14, v16  }
0xb8: {  	[tilespmem:$0x1CC60] =	vst v25;
	v25 =	vld.idx.msk [tilespmem:v26+s10+$0x0], $0xffff  }
0xb9: {  	[tilespmem:$0x1CC70] =	vst v18;
	v18 =	vld.idx.msk [tilespmem:v27+s10+$0x0], $0xffff  }
0xba: {  	[tilespmem:$0x1CD00] =	vst v19;
	v19 =	vld.idx.msk [tilespmem:v20+s10+$0x0], $0xffff  }
0xbb: {  	v16 =	vadd.s32 v0, v17;
	[tilespmem:$0x1CD10] =	vst v21;
	v17 =	vld.idx.msk [tilespmem:v24+s10+$0x0], $0xffff  }
0xbc: {  	s30 =	simm.s32 $0xF0;
	[tilespmem:$0x1CD20] =	vst v23;
	v20 =	vld.idx.msk [tilespmem:v22+s10+$0x0], $0xffff  }
0xbd: {  	s21 =	simm.s32 $0x30;
	v21 =	vadd.s32 s30, v16;
	[tilespmem:$0x1CD30] =	vst v25  }
0xbe: {  	s22 =	simm.s32 $0x40;
	v22 =	vadd.s32 s21, v16;
	[tilespmem:$0x1CD40] =	vst v18  }
0xbf: {  	s24 =	simm.s32 $0x50;
	v23 =	vadd.s32 s22, v16;
	[tilespmem:$0x1CD50] =	vst v19  }
0xc0: {  	s31 =	simm.s32 $0x10;
	v24 =	vadd.s32 s24, v16;
	[tilespmem:$0x1CD70] =	vst v17  }
0xc1: {  	s20 =	simm.s32 $0xE0;
	v19 =	vadd.s32 s31, v16;
	[tilespmem:$0x1CD60] =	vst v20  }
0xc2: {  	v18 =	vadd.s32 s20, v16;
	s20 =	simm.s32 $0x20;
	v17 =	vld.idx.msk [tilespmem:v21+s11+$0x0], $0xffff  }
0xc3: {  	s23 =	simm.s32 $0x0;
	v20 =	vadd.s32 s20, v16;
	v22 =	vld.idx.msk [tilespmem:v22+s11+$0x0], $0xffff  }
0xc4: {  	s26 =	simm.s32 $0x70;
	v21 =	vadd.s32 s23, v16;
	v29 =	vld.idx.msk [tilespmem:v23+s11+$0x0], $0xffff  }
0xc5: {  	s25 =	simm.s32 $0x60;
	v27 =	vadd.s32 s26, v16;
	v26 =	vld.idx.msk [tilespmem:v24+s11+$0x0], $0xffff  }
0xc6: {  	s28 =	simm.s32 $0x80;
	v25 =	vadd.s32 s25, v16;
	v19 =	vld.idx.msk [tilespmem:v19+s11+$0x0], $0xffff  }
0xc7: {  	v28 =	vadd.s32 s28, v16;
	s21 =	simm.s32 $0x90;
	v18 =	vld.idx.msk [tilespmem:v18+s11+$0x0], $0xffff  }
0xc8: {  	s29 =	simm.s32 $0xA0;
	s19 =	simm.s32 $0x1CF70;
	v30 =	vadd.s32 s21, v16;
	v20 =	vld.idx.msk [tilespmem:v20+s11+$0x0], $0xffff  }
0xc9: {  	v32 =	vadd.s32 s29, v16;
	s30 =	simm.s32 $0xB0;
	v31 =	vld.idx.msk [tilespmem:v21+s11+$0x0], $0xffff;
	[tilespmem:s19+$0xFFFFFEC0] =	vst v22  }
0xca: {  	s31 =	simm.s32 $0xC0;
	v24 =	vld.idx.msk [tilespmem:v27+s11+$0x0], $0xffff;
	v21 =	vadd.s32 s30, v16;
	[tilespmem:s19+$0xFFFFFED0] =	vst v29  }
0xcb: {  	s22 =	simm.s32 $0xD0;
	v25 =	vld.idx.msk [tilespmem:v25+s11+$0x0], $0xffff;
	[tilespmem:s19+$0xFFFFFEA0] =	vst v19;
	v19 =	vadd.s32 s31, v16  }
0xcc: {  	v23 =	vld.idx.msk [tilespmem:v28+s11+$0x0], $0xffff;
	[tilespmem:s19+$0xFFFFFFF0] =	vst v18;
	v18 =	vadd.s32 s22, v16  }
0xcd: {  	v22 =	vld.idx.msk [tilespmem:v30+s11+$0x0], $0xffff;
	[tilespmem:s19+$0xFFFFFEB0] =	vst v20  }
0xce: {  	s21 =	simm.s32 $0x1F0;
	s20 =	simm.s32 $0x0;
	v20 =	vld.idx.msk [tilespmem:v32+s11+$0x0], $0xffff;
	[tilespmem:s19+$0xFFFFFE90] =	vst v31  }
.LBB2_3:
0xcf: {  	s22 =	sadd.s32 $0xFFFFFF20, s21;
	s23 =	sadd.s32 $0xFFFFFFF0, s21;
	v27 =	vadd.s32 s21, v16;
	s20 =	sadd.s32 $0x10, s20;
	[tilespmem:s19+$0xFFFFFEE0] =	vst v26;
	v26 =	vld.idx.msk [tilespmem:v21+s11+$0x0], $0xffff  }
0xd0: {  	s24 =	sadd.s32 $0xFFFFFF40, s21;
	v28 =	vadd.s32 s22, v16;
	s22 =	sadd.s32 $0xFFFFFF30, s21;
	v29 =	vadd.s32 s23, v16;
	p1 =	slt.u32 s20, $0x20;
	[tilespmem:s19+$0xFFFFFEF0] =	vst v25;
	v25 =	vld.idx.msk [tilespmem:v19+s11+$0x0], $0xffff  }
0xd1: {  	v31 =	vadd.s32 s24, v16;
	s23 =	sadd.s32 $0xFFFFFF60, s21;
	s24 =	sadd.s32 $0xFFFFFF70, s21;
	v30 =	vadd.s32 s22, v16;
	s22 =	sadd.s32 $0xFFFFFF50, s21;
	[tilespmem:s19+$0xFFFFFF00] =	vst v24;
	v24 =	vld.idx.msk [tilespmem:v18+s11+$0x0], $0xffff  }
0xd2: {  	v33 =	vadd.s32 s23, v16;
	v34 =	vadd.s32 s24, v16;
	s23 =	sadd.s32 $0xFFFFFF90, s21;
	s24 =	sadd.s32 $0xFFFFFFA0, s21;
	v32 =	vadd.s32 s22, v16;
	s22 =	sadd.s32 $0xFFFFFF80, s21;
	[tilespmem:s19+$0xFFFFFF90] =	vst v23  }
0xd3: {  	v35 =	vadd.s32 s23, v16;
	v36 =	vadd.s32 s24, v16;
	s23 =	sadd.s32 $0xFFFFFFC0, s21;
	s24 =	sadd.s32 $0xFFFFFFD0, s21;
	v23 =	vadd.s32 s22, v16;
	s22 =	sadd.s32 $0xFFFFFFB0, s21;
	[tilespmem:s19+$0xFFFFFFA0] =	vst v22  }
0xd4: {  	s25 =	sadd.s32 $0xFFFFFF10, s21;
	v21 =	vadd.s32 s23, v16;
	v19 =	vadd.s32 s24, v16;
	v37 =	vadd.s32 s22, v16;
	s22 =	sadd.s32 $0xFFFFFFE0, s21;
	v22 =	vld.idx.msk [tilespmem:v27+s11+$0x0], $0xffff  }
0xd5: {  	v27 =	vadd.s32 s25, v16;
	v18 =	vadd.s32 s22, v16;
	v29 =	vld.idx.msk [tilespmem:v29+s11+$0x0], $0xffff;
	[tilespmem:s19+$0xFFFFFFB0] =	vst v20  }
0xd6: {  	v20 =	vld.idx.msk [tilespmem:v28+s11+$0x0], $0xffff;
	[tilespmem:s19+$0xFFFFFFC0] =	vst v26  }
0xd7: {  	v28 =	vld.idx.msk [tilespmem:v30+s11+$0x0], $0xffff;
	[tilespmem:s19+$0xFFFFFFD0] =	vst v25  }
0xd8: {  	v30 =	vld.idx.msk [tilespmem:v31+s11+$0x0], $0xffff;
	[tilespmem:s19+$0xFFFFFFE0] =	vst v24  }
0xd9: {  	v31 =	vld.idx.msk [tilespmem:v32+s11+$0x0], $0xffff;
	[tilespmem:s19+$0x0] =	vst v17  }
0xda: {  	s19 =	sadd.s32 $0x200, s19;
	v17 =	vmov v22;
	v27 =	vld.idx.msk [tilespmem:v27+s11+$0x0], $0xffff  }
0xdb: {  	v26 =	vld.idx.msk [tilespmem:v33+s11+$0x0], $0xffff;
	[tilespmem:s19+$0xFFFFFFF0] =	vst v29  }
.Ltmp0:
0xdc: {  	[tilespmem:s19+$0xFFFFFEA0] =	vst v20;
	v25 =	vld.idx.msk [tilespmem:v34+s11+$0x0], $0xffff;
	(pc) =	sbr.rel @p1 .LBB2_3-.Ltmp0, $4  }
0xdd: {  	[tilespmem:s19+$0xFFFFFEB0] =	vst v28;
	v24 =	vld.idx.msk [tilespmem:v23+s11+$0x0], $0xffff  }
0xde: {  	[tilespmem:s19+$0xFFFFFEC0] =	vst v30;
	v23 =	vld.idx.msk [tilespmem:v35+s11+$0x0], $0xffff  }
0xdf: {  	[tilespmem:s19+$0xFFFFFED0] =	vst v31;
	v22 =	vld.idx.msk [tilespmem:v36+s11+$0x0], $0xffff  }
0xe0: {  	s21 =	sadd.s32 $0x100, s21;
	[tilespmem:s19+$0xFFFFFE90] =	vst v27;
	v20 =	vld.idx.msk [tilespmem:v37+s11+$0x0], $0xffff  }
0xe1: {  	_ =	sdelay $0x1  }
0xe2: {  	[tilespmem:s19+$0xFFFFFEE0] =	vst v26  }
0xe3: {  	[tilespmem:s19+$0xFFFFFEF0] =	vst v25;
	s20 =	sor.u32 $0x1, s18  }
0xe4: {  	v16 =	vld.idx.msk [tilespmem:v21+s11+$0x0], $0xffff;
	[tilespmem:s19+$0x0] =	vst v17;
	v21 =	vmov s20  }
0xe5: {  	v19 =	vld.idx.msk [tilespmem:v19+s11+$0x0], $0xffff;
	[tilespmem:s19+$0xFFFFFF00] =	vst v24;
	v21 =	vand.u32 $0xFFFFFFF9, v21  }
0xe6: {  	v18 =	vld.idx.msk [tilespmem:v18+s11+$0x0], $0xffff;
	[tilespmem:s19+$0xFFFFFF90] =	vst v23;
	v21 =	vbroadcast v21, $0x0  }
0xe7: {  	[tilespmem:s19+$0xFFFFFFA0] =	vst v22  }
0xe8: {  	[tilespmem:s19+$0xFFFFFFB0] =	vst v20  }
0xe9: {  	[tilespmem:s19+$0xFFFFFFC0] =	vst v16  }
0xea: {  	[tilespmem:s19+$0xFFFFFFD0] =	vst v19  }
0xeb: {  	[tilespmem:s19+$0xFFFFFFE0] =	vst v18  }
0xec: {  	v16 =	vld.idx.msk [tilespmem:v21+s13+$0x0], $0xffff;
	_ =	sdelay $0x4  }
0xed: {  	v17 =	vadd.s32 v0, v16  }
0xee: {  	v18 =	vadd.s32 v1, v16  }
0xef: {  	v19 =	vadd.s32 v2, v16  }
0xf0: {  	v20 =	vadd.s32 v3, v16  }
0xf1: {  	v21 =	vld.idx.msk [tilespmem:v21+s14+$0x0], $0xffff;
	v22 =	vadd.s32 v4, v16  }
0xf2: {  	v23 =	vadd.s32 v5, v16;
	v17 =	vld.idx.msk [tilespmem:v17+s10+$0x0], $0xffff  }
0xf3: {  	v24 =	vadd.s32 v6, v16;
	v18 =	vld.idx.msk [tilespmem:v18+s10+$0x0], $0xffff  }
0xf4: {  	v25 =	vadd.s32 v7, v16;
	v19 =	vld.idx.msk [tilespmem:v19+s10+$0x0], $0xffff  }
0xf5: {  	v26 =	vadd.s32 v8, v16;
	v20 =	vld.idx.msk [tilespmem:v20+s10+$0x0], $0xffff  }
0xf6: {  	v27 =	vadd.s32 v9, v16;
	v22 =	vld.idx.msk [tilespmem:v22+s10+$0x0], $0xffff  }
0xf7: {  	[tilespmem:$0x1D400] =	vst v17;
	v17 =	vld.idx.msk [tilespmem:v23+s10+$0x0], $0xffff;
	v23 =	vadd.s32 v10, v16  }
0xf8: {  	[tilespmem:$0x1D410] =	vst v18;
	v18 =	vld.idx.msk [tilespmem:v24+s10+$0x0], $0xffff;
	v24 =	vadd.s32 v11, v16  }
0xf9: {  	[tilespmem:$0x1D420] =	vst v19;
	v19 =	vld.idx.msk [tilespmem:v25+s10+$0x0], $0xffff;
	v25 =	vadd.s32 v12, v16  }
0xfa: {  	[tilespmem:$0x1D430] =	vst v20;
	v20 =	vld.idx.msk [tilespmem:v26+s10+$0x0], $0xffff;
	v26 =	vadd.s32 v13, v16  }
0xfb: {  	[tilespmem:$0x1D440] =	vst v22;
	v22 =	vld.idx.msk [tilespmem:v27+s10+$0x0], $0xffff;
	v27 =	vadd.s32 v14, v16  }
0xfc: {  	[tilespmem:$0x1D450] =	vst v17;
	v17 =	vld.idx.msk [tilespmem:v23+s10+$0x0], $0xffff;
	v23 =	vadd.s32 v15, v16  }
0xfd: {  	[tilespmem:$0x1D460] =	vst v18;
	v18 =	vld.idx.msk [tilespmem:v24+s10+$0x0], $0xffff  }
0xfe: {  	[tilespmem:$0x1D470] =	vst v19;
	v19 =	vld.idx.msk [tilespmem:v25+s10+$0x0], $0xffff  }
0xff: {  	[tilespmem:$0x1D500] =	vst v20;
	v20 =	vld.idx.msk [tilespmem:v26+s10+$0x0], $0xffff  }
0x100: {  	[tilespmem:$0x1D510] =	vst v22;
	v22 =	vld.idx.msk [tilespmem:v27+s10+$0x0], $0xffff  }
0x101: {  	s29 =	simm.s32 $0xF0;
	v16 =	vadd.s32 v0, v21;
	[tilespmem:$0x1D520] =	vst v17;
	v17 =	vld.idx.msk [tilespmem:v23+s10+$0x0], $0xffff  }
0x102: {  	s30 =	simm.s32 $0xE0;
	[tilespmem:$0x1D530] =	vst v18;
	v18 =	vadd.s32 s29, v16  }
0x103: {  	s31 =	simm.s32 $0x10;
	[tilespmem:$0x1D540] =	vst v19;
	v19 =	vadd.s32 s30, v16  }
0x104: {  	s20 =	simm.s32 $0x20;
	[tilespmem:$0x1D550] =	vst v20;
	v20 =	vadd.s32 s31, v16  }
0x105: {  	s21 =	simm.s32 $0x30;
	v21 =	vadd.s32 s20, v16;
	[tilespmem:$0x1D560] =	vst v22  }
0x106: {  	s22 =	simm.s32 $0x40;
	v22 =	vadd.s32 s21, v16;
	[tilespmem:$0x1D570] =	vst v17  }
0x107: {  	s24 =	simm.s32 $0x50;
	v23 =	vadd.s32 s22, v16;
	v17 =	vld.idx.msk [tilespmem:v18+s11+$0x0], $0xffff  }
0x108: {  	s23 =	simm.s32 $0x0;
	v24 =	vadd.s32 s24, v16;
	v19 =	vld.idx.msk [tilespmem:v19+s11+$0x0], $0xffff  }
0x109: {  	s25 =	simm.s32 $0x60;
	v18 =	vadd.s32 s23, v16;
	v20 =	vld.idx.msk [tilespmem:v20+s11+$0x0], $0xffff  }
0x10a: {  	s26 =	simm.s32 $0x70;
	v25 =	vadd.s32 s25, v16;
	v21 =	vld.idx.msk [tilespmem:v21+s11+$0x0], $0xffff  }
0x10b: {  	s28 =	simm.s32 $0x80;
	v27 =	vadd.s32 s26, v16;
	v22 =	vld.idx.msk [tilespmem:v22+s11+$0x0], $0xffff  }
0x10c: {  	v28 =	vadd.s32 s28, v16;
	s21 =	simm.s32 $0x90;
	v29 =	vld.idx.msk [tilespmem:v23+s11+$0x0], $0xffff  }
0x10d: {  	s19 =	simm.s32 $0x1D770;
	s29 =	simm.s32 $0xA0;
	v30 =	vadd.s32 s21, v16;
	v26 =	vld.idx.msk [tilespmem:v24+s11+$0x0], $0xffff  }
0x10e: {  	s30 =	simm.s32 $0xB0;
	v32 =	vadd.s32 s29, v16;
	v31 =	vld.idx.msk [tilespmem:v18+s11+$0x0], $0xffff;
	[tilespmem:s19+$0xFFFFFFF0] =	vst v19  }
0x10f: {  	s31 =	simm.s32 $0xC0;
	v25 =	vld.idx.msk [tilespmem:v25+s11+$0x0], $0xffff;
	[tilespmem:s19+$0xFFFFFEB0] =	vst v21;
	v21 =	vadd.s32 s30, v16  }
0x110: {  	s22 =	simm.s32 $0xD0;
	v24 =	vld.idx.msk [tilespmem:v27+s11+$0x0], $0xffff;
	[tilespmem:s19+$0xFFFFFEA0] =	vst v20;
	v19 =	vadd.s32 s31, v16  }
0x111: {  	v23 =	vld.idx.msk [tilespmem:v28+s11+$0x0], $0xffff;
	[tilespmem:s19+$0xFFFFFEC0] =	vst v22;
	v18 =	vadd.s32 s22, v16  }
0x112: {  	[tilespmem:s19+$0xFFFFFED0] =	vst v29;
	v22 =	vld.idx.msk [tilespmem:v30+s11+$0x0], $0xffff  }
0x113: {  	s20 =	simm.s32 $0x0;
	s21 =	simm.s32 $0x1F0;
	v20 =	vld.idx.msk [tilespmem:v32+s11+$0x0], $0xffff;
	[tilespmem:s19+$0xFFFFFE90] =	vst v31  }
.LBB2_5:
0x114: {  	s22 =	sadd.s32 $0xFFFFFF20, s21;
	s23 =	sadd.s32 $0xFFFFFFF0, s21;
	v27 =	vadd.s32 s21, v16;
	s20 =	sadd.s32 $0x10, s20;
	[tilespmem:s19+$0xFFFFFEE0] =	vst v26;
	v26 =	vld.idx.msk [tilespmem:v21+s11+$0x0], $0xffff  }
0x115: {  	s24 =	sadd.s32 $0xFFFFFF40, s21;
	v28 =	vadd.s32 s22, v16;
	s22 =	sadd.s32 $0xFFFFFF30, s21;
	v29 =	vadd.s32 s23, v16;
	p1 =	slt.u32 s20, $0x20;
	[tilespmem:s19+$0xFFFFFEF0] =	vst v25;
	v25 =	vld.idx.msk [tilespmem:v19+s11+$0x0], $0xffff  }
0x116: {  	v31 =	vadd.s32 s24, v16;
	s23 =	sadd.s32 $0xFFFFFF60, s21;
	s24 =	sadd.s32 $0xFFFFFF70, s21;
	v30 =	vadd.s32 s22, v16;
	s22 =	sadd.s32 $0xFFFFFF50, s21;
	[tilespmem:s19+$0xFFFFFF00] =	vst v24;
	v24 =	vld.idx.msk [tilespmem:v18+s11+$0x0], $0xffff  }
0x117: {  	v33 =	vadd.s32 s23, v16;
	v34 =	vadd.s32 s24, v16;
	s23 =	sadd.s32 $0xFFFFFF90, s21;
	s24 =	sadd.s32 $0xFFFFFFA0, s21;
	v32 =	vadd.s32 s22, v16;
	s22 =	sadd.s32 $0xFFFFFF80, s21;
	[tilespmem:s19+$0xFFFFFF90] =	vst v23  }
0x118: {  	v35 =	vadd.s32 s23, v16;
	v36 =	vadd.s32 s24, v16;
	s23 =	sadd.s32 $0xFFFFFFC0, s21;
	s24 =	sadd.s32 $0xFFFFFFD0, s21;
	v23 =	vadd.s32 s22, v16;
	s22 =	sadd.s32 $0xFFFFFFB0, s21;
	[tilespmem:s19+$0xFFFFFFA0] =	vst v22  }
0x119: {  	s25 =	sadd.s32 $0xFFFFFF10, s21;
	v21 =	vadd.s32 s23, v16;
	v19 =	vadd.s32 s24, v16;
	v37 =	vadd.s32 s22, v16;
	s22 =	sadd.s32 $0xFFFFFFE0, s21;
	v22 =	vld.idx.msk [tilespmem:v27+s11+$0x0], $0xffff  }
0x11a: {  	v27 =	vadd.s32 s25, v16;
	v18 =	vadd.s32 s22, v16;
	v29 =	vld.idx.msk [tilespmem:v29+s11+$0x0], $0xffff;
	[tilespmem:s19+$0xFFFFFFB0] =	vst v20  }
0x11b: {  	v20 =	vld.idx.msk [tilespmem:v28+s11+$0x0], $0xffff;
	[tilespmem:s19+$0xFFFFFFC0] =	vst v26  }
0x11c: {  	v28 =	vld.idx.msk [tilespmem:v30+s11+$0x0], $0xffff;
	[tilespmem:s19+$0xFFFFFFD0] =	vst v25  }
0x11d: {  	v30 =	vld.idx.msk [tilespmem:v31+s11+$0x0], $0xffff;
	[tilespmem:s19+$0xFFFFFFE0] =	vst v24  }
0x11e: {  	v31 =	vld.idx.msk [tilespmem:v32+s11+$0x0], $0xffff;
	[tilespmem:s19+$0x0] =	vst v17  }
0x11f: {  	s19 =	sadd.s32 $0x200, s19;
	v17 =	vmov v22;
	v27 =	vld.idx.msk [tilespmem:v27+s11+$0x0], $0xffff  }
0x120: {  	v26 =	vld.idx.msk [tilespmem:v33+s11+$0x0], $0xffff;
	[tilespmem:s19+$0xFFFFFFF0] =	vst v29  }
.Ltmp1:
0x121: {  	[tilespmem:s19+$0xFFFFFEA0] =	vst v20;
	v25 =	vld.idx.msk [tilespmem:v34+s11+$0x0], $0xffff;
	(pc) =	sbr.rel @p1 .LBB2_5-.Ltmp1, $4  }
0x122: {  	[tilespmem:s19+$0xFFFFFEB0] =	vst v28;
	v24 =	vld.idx.msk [tilespmem:v23+s11+$0x0], $0xffff  }
0x123: {  	[tilespmem:s19+$0xFFFFFEC0] =	vst v30;
	v23 =	vld.idx.msk [tilespmem:v35+s11+$0x0], $0xffff  }
0x124: {  	[tilespmem:s19+$0xFFFFFED0] =	vst v31;
	v22 =	vld.idx.msk [tilespmem:v36+s11+$0x0], $0xffff  }
0x125: {  	s21 =	sadd.s32 $0x100, s21;
	[tilespmem:s19+$0xFFFFFE90] =	vst v27;
	v20 =	vld.idx.msk [tilespmem:v37+s11+$0x0], $0xffff  }
0x126: {  	_ =	sdelay $0x1  }
0x127: {  	[tilespmem:s19+$0xFFFFFEE0] =	vst v26  }
0x128: {  	[tilespmem:s19+$0xFFFFFEF0] =	vst v25;
	s20 =	sor.u32 $0x2, s18  }
0x129: {  	v16 =	vld.idx.msk [tilespmem:v21+s11+$0x0], $0xffff;
	[tilespmem:s19+$0x0] =	vst v17;
	v21 =	vmov s20  }
0x12a: {  	v19 =	vld.idx.msk [tilespmem:v19+s11+$0x0], $0xffff;
	[tilespmem:s19+$0xFFFFFF00] =	vst v24;
	v21 =	vand.u32 $0xFFFFFFFA, v21  }
0x12b: {  	v18 =	vld.idx.msk [tilespmem:v18+s11+$0x0], $0xffff;
	[tilespmem:s19+$0xFFFFFF90] =	vst v23;
	v21 =	vbroadcast v21, $0x0  }
0x12c: {  	[tilespmem:s19+$0xFFFFFFA0] =	vst v22  }
0x12d: {  	[tilespmem:s19+$0xFFFFFFB0] =	vst v20  }
0x12e: {  	[tilespmem:s19+$0xFFFFFFC0] =	vst v16  }
0x12f: {  	[tilespmem:s19+$0xFFFFFFD0] =	vst v19  }
0x130: {  	[tilespmem:s19+$0xFFFFFFE0] =	vst v18  }
0x131: {  	v16 =	vld.idx.msk [tilespmem:v21+s13+$0x0], $0xffff;
	_ =	sdelay $0x4  }
0x132: {  	v17 =	vadd.s32 v0, v16  }
0x133: {  	v18 =	vadd.s32 v1, v16  }
0x134: {  	v19 =	vadd.s32 v2, v16  }
0x135: {  	v20 =	vadd.s32 v3, v16  }
0x136: {  	v21 =	vld.idx.msk [tilespmem:v21+s14+$0x0], $0xffff;
	v22 =	vadd.s32 v4, v16  }
0x137: {  	v23 =	vadd.s32 v5, v16;
	v17 =	vld.idx.msk [tilespmem:v17+s10+$0x0], $0xffff  }
0x138: {  	v24 =	vadd.s32 v6, v16;
	v18 =	vld.idx.msk [tilespmem:v18+s10+$0x0], $0xffff  }
0x139: {  	v25 =	vadd.s32 v7, v16;
	v19 =	vld.idx.msk [tilespmem:v19+s10+$0x0], $0xffff  }
0x13a: {  	v26 =	vadd.s32 v8, v16;
	v20 =	vld.idx.msk [tilespmem:v20+s10+$0x0], $0xffff  }
0x13b: {  	v27 =	vadd.s32 v9, v16;
	v22 =	vld.idx.msk [tilespmem:v22+s10+$0x0], $0xffff  }
0x13c: {  	[tilespmem:$0x1DC00] =	vst v17;
	v17 =	vld.idx.msk [tilespmem:v23+s10+$0x0], $0xffff;
	v23 =	vadd.s32 v10, v16  }
0x13d: {  	[tilespmem:$0x1DC10] =	vst v18;
	v18 =	vld.idx.msk [tilespmem:v24+s10+$0x0], $0xffff;
	v24 =	vadd.s32 v11, v16  }
0x13e: {  	[tilespmem:$0x1DC20] =	vst v19;
	v19 =	vld.idx.msk [tilespmem:v25+s10+$0x0], $0xffff;
	v25 =	vadd.s32 v12, v16  }
0x13f: {  	[tilespmem:$0x1DC30] =	vst v20;
	v20 =	vld.idx.msk [tilespmem:v26+s10+$0x0], $0xffff;
	v26 =	vadd.s32 v13, v16  }
0x140: {  	[tilespmem:$0x1DC40] =	vst v22;
	v22 =	vld.idx.msk [tilespmem:v27+s10+$0x0], $0xffff;
	v27 =	vadd.s32 v14, v16  }
0x141: {  	[tilespmem:$0x1DC50] =	vst v17;
	v17 =	vld.idx.msk [tilespmem:v23+s10+$0x0], $0xffff;
	v23 =	vadd.s32 v15, v16  }
0x142: {  	[tilespmem:$0x1DC60] =	vst v18;
	v18 =	vld.idx.msk [tilespmem:v24+s10+$0x0], $0xffff  }
0x143: {  	[tilespmem:$0x1DC70] =	vst v19;
	v19 =	vld.idx.msk [tilespmem:v25+s10+$0x0], $0xffff  }
0x144: {  	[tilespmem:$0x1DD00] =	vst v20;
	v20 =	vld.idx.msk [tilespmem:v26+s10+$0x0], $0xffff  }
0x145: {  	[tilespmem:$0x1DD10] =	vst v22;
	v22 =	vld.idx.msk [tilespmem:v27+s10+$0x0], $0xffff  }
0x146: {  	s29 =	simm.s32 $0xF0;
	v16 =	vadd.s32 v0, v21;
	[tilespmem:$0x1DD20] =	vst v17;
	v17 =	vld.idx.msk [tilespmem:v23+s10+$0x0], $0xffff  }
0x147: {  	s30 =	simm.s32 $0xE0;
	[tilespmem:$0x1DD30] =	vst v18;
	v18 =	vadd.s32 s29, v16  }
0x148: {  	s31 =	simm.s32 $0x10;
	[tilespmem:$0x1DD40] =	vst v19;
	v19 =	vadd.s32 s30, v16  }
0x149: {  	s20 =	simm.s32 $0x20;
	[tilespmem:$0x1DD50] =	vst v20;
	v20 =	vadd.s32 s31, v16  }
0x14a: {  	s21 =	simm.s32 $0x30;
	v21 =	vadd.s32 s20, v16;
	[tilespmem:$0x1DD60] =	vst v22  }
0x14b: {  	s22 =	simm.s32 $0x40;
	v22 =	vadd.s32 s21, v16;
	[tilespmem:$0x1DD70] =	vst v17  }
0x14c: {  	s24 =	simm.s32 $0x50;
	v23 =	vadd.s32 s22, v16;
	v17 =	vld.idx.msk [tilespmem:v18+s11+$0x0], $0xffff  }
0x14d: {  	s23 =	simm.s32 $0x0;
	v24 =	vadd.s32 s24, v16;
	v19 =	vld.idx.msk [tilespmem:v19+s11+$0x0], $0xffff  }
0x14e: {  	s25 =	simm.s32 $0x60;
	v18 =	vadd.s32 s23, v16;
	v20 =	vld.idx.msk [tilespmem:v20+s11+$0x0], $0xffff  }
0x14f: {  	s26 =	simm.s32 $0x70;
	v25 =	vadd.s32 s25, v16;
	v21 =	vld.idx.msk [tilespmem:v21+s11+$0x0], $0xffff  }
0x150: {  	s28 =	simm.s32 $0x80;
	v27 =	vadd.s32 s26, v16;
	v22 =	vld.idx.msk [tilespmem:v22+s11+$0x0], $0xffff  }
0x151: {  	v28 =	vadd.s32 s28, v16;
	s21 =	simm.s32 $0x90;
	v29 =	vld.idx.msk [tilespmem:v23+s11+$0x0], $0xffff  }
0x152: {  	s19 =	simm.s32 $0x1DF70;
	s29 =	simm.s32 $0xA0;
	v30 =	vadd.s32 s21, v16;
	v26 =	vld.idx.msk [tilespmem:v24+s11+$0x0], $0xffff  }
0x153: {  	s30 =	simm.s32 $0xB0;
	v32 =	vadd.s32 s29, v16;
	v31 =	vld.idx.msk [tilespmem:v18+s11+$0x0], $0xffff;
	[tilespmem:s19+$0xFFFFFFF0] =	vst v19  }
0x154: {  	s31 =	simm.s32 $0xC0;
	v25 =	vld.idx.msk [tilespmem:v25+s11+$0x0], $0xffff;
	[tilespmem:s19+$0xFFFFFEB0] =	vst v21;
	v21 =	vadd.s32 s30, v16  }
0x155: {  	s22 =	simm.s32 $0xD0;
	v24 =	vld.idx.msk [tilespmem:v27+s11+$0x0], $0xffff;
	[tilespmem:s19+$0xFFFFFEA0] =	vst v20;
	v19 =	vadd.s32 s31, v16  }
0x156: {  	v23 =	vld.idx.msk [tilespmem:v28+s11+$0x0], $0xffff;
	[tilespmem:s19+$0xFFFFFEC0] =	vst v22;
	v18 =	vadd.s32 s22, v16  }
0x157: {  	[tilespmem:s19+$0xFFFFFED0] =	vst v29;
	v22 =	vld.idx.msk [tilespmem:v30+s11+$0x0], $0xffff  }
0x158: {  	s20 =	simm.s32 $0x0;
	s21 =	simm.s32 $0x1F0;
	v20 =	vld.idx.msk [tilespmem:v32+s11+$0x0], $0xffff;
	[tilespmem:s19+$0xFFFFFE90] =	vst v31  }
.LBB2_7:
0x159: {  	s22 =	sadd.s32 $0xFFFFFF20, s21;
	s23 =	sadd.s32 $0xFFFFFFF0, s21;
	v27 =	vadd.s32 s21, v16;
	s20 =	sadd.s32 $0x10, s20;
	[tilespmem:s19+$0xFFFFFEE0] =	vst v26;
	v26 =	vld.idx.msk [tilespmem:v21+s11+$0x0], $0xffff  }
0x15a: {  	s24 =	sadd.s32 $0xFFFFFF40, s21;
	v28 =	vadd.s32 s22, v16;
	s22 =	sadd.s32 $0xFFFFFF30, s21;
	v29 =	vadd.s32 s23, v16;
	p1 =	slt.u32 s20, $0x20;
	[tilespmem:s19+$0xFFFFFEF0] =	vst v25;
	v25 =	vld.idx.msk [tilespmem:v19+s11+$0x0], $0xffff  }
0x15b: {  	v31 =	vadd.s32 s24, v16;
	s23 =	sadd.s32 $0xFFFFFF60, s21;
	s24 =	sadd.s32 $0xFFFFFF70, s21;
	v30 =	vadd.s32 s22, v16;
	s22 =	sadd.s32 $0xFFFFFF50, s21;
	[tilespmem:s19+$0xFFFFFF00] =	vst v24;
	v24 =	vld.idx.msk [tilespmem:v18+s11+$0x0], $0xffff  }
0x15c: {  	v33 =	vadd.s32 s23, v16;
	v34 =	vadd.s32 s24, v16;
	s23 =	sadd.s32 $0xFFFFFF90, s21;
	s24 =	sadd.s32 $0xFFFFFFA0, s21;
	v32 =	vadd.s32 s22, v16;
	s22 =	sadd.s32 $0xFFFFFF80, s21;
	[tilespmem:s19+$0xFFFFFF90] =	vst v23  }
0x15d: {  	v35 =	vadd.s32 s23, v16;
	v36 =	vadd.s32 s24, v16;
	s23 =	sadd.s32 $0xFFFFFFC0, s21;
	s24 =	sadd.s32 $0xFFFFFFD0, s21;
	v23 =	vadd.s32 s22, v16;
	s22 =	sadd.s32 $0xFFFFFFB0, s21;
	[tilespmem:s19+$0xFFFFFFA0] =	vst v22  }
0x15e: {  	s25 =	sadd.s32 $0xFFFFFF10, s21;
	v21 =	vadd.s32 s23, v16;
	v19 =	vadd.s32 s24, v16;
	v37 =	vadd.s32 s22, v16;
	s22 =	sadd.s32 $0xFFFFFFE0, s21;
	v22 =	vld.idx.msk [tilespmem:v27+s11+$0x0], $0xffff  }
0x15f: {  	v27 =	vadd.s32 s25, v16;
	v18 =	vadd.s32 s22, v16;
	v29 =	vld.idx.msk [tilespmem:v29+s11+$0x0], $0xffff;
	[tilespmem:s19+$0xFFFFFFB0] =	vst v20  }
0x160: {  	v20 =	vld.idx.msk [tilespmem:v28+s11+$0x0], $0xffff;
	[tilespmem:s19+$0xFFFFFFC0] =	vst v26  }
0x161: {  	v28 =	vld.idx.msk [tilespmem:v30+s11+$0x0], $0xffff;
	[tilespmem:s19+$0xFFFFFFD0] =	vst v25  }
0x162: {  	v30 =	vld.idx.msk [tilespmem:v31+s11+$0x0], $0xffff;
	[tilespmem:s19+$0xFFFFFFE0] =	vst v24  }
0x163: {  	v31 =	vld.idx.msk [tilespmem:v32+s11+$0x0], $0xffff;
	[tilespmem:s19+$0x0] =	vst v17  }
0x164: {  	s19 =	sadd.s32 $0x200, s19;
	v17 =	vmov v22;
	v27 =	vld.idx.msk [tilespmem:v27+s11+$0x0], $0xffff  }
0x165: {  	v26 =	vld.idx.msk [tilespmem:v33+s11+$0x0], $0xffff;
	[tilespmem:s19+$0xFFFFFFF0] =	vst v29  }
.Ltmp2:
0x166: {  	[tilespmem:s19+$0xFFFFFEA0] =	vst v20;
	v25 =	vld.idx.msk [tilespmem:v34+s11+$0x0], $0xffff;
	(pc) =	sbr.rel @p1 .LBB2_7-.Ltmp2, $4  }
0x167: {  	[tilespmem:s19+$0xFFFFFEB0] =	vst v28;
	v24 =	vld.idx.msk [tilespmem:v23+s11+$0x0], $0xffff  }
0x168: {  	[tilespmem:s19+$0xFFFFFEC0] =	vst v30;
	v23 =	vld.idx.msk [tilespmem:v35+s11+$0x0], $0xffff  }
0x169: {  	[tilespmem:s19+$0xFFFFFED0] =	vst v31;
	v22 =	vld.idx.msk [tilespmem:v36+s11+$0x0], $0xffff  }
0x16a: {  	s21 =	sadd.s32 $0x100, s21;
	[tilespmem:s19+$0xFFFFFE90] =	vst v27;
	v20 =	vld.idx.msk [tilespmem:v37+s11+$0x0], $0xffff  }
0x16b: {  	_ =	sdelay $0x1  }
0x16c: {  	[tilespmem:s19+$0xFFFFFEE0] =	vst v26  }
0x16d: {  	[tilespmem:s19+$0xFFFFFEF0] =	vst v25;
	s20 =	sor.u32 $0x3, s18  }
0x16e: {  	v16 =	vld.idx.msk [tilespmem:v21+s11+$0x0], $0xffff;
	[tilespmem:s19+$0x0] =	vst v17;
	v21 =	vmov s20  }
0x16f: {  	v19 =	vld.idx.msk [tilespmem:v19+s11+$0x0], $0xffff;
	[tilespmem:s19+$0xFFFFFF00] =	vst v24;
	v21 =	vand.u32 $0xFFFFFFFB, v21  }
0x170: {  	v18 =	vld.idx.msk [tilespmem:v18+s11+$0x0], $0xffff;
	[tilespmem:s19+$0xFFFFFF90] =	vst v23;
	v21 =	vbroadcast v21, $0x0  }
0x171: {  	[tilespmem:s19+$0xFFFFFFA0] =	vst v22  }
0x172: {  	[tilespmem:s19+$0xFFFFFFB0] =	vst v20  }
0x173: {  	[tilespmem:s19+$0xFFFFFFC0] =	vst v16  }
0x174: {  	[tilespmem:s19+$0xFFFFFFD0] =	vst v19  }
0x175: {  	[tilespmem:s19+$0xFFFFFFE0] =	vst v18  }
0x176: {  	v16 =	vld.idx.msk [tilespmem:v21+s13+$0x0], $0xffff;
	_ =	sdelay $0x4  }
0x177: {  	v17 =	vadd.s32 v0, v16  }
0x178: {  	v18 =	vadd.s32 v1, v16  }
0x179: {  	v19 =	vadd.s32 v2, v16  }
0x17a: {  	v20 =	vadd.s32 v3, v16  }
0x17b: {  	v21 =	vld.idx.msk [tilespmem:v21+s14+$0x0], $0xffff;
	v22 =	vadd.s32 v4, v16  }
0x17c: {  	v23 =	vadd.s32 v5, v16;
	v17 =	vld.idx.msk [tilespmem:v17+s10+$0x0], $0xffff  }
0x17d: {  	v24 =	vadd.s32 v6, v16;
	v18 =	vld.idx.msk [tilespmem:v18+s10+$0x0], $0xffff  }
0x17e: {  	v25 =	vadd.s32 v7, v16;
	v19 =	vld.idx.msk [tilespmem:v19+s10+$0x0], $0xffff  }
0x17f: {  	v26 =	vadd.s32 v8, v16;
	v20 =	vld.idx.msk [tilespmem:v20+s10+$0x0], $0xffff  }
0x180: {  	v27 =	vadd.s32 v9, v16;
	v22 =	vld.idx.msk [tilespmem:v22+s10+$0x0], $0xffff  }
0x181: {  	[tilespmem:$0x1E400] =	vst v17;
	v17 =	vld.idx.msk [tilespmem:v23+s10+$0x0], $0xffff;
	v23 =	vadd.s32 v10, v16  }
0x182: {  	[tilespmem:$0x1E410] =	vst v18;
	v18 =	vld.idx.msk [tilespmem:v24+s10+$0x0], $0xffff;
	v24 =	vadd.s32 v11, v16  }
0x183: {  	[tilespmem:$0x1E420] =	vst v19;
	v19 =	vld.idx.msk [tilespmem:v25+s10+$0x0], $0xffff;
	v25 =	vadd.s32 v12, v16  }
0x184: {  	[tilespmem:$0x1E430] =	vst v20;
	v20 =	vld.idx.msk [tilespmem:v26+s10+$0x0], $0xffff;
	v26 =	vadd.s32 v13, v16  }
0x185: {  	[tilespmem:$0x1E440] =	vst v22;
	v22 =	vld.idx.msk [tilespmem:v27+s10+$0x0], $0xffff;
	v27 =	vadd.s32 v14, v16  }
0x186: {  	[tilespmem:$0x1E450] =	vst v17;
	v17 =	vld.idx.msk [tilespmem:v23+s10+$0x0], $0xffff;
	v23 =	vadd.s32 v15, v16  }
0x187: {  	[tilespmem:$0x1E460] =	vst v18;
	v18 =	vld.idx.msk [tilespmem:v24+s10+$0x0], $0xffff  }
0x188: {  	[tilespmem:$0x1E470] =	vst v19;
	v19 =	vld.idx.msk [tilespmem:v25+s10+$0x0], $0xffff  }
0x189: {  	[tilespmem:$0x1E500] =	vst v20;
	v20 =	vld.idx.msk [tilespmem:v26+s10+$0x0], $0xffff  }
0x18a: {  	[tilespmem:$0x1E510] =	vst v22;
	v22 =	vld.idx.msk [tilespmem:v27+s10+$0x0], $0xffff  }
0x18b: {  	s29 =	simm.s32 $0xF0;
	v16 =	vadd.s32 v0, v21;
	[tilespmem:$0x1E520] =	vst v17;
	v17 =	vld.idx.msk [tilespmem:v23+s10+$0x0], $0xffff  }
0x18c: {  	s30 =	simm.s32 $0xE0;
	[tilespmem:$0x1E530] =	vst v18;
	v18 =	vadd.s32 s29, v16  }
0x18d: {  	s31 =	simm.s32 $0x10;
	[tilespmem:$0x1E540] =	vst v19;
	v19 =	vadd.s32 s30, v16  }
0x18e: {  	s20 =	simm.s32 $0x20;
	[tilespmem:$0x1E550] =	vst v20;
	v20 =	vadd.s32 s31, v16  }
0x18f: {  	s21 =	simm.s32 $0x30;
	v21 =	vadd.s32 s20, v16;
	[tilespmem:$0x1E560] =	vst v22  }
0x190: {  	s22 =	simm.s32 $0x40;
	v22 =	vadd.s32 s21, v16;
	[tilespmem:$0x1E570] =	vst v17  }
0x191: {  	s24 =	simm.s32 $0x50;
	v23 =	vadd.s32 s22, v16;
	v17 =	vld.idx.msk [tilespmem:v18+s11+$0x0], $0xffff  }
0x192: {  	s23 =	simm.s32 $0x0;
	v24 =	vadd.s32 s24, v16;
	v19 =	vld.idx.msk [tilespmem:v19+s11+$0x0], $0xffff  }
0x193: {  	s25 =	simm.s32 $0x60;
	v18 =	vadd.s32 s23, v16;
	v20 =	vld.idx.msk [tilespmem:v20+s11+$0x0], $0xffff  }
0x194: {  	s26 =	simm.s32 $0x70;
	v25 =	vadd.s32 s25, v16;
	v21 =	vld.idx.msk [tilespmem:v21+s11+$0x0], $0xffff  }
0x195: {  	s28 =	simm.s32 $0x80;
	v27 =	vadd.s32 s26, v16;
	v22 =	vld.idx.msk [tilespmem:v22+s11+$0x0], $0xffff  }
0x196: {  	v28 =	vadd.s32 s28, v16;
	s21 =	simm.s32 $0x90;
	v29 =	vld.idx.msk [tilespmem:v23+s11+$0x0], $0xffff  }
0x197: {  	s19 =	simm.s32 $0x1E770;
	s29 =	simm.s32 $0xA0;
	v30 =	vadd.s32 s21, v16;
	v26 =	vld.idx.msk [tilespmem:v24+s11+$0x0], $0xffff  }
0x198: {  	s30 =	simm.s32 $0xB0;
	v32 =	vadd.s32 s29, v16;
	v31 =	vld.idx.msk [tilespmem:v18+s11+$0x0], $0xffff;
	[tilespmem:s19+$0xFFFFFFF0] =	vst v19  }
0x199: {  	s31 =	simm.s32 $0xC0;
	v25 =	vld.idx.msk [tilespmem:v25+s11+$0x0], $0xffff;
	[tilespmem:s19+$0xFFFFFEB0] =	vst v21;
	v21 =	vadd.s32 s30, v16  }
0x19a: {  	s22 =	simm.s32 $0xD0;
	v24 =	vld.idx.msk [tilespmem:v27+s11+$0x0], $0xffff;
	[tilespmem:s19+$0xFFFFFEA0] =	vst v20;
	v19 =	vadd.s32 s31, v16  }
0x19b: {  	v23 =	vld.idx.msk [tilespmem:v28+s11+$0x0], $0xffff;
	[tilespmem:s19+$0xFFFFFEC0] =	vst v22;
	v18 =	vadd.s32 s22, v16  }
0x19c: {  	[tilespmem:s19+$0xFFFFFED0] =	vst v29;
	v22 =	vld.idx.msk [tilespmem:v30+s11+$0x0], $0xffff  }
0x19d: {  	s20 =	simm.s32 $0x0;
	s21 =	simm.s32 $0x1F0;
	v20 =	vld.idx.msk [tilespmem:v32+s11+$0x0], $0xffff;
	[tilespmem:s19+$0xFFFFFE90] =	vst v31  }
.LBB2_9:
0x19e: {  	s22 =	sadd.s32 $0xFFFFFF20, s21;
	s23 =	sadd.s32 $0xFFFFFFF0, s21;
	v27 =	vadd.s32 s21, v16;
	s20 =	sadd.s32 $0x10, s20;
	[tilespmem:s19+$0xFFFFFEE0] =	vst v26;
	v26 =	vld.idx.msk [tilespmem:v21+s11+$0x0], $0xffff  }
0x19f: {  	s24 =	sadd.s32 $0xFFFFFF40, s21;
	v28 =	vadd.s32 s22, v16;
	s22 =	sadd.s32 $0xFFFFFF30, s21;
	v29 =	vadd.s32 s23, v16;
	p1 =	slt.u32 s20, $0x20;
	[tilespmem:s19+$0xFFFFFEF0] =	vst v25;
	v25 =	vld.idx.msk [tilespmem:v19+s11+$0x0], $0xffff  }
0x1a0: {  	v31 =	vadd.s32 s24, v16;
	s23 =	sadd.s32 $0xFFFFFF60, s21;
	s24 =	sadd.s32 $0xFFFFFF70, s21;
	v30 =	vadd.s32 s22, v16;
	s22 =	sadd.s32 $0xFFFFFF50, s21;
	[tilespmem:s19+$0xFFFFFF00] =	vst v24;
	v24 =	vld.idx.msk [tilespmem:v18+s11+$0x0], $0xffff  }
0x1a1: {  	v33 =	vadd.s32 s23, v16;
	v34 =	vadd.s32 s24, v16;
	s23 =	sadd.s32 $0xFFFFFF90, s21;
	s24 =	sadd.s32 $0xFFFFFFA0, s21;
	v32 =	vadd.s32 s22, v16;
	s22 =	sadd.s32 $0xFFFFFF80, s21;
	[tilespmem:s19+$0xFFFFFF90] =	vst v23  }
0x1a2: {  	v35 =	vadd.s32 s23, v16;
	v36 =	vadd.s32 s24, v16;
	s23 =	sadd.s32 $0xFFFFFFC0, s21;
	s24 =	sadd.s32 $0xFFFFFFD0, s21;
	v23 =	vadd.s32 s22, v16;
	s22 =	sadd.s32 $0xFFFFFFB0, s21;
	[tilespmem:s19+$0xFFFFFFA0] =	vst v22  }
0x1a3: {  	s25 =	sadd.s32 $0xFFFFFF10, s21;
	v21 =	vadd.s32 s23, v16;
	v19 =	vadd.s32 s24, v16;
	v37 =	vadd.s32 s22, v16;
	s22 =	sadd.s32 $0xFFFFFFE0, s21;
	v22 =	vld.idx.msk [tilespmem:v27+s11+$0x0], $0xffff  }
0x1a4: {  	v27 =	vadd.s32 s25, v16;
	v18 =	vadd.s32 s22, v16;
	v29 =	vld.idx.msk [tilespmem:v29+s11+$0x0], $0xffff;
	[tilespmem:s19+$0xFFFFFFB0] =	vst v20  }
0x1a5: {  	v20 =	vld.idx.msk [tilespmem:v28+s11+$0x0], $0xffff;
	[tilespmem:s19+$0xFFFFFFC0] =	vst v26  }
0x1a6: {  	v28 =	vld.idx.msk [tilespmem:v30+s11+$0x0], $0xffff;
	[tilespmem:s19+$0xFFFFFFD0] =	vst v25  }
0x1a7: {  	v30 =	vld.idx.msk [tilespmem:v31+s11+$0x0], $0xffff;
	[tilespmem:s19+$0xFFFFFFE0] =	vst v24  }
0x1a8: {  	v31 =	vld.idx.msk [tilespmem:v32+s11+$0x0], $0xffff;
	[tilespmem:s19+$0x0] =	vst v17  }
0x1a9: {  	s19 =	sadd.s32 $0x200, s19;
	v17 =	vmov v22;
	v27 =	vld.idx.msk [tilespmem:v27+s11+$0x0], $0xffff  }
0x1aa: {  	v26 =	vld.idx.msk [tilespmem:v33+s11+$0x0], $0xffff;
	[tilespmem:s19+$0xFFFFFFF0] =	vst v29  }
.Ltmp3:
0x1ab: {  	[tilespmem:s19+$0xFFFFFEA0] =	vst v20;
	v25 =	vld.idx.msk [tilespmem:v34+s11+$0x0], $0xffff;
	(pc) =	sbr.rel @p1 .LBB2_9-.Ltmp3, $4  }
0x1ac: {  	[tilespmem:s19+$0xFFFFFEB0] =	vst v28;
	v24 =	vld.idx.msk [tilespmem:v23+s11+$0x0], $0xffff  }
0x1ad: {  	[tilespmem:s19+$0xFFFFFEC0] =	vst v30;
	v23 =	vld.idx.msk [tilespmem:v35+s11+$0x0], $0xffff  }
0x1ae: {  	[tilespmem:s19+$0xFFFFFED0] =	vst v31;
	v22 =	vld.idx.msk [tilespmem:v36+s11+$0x0], $0xffff  }
0x1af: {  	s21 =	sadd.s32 $0x100, s21;
	[tilespmem:s19+$0xFFFFFE90] =	vst v27;
	v20 =	vld.idx.msk [tilespmem:v37+s11+$0x0], $0xffff  }
0x1b0: {  	_ =	sdelay $0x1  }
0x1b1: {  	[tilespmem:s19+$0xFFFFFEE0] =	vst v26  }
0x1b2: {  	[tilespmem:s19+$0xFFFFFEF0] =	vst v25  }
0x1b3: {  	v16 =	vld.idx.msk [tilespmem:v21+s11+$0x0], $0xffff;
	[tilespmem:s19+$0x0] =	vst v17  }
0x1b4: {  	v19 =	vld.idx.msk [tilespmem:v19+s11+$0x0], $0xffff;
	[tilespmem:s19+$0xFFFFFF00] =	vst v24  }
0x1b5: {  	v18 =	vld.idx.msk [tilespmem:v18+s11+$0x0], $0xffff;
	[tilespmem:s19+$0xFFFFFF90] =	vst v23  }
0x1b6: {  	[tilespmem:s19+$0xFFFFFFA0] =	vst v22  }
0x1b7: {  	s20 =	sadd.s32 s5, s18;
	[tilespmem:s19+$0xFFFFFFB0] =	vst v20  }
0x1b8: {  	s20 =	sshll.u32 s20, $0x7;
	[tilespmem:s19+$0xFFFFFFC0] =	vst v16  }
0x1b9: {  	s22 =	simm.s32 $0x1CD00;
	s21 =	sadd.s32 s6, s20;
	[tilespmem:s19+$0xFFFFFFD0] =	vst v19  }
0x1ba: {  	s20 =	simm.s32 $0x1CC00;
	s23 =	sadd.s32 $0x0, s21;
	[tilespmem:s19+$0xFFFFFFE0] =	vst v18;
	s19 =	simm.s32 $0x10  }
.LBB2_11:
0x1bb: {  	[hbm4b:s23+s4] =	stream.linear.scatter [tilespmem:s20], [sflag:$0x2], $0x80, $0x38;
	[tilespmem:$0x1EC00] =	vst v63  }
0x1bc: {  	s23 =	smov.u32 s19;
	s20 =	smov.u32 s22;
	p1 =	sne.s32 s19, $0x1F0  }
.Ltmp4:
0x1bd: {  	s19 =	sadd.s32 $0x10, s19;
	(pc) =	sbr.rel @p1 .LBB2_11-.Ltmp4, $2  }
0x1be: {  	_ =	sdelay $0x2  }
0x1bf: {  	s22 =	sadd.s32 $0x100, s22;
	s23 =	sadd.s32 s23, s21  }
0x1c0: {  	s19 =	sor.u32 $0x4, s18  }
0x1c1: {  	v16 =	vmov s19  }
0x1c2: {  	v16 =	vand.u32 $0xFFFFFFFC, v16  }
0x1c3: {  	v16 =	vbroadcast v16, $0x0  }
0x1c4: {  	[hbm4b:s23+s4] =	stream.linear.scatter [tilespmem:s20], [sflag:$0x2], $0x80, $0x38;
	[tilespmem:$0x1EC00] =	vst v63  }
0x1c5: {  	s20 =	simm.s32 @!p0 $0x2  }
0x1c6: {  	_ =	swait.ge @!p0 [sflag:s20], $0x1000  }
0x1c7: {  	[sflag:s20] =	ssyncset.done @!p0 $0x0  }
0x1c8: {  	[sflag:s20] =	ssyncadd.s32 @!p0 $0xFFFFF000  }
0x1c9: {  	v17 =	vld.idx.msk [tilespmem:v16+s13+$0x0], $0xffff;
	_ =	sdelay $0x4  }
0x1ca: {  	v18 =	vadd.s32 v0, v17  }
0x1cb: {  	v19 =	vadd.s32 v1, v17  }
0x1cc: {  	v20 =	vadd.s32 v2, v17  }
0x1cd: {  	v21 =	vadd.s32 v3, v17  }
0x1ce: {  	v16 =	vld.idx.msk [tilespmem:v16+s14+$0x0], $0xffff;
	v22 =	vadd.s32 v4, v17  }
0x1cf: {  	v23 =	vadd.s32 v5, v17;
	v18 =	vld.idx.msk [tilespmem:v18+s10+$0x0], $0xffff  }
0x1d0: {  	v24 =	vadd.s32 v6, v17;
	v19 =	vld.idx.msk [tilespmem:v19+s10+$0x0], $0xffff  }
0x1d1: {  	v25 =	vadd.s32 v7, v17;
	v20 =	vld.idx.msk [tilespmem:v20+s10+$0x0], $0xffff  }
0x1d2: {  	v26 =	vadd.s32 v8, v17;
	v21 =	vld.idx.msk [tilespmem:v21+s10+$0x0], $0xffff  }
0x1d3: {  	v27 =	vadd.s32 v9, v17;
	v22 =	vld.idx.msk [tilespmem:v22+s10+$0x0], $0xffff  }
0x1d4: {  	[tilespmem:$0x1CC80] =	vst v18;
	v18 =	vld.idx.msk [tilespmem:v23+s10+$0x0], $0xffff;
	v23 =	vadd.s32 v10, v17  }
0x1d5: {  	[tilespmem:$0x1CC90] =	vst v19;
	v19 =	vld.idx.msk [tilespmem:v24+s10+$0x0], $0xffff;
	v24 =	vadd.s32 v11, v17  }
0x1d6: {  	[tilespmem:$0x1CCA0] =	vst v20;
	v20 =	vld.idx.msk [tilespmem:v25+s10+$0x0], $0xffff;
	v25 =	vadd.s32 v12, v17  }
0x1d7: {  	[tilespmem:$0x1CCB0] =	vst v21;
	v21 =	vld.idx.msk [tilespmem:v26+s10+$0x0], $0xffff;
	v26 =	vadd.s32 v13, v17  }
0x1d8: {  	[tilespmem:$0x1CCC0] =	vst v22;
	v22 =	vld.idx.msk [tilespmem:v27+s10+$0x0], $0xffff;
	v27 =	vadd.s32 v14, v17  }
0x1d9: {  	v17 =	vadd.s32 v15, v17;
	[tilespmem:$0x1CCD0] =	vst v18;
	v18 =	vld.idx.msk [tilespmem:v23+s10+$0x0], $0xffff  }
0x1da: {  	[tilespmem:$0x1CCE0] =	vst v19;
	v19 =	vld.idx.msk [tilespmem:v24+s10+$0x0], $0xffff  }
0x1db: {  	[tilespmem:$0x1CCF0] =	vst v20;
	v20 =	vld.idx.msk [tilespmem:v25+s10+$0x0], $0xffff  }
0x1dc: {  	[tilespmem:$0x1CD80] =	vst v21;
	v21 =	vld.idx.msk [tilespmem:v26+s10+$0x0], $0xffff  }
0x1dd: {  	[tilespmem:$0x1CD90] =	vst v22;
	v22 =	vld.idx.msk [tilespmem:v27+s10+$0x0], $0xffff  }
0x1de: {  	s23 =	simm.s32 $0x50;
	v16 =	vadd.s32 v0, v16;
	v17 =	vld.idx.msk [tilespmem:v17+s10+$0x0], $0xffff;
	[tilespmem:$0x1CDA0] =	vst v18  }
0x1df: {  	s28 =	simm.s32 $0xF0;
	v24 =	vadd.s32 s23, v16;
	[tilespmem:$0x1CDB0] =	vst v19  }
0x1e0: {  	s21 =	simm.s32 $0xE0;
	v18 =	vadd.s32 s28, v16;
	[tilespmem:$0x1CDC0] =	vst v20  }
0x1e1: {  	s30 =	simm.s32 $0x20;
	v19 =	vadd.s32 s21, v16;
	[tilespmem:$0x1CDD0] =	vst v21  }
0x1e2: {  	s29 =	simm.s32 $0x10;
	[tilespmem:$0x1CDE0] =	vst v22;
	v21 =	vadd.s32 s30, v16  }
0x1e3: {  	s31 =	simm.s32 $0x30;
	v20 =	vadd.s32 s29, v16;
	[tilespmem:$0x1CDF0] =	vst v17  }
0x1e4: {  	v22 =	vadd.s32 s31, v16;
	s21 =	simm.s32 $0x40;
	v26 =	vld.idx.msk [tilespmem:v24+s11+$0x0], $0xffff  }
0x1e5: {  	s22 =	simm.s32 $0x0;
	v23 =	vadd.s32 s21, v16;
	v17 =	vld.idx.msk [tilespmem:v18+s11+$0x0], $0xffff  }
0x1e6: {  	s24 =	simm.s32 $0x60;
	v18 =	vadd.s32 s22, v16;
	v19 =	vld.idx.msk [tilespmem:v19+s11+$0x0], $0xffff  }
0x1e7: {  	s25 =	simm.s32 $0x70;
	v25 =	vadd.s32 s24, v16;
	v21 =	vld.idx.msk [tilespmem:v21+s11+$0x0], $0xffff  }
0x1e8: {  	s26 =	simm.s32 $0x80;
	v27 =	vadd.s32 s25, v16;
	v20 =	vld.idx.msk [tilespmem:v20+s11+$0x0], $0xffff  }
0x1e9: {  	v28 =	vadd.s32 s26, v16;
	s28 =	simm.s32 $0xA0;
	v22 =	vld.idx.msk [tilespmem:v22+s11+$0x0], $0xffff  }
0x1ea: {  	s20 =	simm.s32 $0x1CFF0;
	v32 =	vadd.s32 s28, v16;
	s22 =	simm.s32 $0x90;
	v29 =	vld.idx.msk [tilespmem:v23+s11+$0x0], $0xffff  }
0x1eb: {  	s29 =	simm.s32 $0xB0;
	v30 =	vadd.s32 s22, v16;
	v31 =	vld.idx.msk [tilespmem:v18+s11+$0x0], $0xffff;
	[tilespmem:s20+$0xFFFFFFF0] =	vst v19  }
0x1ec: {  	s30 =	simm.s32 $0xC0;
	v25 =	vld.idx.msk [tilespmem:v25+s11+$0x0], $0xffff;
	[tilespmem:s20+$0xFFFFFEB0] =	vst v21;
	v21 =	vadd.s32 s29, v16  }
0x1ed: {  	s31 =	simm.s32 $0xD0;
	v24 =	vld.idx.msk [tilespmem:v27+s11+$0x0], $0xffff;
	[tilespmem:s20+$0xFFFFFEA0] =	vst v20;
	v19 =	vadd.s32 s30, v16  }
0x1ee: {  	v23 =	vld.idx.msk [tilespmem:v28+s11+$0x0], $0xffff;
	[tilespmem:s20+$0xFFFFFEC0] =	vst v22;
	v18 =	vadd.s32 s31, v16  }
0x1ef: {  	v20 =	vld.idx.msk [tilespmem:v32+s11+$0x0], $0xffff;
	[tilespmem:s20+$0xFFFFFED0] =	vst v29  }
0x1f0: {  	s21 =	simm.s32 $0x0;
	s22 =	simm.s32 $0x1F0;
	v22 =	vld.idx.msk [tilespmem:v30+s11+$0x0], $0xffff;
	[tilespmem:s20+$0xFFFFFE90] =	vst v31  }
.LBB2_13:
0x1f1: {  	s23 =	sadd.s32 $0xFFFFFF20, s22;
	s24 =	sadd.s32 $0xFFFFFFF0, s22;
	v27 =	vadd.s32 s22, v16;
	s21 =	sadd.s32 $0x10, s21;
	[tilespmem:s20+$0xFFFFFEE0] =	vst v26;
	v26 =	vld.idx.msk [tilespmem:v21+s11+$0x0], $0xffff  }
0x1f2: {  	s25 =	sadd.s32 $0xFFFFFF40, s22;
	v28 =	vadd.s32 s23, v16;
	s23 =	sadd.s32 $0xFFFFFF30, s22;
	v29 =	vadd.s32 s24, v16;
	p0 =	slt.u32 s21, $0x20;
	[tilespmem:s20+$0xFFFFFEF0] =	vst v25;
	v25 =	vld.idx.msk [tilespmem:v19+s11+$0x0], $0xffff  }
0x1f3: {  	v31 =	vadd.s32 s25, v16;
	s24 =	sadd.s32 $0xFFFFFF60, s22;
	s25 =	sadd.s32 $0xFFFFFF70, s22;
	v30 =	vadd.s32 s23, v16;
	s23 =	sadd.s32 $0xFFFFFF50, s22;
	[tilespmem:s20+$0xFFFFFF00] =	vst v24;
	v24 =	vld.idx.msk [tilespmem:v18+s11+$0x0], $0xffff  }
0x1f4: {  	v33 =	vadd.s32 s24, v16;
	v34 =	vadd.s32 s25, v16;
	s24 =	sadd.s32 $0xFFFFFF90, s22;
	s25 =	sadd.s32 $0xFFFFFFA0, s22;
	v32 =	vadd.s32 s23, v16;
	s23 =	sadd.s32 $0xFFFFFF80, s22;
	[tilespmem:s20+$0xFFFFFF90] =	vst v23  }
0x1f5: {  	v35 =	vadd.s32 s24, v16;
	v36 =	vadd.s32 s25, v16;
	s24 =	sadd.s32 $0xFFFFFFC0, s22;
	s25 =	sadd.s32 $0xFFFFFFD0, s22;
	v23 =	vadd.s32 s23, v16;
	s23 =	sadd.s32 $0xFFFFFFB0, s22;
	[tilespmem:s20+$0xFFFFFFA0] =	vst v22  }
0x1f6: {  	s26 =	sadd.s32 $0xFFFFFF10, s22;
	v21 =	vadd.s32 s24, v16;
	v19 =	vadd.s32 s25, v16;
	v37 =	vadd.s32 s23, v16;
	s23 =	sadd.s32 $0xFFFFFFE0, s22;
	v22 =	vld.idx.msk [tilespmem:v27+s11+$0x0], $0xffff  }
0x1f7: {  	v27 =	vadd.s32 s26, v16;
	v18 =	vadd.s32 s23, v16;
	v29 =	vld.idx.msk [tilespmem:v29+s11+$0x0], $0xffff;
	[tilespmem:s20+$0xFFFFFFB0] =	vst v20  }
0x1f8: {  	v20 =	vld.idx.msk [tilespmem:v28+s11+$0x0], $0xffff;
	[tilespmem:s20+$0xFFFFFFC0] =	vst v26  }
0x1f9: {  	v28 =	vld.idx.msk [tilespmem:v30+s11+$0x0], $0xffff;
	[tilespmem:s20+$0xFFFFFFD0] =	vst v25  }
0x1fa: {  	v30 =	vld.idx.msk [tilespmem:v31+s11+$0x0], $0xffff;
	[tilespmem:s20+$0xFFFFFFE0] =	vst v24  }
0x1fb: {  	v31 =	vld.idx.msk [tilespmem:v32+s11+$0x0], $0xffff;
	[tilespmem:s20+$0x0] =	vst v17  }
0x1fc: {  	s20 =	sadd.s32 $0x200, s20;
	v17 =	vmov v22;
	v27 =	vld.idx.msk [tilespmem:v27+s11+$0x0], $0xffff  }
0x1fd: {  	v26 =	vld.idx.msk [tilespmem:v33+s11+$0x0], $0xffff;
	[tilespmem:s20+$0xFFFFFFF0] =	vst v29  }
.Ltmp5:
0x1fe: {  	[tilespmem:s20+$0xFFFFFEA0] =	vst v20;
	v25 =	vld.idx.msk [tilespmem:v34+s11+$0x0], $0xffff;
	(pc) =	sbr.rel @p0 .LBB2_13-.Ltmp5, $4  }
0x1ff: {  	[tilespmem:s20+$0xFFFFFEB0] =	vst v28;
	v24 =	vld.idx.msk [tilespmem:v23+s11+$0x0], $0xffff  }
0x200: {  	[tilespmem:s20+$0xFFFFFEC0] =	vst v30;
	v23 =	vld.idx.msk [tilespmem:v35+s11+$0x0], $0xffff  }
0x201: {  	[tilespmem:s20+$0xFFFFFED0] =	vst v31;
	v22 =	vld.idx.msk [tilespmem:v36+s11+$0x0], $0xffff  }
0x202: {  	s22 =	sadd.s32 $0x100, s22;
	[tilespmem:s20+$0xFFFFFE90] =	vst v27;
	v20 =	vld.idx.msk [tilespmem:v37+s11+$0x0], $0xffff  }
0x203: {  	_ =	sdelay $0x1  }
0x204: {  	[tilespmem:s20+$0xFFFFFEE0] =	vst v26  }
0x205: {  	[tilespmem:s20+$0xFFFFFEF0] =	vst v25;
	s21 =	sor.u32 $0x5, s18  }
0x206: {  	v16 =	vld.idx.msk [tilespmem:v21+s11+$0x0], $0xffff;
	[tilespmem:s20+$0x0] =	vst v17;
	v21 =	vmov s21  }
0x207: {  	v19 =	vld.idx.msk [tilespmem:v19+s11+$0x0], $0xffff;
	[tilespmem:s20+$0xFFFFFF00] =	vst v24;
	v21 =	vand.u32 $0xFFFFFFFD, v21  }
0x208: {  	v18 =	vld.idx.msk [tilespmem:v18+s11+$0x0], $0xffff;
	[tilespmem:s20+$0xFFFFFF90] =	vst v23;
	v21 =	vbroadcast v21, $0x0  }
0x209: {  	[tilespmem:s20+$0xFFFFFFA0] =	vst v22  }
0x20a: {  	[tilespmem:s20+$0xFFFFFFB0] =	vst v20  }
0x20b: {  	[tilespmem:s20+$0xFFFFFFC0] =	vst v16  }
0x20c: {  	[tilespmem:s20+$0xFFFFFFD0] =	vst v19  }
0x20d: {  	[tilespmem:s20+$0xFFFFFFE0] =	vst v18  }
0x20e: {  	v16 =	vld.idx.msk [tilespmem:v21+s13+$0x0], $0xffff;
	_ =	sdelay $0x4  }
0x20f: {  	v17 =	vadd.s32 v0, v16  }
0x210: {  	v18 =	vadd.s32 v1, v16  }
0x211: {  	v19 =	vadd.s32 v2, v16  }
0x212: {  	v20 =	vadd.s32 v3, v16  }
0x213: {  	v21 =	vld.idx.msk [tilespmem:v21+s14+$0x0], $0xffff;
	v22 =	vadd.s32 v4, v16  }
0x214: {  	v23 =	vadd.s32 v5, v16;
	v17 =	vld.idx.msk [tilespmem:v17+s10+$0x0], $0xffff  }
0x215: {  	v24 =	vadd.s32 v6, v16;
	v18 =	vld.idx.msk [tilespmem:v18+s10+$0x0], $0xffff  }
0x216: {  	v25 =	vadd.s32 v7, v16;
	v19 =	vld.idx.msk [tilespmem:v19+s10+$0x0], $0xffff  }
0x217: {  	v26 =	vadd.s32 v8, v16;
	v20 =	vld.idx.msk [tilespmem:v20+s10+$0x0], $0xffff  }
0x218: {  	v27 =	vadd.s32 v9, v16;
	v22 =	vld.idx.msk [tilespmem:v22+s10+$0x0], $0xffff  }
0x219: {  	[tilespmem:$0x1D480] =	vst v17;
	v17 =	vld.idx.msk [tilespmem:v23+s10+$0x0], $0xffff;
	v23 =	vadd.s32 v10, v16  }
0x21a: {  	[tilespmem:$0x1D490] =	vst v18;
	v18 =	vld.idx.msk [tilespmem:v24+s10+$0x0], $0xffff;
	v24 =	vadd.s32 v11, v16  }
0x21b: {  	[tilespmem:$0x1D4A0] =	vst v19;
	v19 =	vld.idx.msk [tilespmem:v25+s10+$0x0], $0xffff;
	v25 =	vadd.s32 v12, v16  }
0x21c: {  	[tilespmem:$0x1D4B0] =	vst v20;
	v20 =	vld.idx.msk [tilespmem:v26+s10+$0x0], $0xffff;
	v26 =	vadd.s32 v13, v16  }
0x21d: {  	[tilespmem:$0x1D4C0] =	vst v22;
	v22 =	vld.idx.msk [tilespmem:v27+s10+$0x0], $0xffff;
	v27 =	vadd.s32 v14, v16  }
0x21e: {  	[tilespmem:$0x1D4D0] =	vst v17;
	v17 =	vld.idx.msk [tilespmem:v23+s10+$0x0], $0xffff;
	v23 =	vadd.s32 v15, v16  }
0x21f: {  	[tilespmem:$0x1D4E0] =	vst v18;
	v18 =	vld.idx.msk [tilespmem:v24+s10+$0x0], $0xffff  }
0x220: {  	[tilespmem:$0x1D4F0] =	vst v19;
	v19 =	vld.idx.msk [tilespmem:v25+s10+$0x0], $0xffff  }
0x221: {  	[tilespmem:$0x1D580] =	vst v20;
	v20 =	vld.idx.msk [tilespmem:v26+s10+$0x0], $0xffff  }
0x222: {  	[tilespmem:$0x1D590] =	vst v22;
	v22 =	vld.idx.msk [tilespmem:v27+s10+$0x0], $0xffff  }
0x223: {  	s26 =	simm.s32 $0xF0;
	v16 =	vadd.s32 v0, v21;
	[tilespmem:$0x1D5A0] =	vst v17;
	v17 =	vld.idx.msk [tilespmem:v23+s10+$0x0], $0xffff  }
0x224: {  	s28 =	simm.s32 $0xE0;
	[tilespmem:$0x1D5B0] =	vst v18;
	v18 =	vadd.s32 s26, v16  }
0x225: {  	s29 =	simm.s32 $0x10;
	[tilespmem:$0x1D5C0] =	vst v19;
	v19 =	vadd.s32 s28, v16  }
0x226: {  	s30 =	simm.s32 $0x20;
	[tilespmem:$0x1D5D0] =	vst v20;
	v20 =	vadd.s32 s29, v16  }
0x227: {  	s31 =	simm.s32 $0x30;
	v21 =	vadd.s32 s30, v16;
	[tilespmem:$0x1D5E0] =	vst v22  }
0x228: {  	s22 =	simm.s32 $0x40;
	v22 =	vadd.s32 s31, v16;
	[tilespmem:$0x1D5F0] =	vst v17  }
0x229: {  	s24 =	simm.s32 $0x50;
	v23 =	vadd.s32 s22, v16;
	v17 =	vld.idx.msk [tilespmem:v18+s11+$0x0], $0xffff  }
0x22a: {  	s23 =	simm.s32 $0x0;
	v24 =	vadd.s32 s24, v16;
	v19 =	vld.idx.msk [tilespmem:v19+s11+$0x0], $0xffff  }
0x22b: {  	s25 =	simm.s32 $0x60;
	v18 =	vadd.s32 s23, v16;
	v20 =	vld.idx.msk [tilespmem:v20+s11+$0x0], $0xffff  }
0x22c: {  	v25 =	vadd.s32 s25, v16;
	s26 =	simm.s32 $0x70;
	v21 =	vld.idx.msk [tilespmem:v21+s11+$0x0], $0xffff  }
0x22d: {  	s28 =	simm.s32 $0x80;
	v27 =	vadd.s32 s26, v16;
	v22 =	vld.idx.msk [tilespmem:v22+s11+$0x0], $0xffff  }
0x22e: {  	s22 =	simm.s32 $0x90;
	v28 =	vadd.s32 s28, v16;
	v29 =	vld.idx.msk [tilespmem:v23+s11+$0x0], $0xffff  }
0x22f: {  	s20 =	simm.s32 $0x1D7F0;
	s29 =	simm.s32 $0xA0;
	v30 =	vadd.s32 s22, v16;
	v26 =	vld.idx.msk [tilespmem:v24+s11+$0x0], $0xffff  }
0x230: {  	s30 =	simm.s32 $0xB0;
	v32 =	vadd.s32 s29, v16;
	v31 =	vld.idx.msk [tilespmem:v18+s11+$0x0], $0xffff;
	[tilespmem:s20+$0xFFFFFFF0] =	vst v19  }
0x231: {  	s31 =	simm.s32 $0xC0;
	v25 =	vld.idx.msk [tilespmem:v25+s11+$0x0], $0xffff;
	[tilespmem:s20+$0xFFFFFEB0] =	vst v21;
	v21 =	vadd.s32 s30, v16  }
0x232: {  	v24 =	vld.idx.msk [tilespmem:v27+s11+$0x0], $0xffff;
	s23 =	simm.s32 $0xD0;
	[tilespmem:s20+$0xFFFFFEA0] =	vst v20;
	v19 =	vadd.s32 s31, v16  }
0x233: {  	v23 =	vld.idx.msk [tilespmem:v28+s11+$0x0], $0xffff;
	[tilespmem:s20+$0xFFFFFEC0] =	vst v22;
	v18 =	vadd.s32 s23, v16  }
0x234: {  	[tilespmem:s20+$0xFFFFFED0] =	vst v29;
	v22 =	vld.idx.msk [tilespmem:v30+s11+$0x0], $0xffff  }
0x235: {  	s21 =	simm.s32 $0x0;
	s22 =	simm.s32 $0x1F0;
	v20 =	vld.idx.msk [tilespmem:v32+s11+$0x0], $0xffff;
	[tilespmem:s20+$0xFFFFFE90] =	vst v31  }
.LBB2_15:
0x236: {  	s23 =	sadd.s32 $0xFFFFFF20, s22;
	s24 =	sadd.s32 $0xFFFFFFF0, s22;
	v27 =	vadd.s32 s22, v16;
	s21 =	sadd.s32 $0x10, s21;
	[tilespmem:s20+$0xFFFFFEE0] =	vst v26;
	v26 =	vld.idx.msk [tilespmem:v21+s11+$0x0], $0xffff  }
0x237: {  	s25 =	sadd.s32 $0xFFFFFF40, s22;
	v28 =	vadd.s32 s23, v16;
	s23 =	sadd.s32 $0xFFFFFF30, s22;
	v29 =	vadd.s32 s24, v16;
	p0 =	slt.u32 s21, $0x20;
	[tilespmem:s20+$0xFFFFFEF0] =	vst v25;
	v25 =	vld.idx.msk [tilespmem:v19+s11+$0x0], $0xffff  }
0x238: {  	v31 =	vadd.s32 s25, v16;
	s24 =	sadd.s32 $0xFFFFFF60, s22;
	s25 =	sadd.s32 $0xFFFFFF70, s22;
	v30 =	vadd.s32 s23, v16;
	s23 =	sadd.s32 $0xFFFFFF50, s22;
	[tilespmem:s20+$0xFFFFFF00] =	vst v24;
	v24 =	vld.idx.msk [tilespmem:v18+s11+$0x0], $0xffff  }
0x239: {  	v33 =	vadd.s32 s24, v16;
	v34 =	vadd.s32 s25, v16;
	s24 =	sadd.s32 $0xFFFFFF90, s22;
	s25 =	sadd.s32 $0xFFFFFFA0, s22;
	v32 =	vadd.s32 s23, v16;
	s23 =	sadd.s32 $0xFFFFFF80, s22;
	[tilespmem:s20+$0xFFFFFF90] =	vst v23  }
0x23a: {  	v35 =	vadd.s32 s24, v16;
	v36 =	vadd.s32 s25, v16;
	s24 =	sadd.s32 $0xFFFFFFC0, s22;
	s25 =	sadd.s32 $0xFFFFFFD0, s22;
	v23 =	vadd.s32 s23, v16;
	s23 =	sadd.s32 $0xFFFFFFB0, s22;
	[tilespmem:s20+$0xFFFFFFA0] =	vst v22  }
0x23b: {  	s26 =	sadd.s32 $0xFFFFFF10, s22;
	v21 =	vadd.s32 s24, v16;
	v19 =	vadd.s32 s25, v16;
	v37 =	vadd.s32 s23, v16;
	s23 =	sadd.s32 $0xFFFFFFE0, s22;
	v22 =	vld.idx.msk [tilespmem:v27+s11+$0x0], $0xffff  }
0x23c: {  	v27 =	vadd.s32 s26, v16;
	v18 =	vadd.s32 s23, v16;
	v29 =	vld.idx.msk [tilespmem:v29+s11+$0x0], $0xffff;
	[tilespmem:s20+$0xFFFFFFB0] =	vst v20  }
0x23d: {  	v20 =	vld.idx.msk [tilespmem:v28+s11+$0x0], $0xffff;
	[tilespmem:s20+$0xFFFFFFC0] =	vst v26  }
0x23e: {  	v28 =	vld.idx.msk [tilespmem:v30+s11+$0x0], $0xffff;
	[tilespmem:s20+$0xFFFFFFD0] =	vst v25  }
0x23f: {  	v30 =	vld.idx.msk [tilespmem:v31+s11+$0x0], $0xffff;
	[tilespmem:s20+$0xFFFFFFE0] =	vst v24  }
0x240: {  	v31 =	vld.idx.msk [tilespmem:v32+s11+$0x0], $0xffff;
	[tilespmem:s20+$0x0] =	vst v17  }
0x241: {  	s20 =	sadd.s32 $0x200, s20;
	v17 =	vmov v22;
	v27 =	vld.idx.msk [tilespmem:v27+s11+$0x0], $0xffff  }
0x242: {  	v26 =	vld.idx.msk [tilespmem:v33+s11+$0x0], $0xffff;
	[tilespmem:s20+$0xFFFFFFF0] =	vst v29  }
.Ltmp6:
0x243: {  	[tilespmem:s20+$0xFFFFFEA0] =	vst v20;
	v25 =	vld.idx.msk [tilespmem:v34+s11+$0x0], $0xffff;
	(pc) =	sbr.rel @p0 .LBB2_15-.Ltmp6, $4  }
0x244: {  	[tilespmem:s20+$0xFFFFFEB0] =	vst v28;
	v24 =	vld.idx.msk [tilespmem:v23+s11+$0x0], $0xffff  }
0x245: {  	[tilespmem:s20+$0xFFFFFEC0] =	vst v30;
	v23 =	vld.idx.msk [tilespmem:v35+s11+$0x0], $0xffff  }
0x246: {  	[tilespmem:s20+$0xFFFFFED0] =	vst v31;
	v22 =	vld.idx.msk [tilespmem:v36+s11+$0x0], $0xffff  }
0x247: {  	s22 =	sadd.s32 $0x100, s22;
	[tilespmem:s20+$0xFFFFFE90] =	vst v27;
	v20 =	vld.idx.msk [tilespmem:v37+s11+$0x0], $0xffff  }
0x248: {  	_ =	sdelay $0x1  }
0x249: {  	[tilespmem:s20+$0xFFFFFEE0] =	vst v26  }
0x24a: {  	[tilespmem:s20+$0xFFFFFEF0] =	vst v25;
	s21 =	sor.u32 $0x6, s18  }
0x24b: {  	v16 =	vld.idx.msk [tilespmem:v21+s11+$0x0], $0xffff;
	[tilespmem:s20+$0x0] =	vst v17;
	v21 =	vmov s21  }
0x24c: {  	v19 =	vld.idx.msk [tilespmem:v19+s11+$0x0], $0xffff;
	[tilespmem:s20+$0xFFFFFF00] =	vst v24;
	v21 =	vand.u32 $0xFFFFFFFE, v21  }
0x24d: {  	v18 =	vld.idx.msk [tilespmem:v18+s11+$0x0], $0xffff;
	[tilespmem:s20+$0xFFFFFF90] =	vst v23;
	v21 =	vbroadcast v21, $0x0  }
0x24e: {  	[tilespmem:s20+$0xFFFFFFA0] =	vst v22  }
0x24f: {  	[tilespmem:s20+$0xFFFFFFB0] =	vst v20  }
0x250: {  	[tilespmem:s20+$0xFFFFFFC0] =	vst v16  }
0x251: {  	[tilespmem:s20+$0xFFFFFFD0] =	vst v19  }
0x252: {  	[tilespmem:s20+$0xFFFFFFE0] =	vst v18  }
0x253: {  	v16 =	vld.idx.msk [tilespmem:v21+s13+$0x0], $0xffff;
	_ =	sdelay $0x4  }
0x254: {  	v17 =	vadd.s32 v0, v16  }
0x255: {  	v18 =	vadd.s32 v1, v16  }
0x256: {  	v19 =	vadd.s32 v2, v16  }
0x257: {  	v20 =	vadd.s32 v3, v16  }
0x258: {  	v21 =	vld.idx.msk [tilespmem:v21+s14+$0x0], $0xffff;
	v22 =	vadd.s32 v4, v16  }
0x259: {  	v23 =	vadd.s32 v5, v16;
	v17 =	vld.idx.msk [tilespmem:v17+s10+$0x0], $0xffff  }
0x25a: {  	v24 =	vadd.s32 v6, v16;
	v18 =	vld.idx.msk [tilespmem:v18+s10+$0x0], $0xffff  }
0x25b: {  	v25 =	vadd.s32 v7, v16;
	v19 =	vld.idx.msk [tilespmem:v19+s10+$0x0], $0xffff  }
0x25c: {  	v26 =	vadd.s32 v8, v16;
	v20 =	vld.idx.msk [tilespmem:v20+s10+$0x0], $0xffff  }
0x25d: {  	v27 =	vadd.s32 v9, v16;
	v22 =	vld.idx.msk [tilespmem:v22+s10+$0x0], $0xffff  }
0x25e: {  	[tilespmem:$0x1DC80] =	vst v17;
	v17 =	vld.idx.msk [tilespmem:v23+s10+$0x0], $0xffff;
	v23 =	vadd.s32 v10, v16  }
0x25f: {  	[tilespmem:$0x1DC90] =	vst v18;
	v18 =	vld.idx.msk [tilespmem:v24+s10+$0x0], $0xffff;
	v24 =	vadd.s32 v11, v16  }
0x260: {  	[tilespmem:$0x1DCA0] =	vst v19;
	v19 =	vld.idx.msk [tilespmem:v25+s10+$0x0], $0xffff;
	v25 =	vadd.s32 v12, v16  }
0x261: {  	[tilespmem:$0x1DCB0] =	vst v20;
	v20 =	vld.idx.msk [tilespmem:v26+s10+$0x0], $0xffff;
	v26 =	vadd.s32 v13, v16  }
0x262: {  	[tilespmem:$0x1DCC0] =	vst v22;
	v22 =	vld.idx.msk [tilespmem:v27+s10+$0x0], $0xffff;
	v27 =	vadd.s32 v14, v16  }
0x263: {  	[tilespmem:$0x1DCD0] =	vst v17;
	v17 =	vld.idx.msk [tilespmem:v23+s10+$0x0], $0xffff;
	v23 =	vadd.s32 v15, v16  }
0x264: {  	[tilespmem:$0x1DCE0] =	vst v18;
	v18 =	vld.idx.msk [tilespmem:v24+s10+$0x0], $0xffff  }
0x265: {  	[tilespmem:$0x1DCF0] =	vst v19;
	v19 =	vld.idx.msk [tilespmem:v25+s10+$0x0], $0xffff  }
0x266: {  	[tilespmem:$0x1DD80] =	vst v20;
	v20 =	vld.idx.msk [tilespmem:v26+s10+$0x0], $0xffff  }
0x267: {  	[tilespmem:$0x1DD90] =	vst v22;
	v22 =	vld.idx.msk [tilespmem:v27+s10+$0x0], $0xffff  }
0x268: {  	s26 =	simm.s32 $0xF0;
	v16 =	vadd.s32 v0, v21;
	[tilespmem:$0x1DDA0] =	vst v17;
	v17 =	vld.idx.msk [tilespmem:v23+s10+$0x0], $0xffff  }
0x269: {  	s28 =	simm.s32 $0xE0;
	[tilespmem:$0x1DDB0] =	vst v18;
	v18 =	vadd.s32 s26, v16  }
0x26a: {  	s29 =	simm.s32 $0x10;
	[tilespmem:$0x1DDC0] =	vst v19;
	v19 =	vadd.s32 s28, v16  }
0x26b: {  	s30 =	simm.s32 $0x20;
	[tilespmem:$0x1DDD0] =	vst v20;
	v20 =	vadd.s32 s29, v16  }
0x26c: {  	s31 =	simm.s32 $0x30;
	v21 =	vadd.s32 s30, v16;
	[tilespmem:$0x1DDE0] =	vst v22  }
0x26d: {  	s22 =	simm.s32 $0x40;
	v22 =	vadd.s32 s31, v16;
	[tilespmem:$0x1DDF0] =	vst v17  }
0x26e: {  	s24 =	simm.s32 $0x50;
	v23 =	vadd.s32 s22, v16;
	v17 =	vld.idx.msk [tilespmem:v18+s11+$0x0], $0xffff  }
0x26f: {  	s23 =	simm.s32 $0x0;
	v24 =	vadd.s32 s24, v16;
	v19 =	vld.idx.msk [tilespmem:v19+s11+$0x0], $0xffff  }
0x270: {  	s25 =	simm.s32 $0x60;
	v18 =	vadd.s32 s23, v16;
	v20 =	vld.idx.msk [tilespmem:v20+s11+$0x0], $0xffff  }
0x271: {  	v25 =	vadd.s32 s25, v16;
	s26 =	simm.s32 $0x70;
	v21 =	vld.idx.msk [tilespmem:v21+s11+$0x0], $0xffff  }
0x272: {  	s28 =	simm.s32 $0x80;
	v27 =	vadd.s32 s26, v16;
	v22 =	vld.idx.msk [tilespmem:v22+s11+$0x0], $0xffff  }
0x273: {  	s22 =	simm.s32 $0x90;
	v28 =	vadd.s32 s28, v16;
	v29 =	vld.idx.msk [tilespmem:v23+s11+$0x0], $0xffff  }
0x274: {  	s20 =	simm.s32 $0x1DFF0;
	s29 =	simm.s32 $0xA0;
	v30 =	vadd.s32 s22, v16;
	v26 =	vld.idx.msk [tilespmem:v24+s11+$0x0], $0xffff  }
0x275: {  	s30 =	simm.s32 $0xB0;
	v32 =	vadd.s32 s29, v16;
	v31 =	vld.idx.msk [tilespmem:v18+s11+$0x0], $0xffff;
	[tilespmem:s20+$0xFFFFFFF0] =	vst v19  }
0x276: {  	s31 =	simm.s32 $0xC0;
	v25 =	vld.idx.msk [tilespmem:v25+s11+$0x0], $0xffff;
	[tilespmem:s20+$0xFFFFFEB0] =	vst v21;
	v21 =	vadd.s32 s30, v16  }
0x277: {  	v24 =	vld.idx.msk [tilespmem:v27+s11+$0x0], $0xffff;
	s23 =	simm.s32 $0xD0;
	[tilespmem:s20+$0xFFFFFEA0] =	vst v20;
	v19 =	vadd.s32 s31, v16  }
0x278: {  	v23 =	vld.idx.msk [tilespmem:v28+s11+$0x0], $0xffff;
	[tilespmem:s20+$0xFFFFFEC0] =	vst v22;
	v18 =	vadd.s32 s23, v16  }
0x279: {  	[tilespmem:s20+$0xFFFFFED0] =	vst v29;
	v22 =	vld.idx.msk [tilespmem:v30+s11+$0x0], $0xffff  }
0x27a: {  	s21 =	simm.s32 $0x0;
	s22 =	simm.s32 $0x1F0;
	v20 =	vld.idx.msk [tilespmem:v32+s11+$0x0], $0xffff;
	[tilespmem:s20+$0xFFFFFE90] =	vst v31  }
.LBB2_17:
0x27b: {  	s23 =	sadd.s32 $0xFFFFFF20, s22;
	s24 =	sadd.s32 $0xFFFFFFF0, s22;
	v27 =	vadd.s32 s22, v16;
	s21 =	sadd.s32 $0x10, s21;
	[tilespmem:s20+$0xFFFFFEE0] =	vst v26;
	v26 =	vld.idx.msk [tilespmem:v21+s11+$0x0], $0xffff  }
0x27c: {  	s25 =	sadd.s32 $0xFFFFFF40, s22;
	v28 =	vadd.s32 s23, v16;
	s23 =	sadd.s32 $0xFFFFFF30, s22;
	v29 =	vadd.s32 s24, v16;
	p0 =	slt.u32 s21, $0x20;
	[tilespmem:s20+$0xFFFFFEF0] =	vst v25;
	v25 =	vld.idx.msk [tilespmem:v19+s11+$0x0], $0xffff  }
0x27d: {  	v31 =	vadd.s32 s25, v16;
	s24 =	sadd.s32 $0xFFFFFF60, s22;
	s25 =	sadd.s32 $0xFFFFFF70, s22;
	v30 =	vadd.s32 s23, v16;
	s23 =	sadd.s32 $0xFFFFFF50, s22;
	[tilespmem:s20+$0xFFFFFF00] =	vst v24;
	v24 =	vld.idx.msk [tilespmem:v18+s11+$0x0], $0xffff  }
0x27e: {  	v33 =	vadd.s32 s24, v16;
	v34 =	vadd.s32 s25, v16;
	s24 =	sadd.s32 $0xFFFFFF90, s22;
	s25 =	sadd.s32 $0xFFFFFFA0, s22;
	v32 =	vadd.s32 s23, v16;
	s23 =	sadd.s32 $0xFFFFFF80, s22;
	[tilespmem:s20+$0xFFFFFF90] =	vst v23  }
0x27f: {  	v35 =	vadd.s32 s24, v16;
	v36 =	vadd.s32 s25, v16;
	s24 =	sadd.s32 $0xFFFFFFC0, s22;
	s25 =	sadd.s32 $0xFFFFFFD0, s22;
	v23 =	vadd.s32 s23, v16;
	s23 =	sadd.s32 $0xFFFFFFB0, s22;
	[tilespmem:s20+$0xFFFFFFA0] =	vst v22  }
0x280: {  	s26 =	sadd.s32 $0xFFFFFF10, s22;
	v21 =	vadd.s32 s24, v16;
	v19 =	vadd.s32 s25, v16;
	v37 =	vadd.s32 s23, v16;
	s23 =	sadd.s32 $0xFFFFFFE0, s22;
	v22 =	vld.idx.msk [tilespmem:v27+s11+$0x0], $0xffff  }
0x281: {  	v27 =	vadd.s32 s26, v16;
	v18 =	vadd.s32 s23, v16;
	v29 =	vld.idx.msk [tilespmem:v29+s11+$0x0], $0xffff;
	[tilespmem:s20+$0xFFFFFFB0] =	vst v20  }
0x282: {  	v20 =	vld.idx.msk [tilespmem:v28+s11+$0x0], $0xffff;
	[tilespmem:s20+$0xFFFFFFC0] =	vst v26  }
0x283: {  	v28 =	vld.idx.msk [tilespmem:v30+s11+$0x0], $0xffff;
	[tilespmem:s20+$0xFFFFFFD0] =	vst v25  }
0x284: {  	v30 =	vld.idx.msk [tilespmem:v31+s11+$0x0], $0xffff;
	[tilespmem:s20+$0xFFFFFFE0] =	vst v24  }
0x285: {  	v31 =	vld.idx.msk [tilespmem:v32+s11+$0x0], $0xffff;
	[tilespmem:s20+$0x0] =	vst v17  }
0x286: {  	s20 =	sadd.s32 $0x200, s20;
	v17 =	vmov v22;
	v27 =	vld.idx.msk [tilespmem:v27+s11+$0x0], $0xffff  }
0x287: {  	v26 =	vld.idx.msk [tilespmem:v33+s11+$0x0], $0xffff;
	[tilespmem:s20+$0xFFFFFFF0] =	vst v29  }
.Ltmp7:
0x288: {  	[tilespmem:s20+$0xFFFFFEA0] =	vst v20;
	v25 =	vld.idx.msk [tilespmem:v34+s11+$0x0], $0xffff;
	(pc) =	sbr.rel @p0 .LBB2_17-.Ltmp7, $4  }
0x289: {  	[tilespmem:s20+$0xFFFFFEB0] =	vst v28;
	v24 =	vld.idx.msk [tilespmem:v23+s11+$0x0], $0xffff  }
0x28a: {  	[tilespmem:s20+$0xFFFFFEC0] =	vst v30;
	v23 =	vld.idx.msk [tilespmem:v35+s11+$0x0], $0xffff  }
0x28b: {  	[tilespmem:s20+$0xFFFFFED0] =	vst v31;
	v22 =	vld.idx.msk [tilespmem:v36+s11+$0x0], $0xffff  }
0x28c: {  	s22 =	sadd.s32 $0x100, s22;
	[tilespmem:s20+$0xFFFFFE90] =	vst v27;
	v20 =	vld.idx.msk [tilespmem:v37+s11+$0x0], $0xffff  }
0x28d: {  	_ =	sdelay $0x1  }
0x28e: {  	[tilespmem:s20+$0xFFFFFEE0] =	vst v26  }
0x28f: {  	[tilespmem:s20+$0xFFFFFEF0] =	vst v25  }
0x290: {  	v16 =	vld.idx.msk [tilespmem:v21+s11+$0x0], $0xffff;
	[tilespmem:s20+$0x0] =	vst v17  }
0x291: {  	v19 =	vld.idx.msk [tilespmem:v19+s11+$0x0], $0xffff;
	[tilespmem:s20+$0xFFFFFF00] =	vst v24  }
0x292: {  	v18 =	vld.idx.msk [tilespmem:v18+s11+$0x0], $0xffff;
	s18 =	sor.u32 $0x7, s18;
	[tilespmem:s20+$0xFFFFFF90] =	vst v23  }
0x293: {  	v56 =	vmov s18;
	[tilespmem:s20+$0xFFFFFFA0] =	vst v22  }
0x294: {  	[tilespmem:s20+$0xFFFFFFB0] =	vst v20  }
0x295: {  	[tilespmem:s20+$0xFFFFFFC0] =	vst v16  }
0x296: {  	[tilespmem:s20+$0xFFFFFFD0] =	vst v19  }
0x297: {  	[tilespmem:s20+$0xFFFFFFE0] =	vst v18  }
0x298: {  	v16 =	vld.idx.msk [tilespmem:v56+s13+$0x0], $0xffff;
	_ =	sdelay $0x4  }
0x299: {  	v57 =	vadd.s32 v0, v16  }
0x29a: {  	v1 =	vadd.s32 v1, v16  }
0x29b: {  	v2 =	vadd.s32 v2, v16  }
0x29c: {  	v3 =	vadd.s32 v3, v16  }
0x29d: {  	v18 =	vld.idx.msk [tilespmem:v56+s14+$0x0], $0xffff;
	v4 =	vadd.s32 v4, v16  }
0x29e: {  	v5 =	vadd.s32 v5, v16;
	v17 =	vld.idx.msk [tilespmem:v57+s10+$0x0], $0xffff  }
0x29f: {  	v6 =	vadd.s32 v6, v16;
	v1 =	vld.idx.msk [tilespmem:v1+s10+$0x0], $0xffff  }
0x2a0: {  	v7 =	vadd.s32 v7, v16;
	v2 =	vld.idx.msk [tilespmem:v2+s10+$0x0], $0xffff  }
0x2a1: {  	v8 =	vadd.s32 v8, v16;
	v3 =	vld.idx.msk [tilespmem:v3+s10+$0x0], $0xffff  }
0x2a2: {  	v9 =	vadd.s32 v9, v16;
	v4 =	vld.idx.msk [tilespmem:v4+s10+$0x0], $0xffff  }
0x2a3: {  	v10 =	vadd.s32 v10, v16;
	v5 =	vld.idx.msk [tilespmem:v5+s10+$0x0], $0xffff;
	[tilespmem:$0x1E480] =	vst v17  }
0x2a4: {  	[tilespmem:$0x1E490] =	vst v1;
	v1 =	vld.idx.msk [tilespmem:v6+s10+$0x0], $0xffff;
	v6 =	vadd.s32 v11, v16  }
0x2a5: {  	[tilespmem:$0x1E4A0] =	vst v2;
	v2 =	vld.idx.msk [tilespmem:v7+s10+$0x0], $0xffff;
	v7 =	vadd.s32 v12, v16  }
0x2a6: {  	[tilespmem:$0x1E4B0] =	vst v3;
	v3 =	vld.idx.msk [tilespmem:v8+s10+$0x0], $0xffff;
	v8 =	vadd.s32 v13, v16  }
0x2a7: {  	[tilespmem:$0x1E4C0] =	vst v4;
	v4 =	vld.idx.msk [tilespmem:v9+s10+$0x0], $0xffff;
	v9 =	vadd.s32 v14, v16  }
0x2a8: {  	[tilespmem:$0x1E4D0] =	vst v5;
	v5 =	vld.idx.msk [tilespmem:v10+s10+$0x0], $0xffff;
	v10 =	vadd.s32 v15, v16  }
0x2a9: {  	[tilespmem:$0x1E4E0] =	vst v1;
	v6 =	vld.idx.msk [tilespmem:v6+s10+$0x0], $0xffff  }
0x2aa: {  	[tilespmem:$0x1E4F0] =	vst v2;
	v2 =	vld.idx.msk [tilespmem:v7+s10+$0x0], $0xffff  }
0x2ab: {  	[tilespmem:$0x1E580] =	vst v3;
	v3 =	vld.idx.msk [tilespmem:v8+s10+$0x0], $0xffff  }
0x2ac: {  	[tilespmem:$0x1E590] =	vst v4;
	v4 =	vld.idx.msk [tilespmem:v9+s10+$0x0], $0xffff  }
0x2ad: {  	s30 =	simm.s32 $0xE0;
	v1 =	vadd.s32 v0, v18;
	[tilespmem:$0x1E5A0] =	vst v5;
	v5 =	vld.idx.msk [tilespmem:v10+s10+$0x0], $0xffff  }
0x2ae: {  	s22 =	simm.s32 $0x40;
	v7 =	vadd.s32 s30, v1;
	[tilespmem:$0x1E5B0] =	vst v6  }
0x2af: {  	s29 =	simm.s32 $0xF0;
	v8 =	vadd.s32 s22, v1;
	[tilespmem:$0x1E5C0] =	vst v2  }
0x2b0: {  	s24 =	simm.s32 $0x50;
	v6 =	vadd.s32 s29, v1;
	[tilespmem:$0x1E5D0] =	vst v3  }
0x2b1: {  	s20 =	simm.s32 $0x20;
	v9 =	vadd.s32 s24, v1;
	[tilespmem:$0x1E5E0] =	vst v4  }
0x2b2: {  	s31 =	simm.s32 $0x10;
	v4 =	vadd.s32 s20, v1;
	[tilespmem:$0x1E5F0] =	vst v5  }
0x2b3: {  	s21 =	simm.s32 $0x30;
	v3 =	vadd.s32 s31, v1;
	v7 =	vld.idx.msk [tilespmem:v7+s11+$0x0], $0xffff  }
0x2b4: {  	s23 =	simm.s32 $0x0;
	v5 =	vadd.s32 s21, v1;
	v60 =	vld.idx.msk [tilespmem:v8+s11+$0x0], $0xffff  }
0x2b5: {  	s25 =	simm.s32 $0x60;
	v2 =	vld.idx.msk [tilespmem:v6+s11+$0x0], $0xffff;
	v6 =	vadd.s32 s23, v1  }
0x2b6: {  	s26 =	simm.s32 $0x70;
	v10 =	vadd.s32 s25, v1;
	v11 =	vld.idx.msk [tilespmem:v9+s11+$0x0], $0xffff  }
0x2b7: {  	s28 =	simm.s32 $0x80;
	v58 =	vadd.s32 s26, v1;
	v4 =	vld.idx.msk [tilespmem:v4+s11+$0x0], $0xffff  }
0x2b8: {  	v59 =	vadd.s32 s28, v1;
	s21 =	simm.s32 $0x90;
	v3 =	vld.idx.msk [tilespmem:v3+s11+$0x0], $0xffff  }
0x2b9: {  	s18 =	simm.s32 $0x1E7F0;
	s29 =	simm.s32 $0xA0;
	v61 =	vadd.s32 s21, v1;
	v5 =	vld.idx.msk [tilespmem:v5+s11+$0x0], $0xffff  }
0x2ba: {  	s30 =	simm.s32 $0xB0;
	v63 =	vadd.s32 s29, v1;
	[tilespmem:s18+$0xFFFFFFF0] =	vst v7;
	v62 =	vld.idx.msk [tilespmem:v6+s11+$0x0], $0xffff  }
0x2bb: {  	s31 =	simm.s32 $0xC0;
	v10 =	vld.idx.msk [tilespmem:v10+s11+$0x0], $0xffff;
	[tilespmem:s18+$0xFFFFFED0] =	vst v60;
	v6 =	vadd.s32 s30, v1  }
0x2bc: {  	s22 =	simm.s32 $0xD0;
	v9 =	vld.idx.msk [tilespmem:v58+s11+$0x0], $0xffff;
	[tilespmem:s18+$0xFFFFFEB0] =	vst v4;
	v4 =	vadd.s32 s31, v1  }
0x2bd: {  	v8 =	vld.idx.msk [tilespmem:v59+s11+$0x0], $0xffff;
	[tilespmem:s18+$0xFFFFFEA0] =	vst v3;
	v3 =	vadd.s32 s22, v1  }
0x2be: {  	v7 =	vld.idx.msk [tilespmem:v61+s11+$0x0], $0xffff;
	[tilespmem:s18+$0xFFFFFEC0] =	vst v5  }
0x2bf: {  	s20 =	simm.s32 $0x0;
	s21 =	simm.s32 $0x1F0;
	v5 =	vld.idx.msk [tilespmem:v63+s11+$0x0], $0xffff;
	[tilespmem:s18+$0xFFFFFE90] =	vst v62  }
.LBB2_19:
0x2c0: {  	s22 =	sadd.s32 $0xFFFFFF20, s21;
	s23 =	sadd.s32 $0xFFFFFFF0, s21;
	v12 =	vadd.s32 s21, v1;
	s20 =	sadd.s32 $0x10, s20;
	[tilespmem:s18+$0xFFFFFEE0] =	vst v11;
	v11 =	vld.idx.msk [tilespmem:v6+s11+$0x0], $0xffff  }
0x2c1: {  	s24 =	sadd.s32 $0xFFFFFF40, s21;
	v13 =	vadd.s32 s22, v1;
	s22 =	sadd.s32 $0xFFFFFF30, s21;
	v14 =	vadd.s32 s23, v1;
	p0 =	slt.u32 s20, $0x20;
	[tilespmem:s18+$0xFFFFFEF0] =	vst v10;
	v10 =	vld.idx.msk [tilespmem:v4+s11+$0x0], $0xffff  }
0x2c2: {  	v16 =	vadd.s32 s24, v1;
	s23 =	sadd.s32 $0xFFFFFF60, s21;
	s24 =	sadd.s32 $0xFFFFFF70, s21;
	v15 =	vadd.s32 s22, v1;
	s22 =	sadd.s32 $0xFFFFFF50, s21;
	[tilespmem:s18+$0xFFFFFF00] =	vst v9;
	v9 =	vld.idx.msk [tilespmem:v3+s11+$0x0], $0xffff  }
0x2c3: {  	v18 =	vadd.s32 s23, v1;
	v19 =	vadd.s32 s24, v1;
	s23 =	sadd.s32 $0xFFFFFF90, s21;
	s24 =	sadd.s32 $0xFFFFFFA0, s21;
	v17 =	vadd.s32 s22, v1;
	s22 =	sadd.s32 $0xFFFFFF80, s21;
	[tilespmem:s18+$0xFFFFFF90] =	vst v8  }
0x2c4: {  	v20 =	vadd.s32 s23, v1;
	v21 =	vadd.s32 s24, v1;
	s23 =	sadd.s32 $0xFFFFFFC0, s21;
	s24 =	sadd.s32 $0xFFFFFFD0, s21;
	v8 =	vadd.s32 s22, v1;
	s22 =	sadd.s32 $0xFFFFFFB0, s21;
	[tilespmem:s18+$0xFFFFFFA0] =	vst v7  }
0x2c5: {  	s25 =	sadd.s32 $0xFFFFFF10, s21;
	v6 =	vadd.s32 s23, v1;
	v4 =	vadd.s32 s24, v1;
	v22 =	vadd.s32 s22, v1;
	s22 =	sadd.s32 $0xFFFFFFE0, s21;
	v7 =	vld.idx.msk [tilespmem:v12+s11+$0x0], $0xffff  }
0x2c6: {  	v12 =	vadd.s32 s25, v1;
	v3 =	vadd.s32 s22, v1;
	v14 =	vld.idx.msk [tilespmem:v14+s11+$0x0], $0xffff;
	[tilespmem:s18+$0xFFFFFFB0] =	vst v5  }
0x2c7: {  	v5 =	vld.idx.msk [tilespmem:v13+s11+$0x0], $0xffff;
	[tilespmem:s18+$0xFFFFFFC0] =	vst v11  }
0x2c8: {  	v13 =	vld.idx.msk [tilespmem:v15+s11+$0x0], $0xffff;
	[tilespmem:s18+$0xFFFFFFD0] =	vst v10  }
0x2c9: {  	v15 =	vld.idx.msk [tilespmem:v16+s11+$0x0], $0xffff;
	[tilespmem:s18+$0xFFFFFFE0] =	vst v9  }
0x2ca: {  	v16 =	vld.idx.msk [tilespmem:v17+s11+$0x0], $0xffff;
	[tilespmem:s18+$0x0] =	vst v2  }
0x2cb: {  	s18 =	sadd.s32 $0x200, s18;
	v2 =	vmov v7;
	v12 =	vld.idx.msk [tilespmem:v12+s11+$0x0], $0xffff  }
0x2cc: {  	v11 =	vld.idx.msk [tilespmem:v18+s11+$0x0], $0xffff;
	[tilespmem:s18+$0xFFFFFFF0] =	vst v14  }
.Ltmp8:
0x2cd: {  	[tilespmem:s18+$0xFFFFFEA0] =	vst v5;
	v10 =	vld.idx.msk [tilespmem:v19+s11+$0x0], $0xffff;
	(pc) =	sbr.rel @p0 .LBB2_19-.Ltmp8, $4  }
0x2ce: {  	[tilespmem:s18+$0xFFFFFEB0] =	vst v13;
	v9 =	vld.idx.msk [tilespmem:v8+s11+$0x0], $0xffff  }
0x2cf: {  	[tilespmem:s18+$0xFFFFFEC0] =	vst v15;
	v8 =	vld.idx.msk [tilespmem:v20+s11+$0x0], $0xffff  }
0x2d0: {  	[tilespmem:s18+$0xFFFFFED0] =	vst v16;
	v7 =	vld.idx.msk [tilespmem:v21+s11+$0x0], $0xffff  }
0x2d1: {  	s21 =	sadd.s32 $0x100, s21;
	[tilespmem:s18+$0xFFFFFE90] =	vst v12;
	v5 =	vld.idx.msk [tilespmem:v22+s11+$0x0], $0xffff  }
0x2d2: {  	_ =	sdelay $0x1  }
0x2d3: {  	[tilespmem:s18+$0xFFFFFEE0] =	vst v11  }
0x2d4: {  	[tilespmem:s18+$0xFFFFFEF0] =	vst v10  }
0x2d5: {  	v1 =	vld.idx.msk [tilespmem:v6+s11+$0x0], $0xffff;
	[tilespmem:s18+$0x0] =	vst v2  }
0x2d6: {  	v4 =	vld.idx.msk [tilespmem:v4+s11+$0x0], $0xffff;
	[tilespmem:s18+$0xFFFFFF00] =	vst v9  }
0x2d7: {  	v3 =	vld.idx.msk [tilespmem:v3+s11+$0x0], $0xffff;
	[tilespmem:s18+$0xFFFFFF90] =	vst v8  }
0x2d8: {  	[tilespmem:s18+$0xFFFFFFA0] =	vst v7  }
0x2d9: {  	s19 =	sadd.s32 s5, s19;
	[tilespmem:s18+$0xFFFFFFB0] =	vst v5  }
0x2da: {  	s19 =	sshll.u32 s19, $0x7;
	[tilespmem:s18+$0xFFFFFFC0] =	vst v1  }
0x2db: {  	s20 =	simm.s32 $0x1CC80;
	s19 =	sadd.s32 s6, s19;
	[tilespmem:s18+$0xFFFFFFD0] =	vst v4  }
0x2dc: {  	s21 =	simm.s32 $0x1CD80;
	s22 =	sadd.s32 $0x0, s19;
	[tilespmem:s18+$0xFFFFFFE0] =	vst v3;
	s18 =	simm.s32 $0x10  }
.LBB2_21:
0x2dd: {  	[hbm4b:s22+s4] =	stream.linear.scatter [tilespmem:s20], [sflag:$0x2], $0x80, $0x38;
	[tilespmem:$0x1EC00] =	vst v63  }
0x2de: {  	s22 =	smov.u32 s18;
	s20 =	smov.u32 s21;
	p0 =	sne.s32 s18, $0x1F0  }
.Ltmp9:
0x2df: {  	s18 =	sadd.s32 $0x10, s18;
	(pc) =	sbr.rel @p0 .LBB2_21-.Ltmp9, $2  }
0x2e0: {  	_ =	sdelay $0x2  }
0x2e1: {  	s21 =	sadd.s32 $0x100, s21;
	s22 =	sadd.s32 s22, s19  }
0x2e2: {  	s17 =	sadd.s32 $0x1, s17  }
0x2e3: {  	p0 =	sne.s32 s17, $0x80  }
.Ltmp10:
0x2e4: {  	_ = 	snop;
	(pc) =	sbr.rel @p0 .LBB2_2-.Ltmp10, $2  }
0x2e5: {  	_ =	sdelay $0x2  }
0x2e6: {  	[hbm4b:s22+s4] =	stream.linear.scatter [tilespmem:s20], [sflag:$0x2], $0x80, $0x38;
	[tilespmem:$0x1EC00] =	vst v63  }
0x2e7: {  	s16 =	sadd.s32 $0x1, s16  }
0x2e8: {  	_ =	swait.ge [sflag:s15], $0x1000;
	p0 =	sne.s32 s16, s8  }
.Ltmp11:
0x2e9: {  	[sflag:s15] =	ssyncset.done $0x0;
	(pc) =	sbr.rel @p0 .LBB2_1-.Ltmp11, $4  }
0x2ea: {  	[sflag:s15] =	ssyncadd.s32 $0xFFFFF000  }
0x2eb: {  	_ =	swait.ge [sflag:s15], $0x1000  }
0x2ec: {  	[sflag:s15] =	ssyncset.done $0x0  }
0x2ed: {  	[sflag:s15] =	ssyncadd.s32 $0xFFFFF000  }
0x2ee: {  	_ =	sfence.sel $0x180000  }
0x2ef: {  	[bflag:$0x0] =	sbarrier.arrive $0xFFFF  }
0x2f0: {  	p0 =	sne.s32 s0, $0x0;
	_ =	strace $0x90000047  }
0x2f1: {  	s0 =	sadd.s32 @!p0 $0x100000, s1;
	[bflag:$0x2] =	sbarrier.arrive $0xFFFF  }
0x2f2: {  	[sflag:s0] =	ssyncadd.tile.s32 @!p0 $0x1;
	_ =	shalt  }
.Lfunc_end2:
_tile_overlayer_lowered:
.L_overlay_start_2:
0x2f3: {  	(tag) =	ssettag $0x2  }
0x2f4: {  	s0 =	rddreg [dreg:$0x0];
	s2 =	stileid.u32  }
0x2f5: {  	s1 =	rddreg [dreg:$0x1];
	p0 =	sne.s32 s2, $0x0  }
0x2f6: {  	s3 =	rddreg [dreg:$0x2];
	[bflag:$0x3] =	sbarrier.arrive $0xFFFF;
	s2 =	simm.s32 @!p0 $0x1C03  }
0x2f7: {  	[timem:s3], [sflag:s2] =	dma.local @!p0 [hbm:s0], s1  }
0x2f8: {  	s0 =	simm.s32 @!p0 $0x3  }
0x2f9: {  	_ =	swait.ge @!p0 [sflag:s0], s1  }
0x2fa: {  	s1 =	ssub.s32 @!p0 $0x0, s1;
	[sflag:s0] =	ssyncset.done @!p0 $0x0  }
0x2fb: {  	[sflag:s0] =	ssyncadd.s32 @!p0 s1  }
0x2fc: {  	[bflag:$0x3] =	sbarrier.arrive $0xFFFF  }
0x2fd: {  	_ =	shalt  }

</sc_bundles>
